<compile_context>
chip_gen: v7x
topology: tpu7x:2x2x1
jax: 0.10.2.dev20260603
libtpu: 0.0.44.dev20260713+nightly
codegen_flags: <defaults>
</compile_context>

<pallas_src>
import functools

import jax
import jax.numpy as jnp
from jax import lax
from jax.experimental import pallas as pl
from jax.experimental.pallas import tpu as pltpu
from jax.experimental.pallas import tpu_sc as plsc

_ALPHA = 0.2
_FAN = 5
_NH = 4
_DH = 64
_DM = _NH * _DH
_NC = 2
_NS = 16
_L = 16



def _gather_body(table_hbm, inner_hbm, idx_hbm, out_hbm,
                 idx_v, cidx_v, rows_v, csem, sem, *, b_per_w, chunks):
    wid = lax.axis_index("s") * _NC + lax.axis_index("c")
    base = wid * b_per_w
    pltpu.sync_copy(idx_hbm.at[pl.ds(base, b_per_w)], idx_v)
    cdescs = []
    off = 0
    for sz in chunks:
        cdescs.append(pltpu.async_copy(
            inner_hbm.at[idx_v.at[pl.ds(off, sz)]],
            cidx_v.at[pl.ds(off, sz)], csem))
        off += sz
    rdescs = []
    off = 0
    for c, sz in enumerate(chunks):
        cdescs[c].wait()
        rdescs.append(pltpu.async_copy(
            table_hbm.at[cidx_v.at[pl.ds(off, sz)]],
            rows_v.at[pl.ds(off, sz)], sem))
        off += sz
    for d in rdescs:
        d.wait()
    pltpu.sync_copy(rows_v, out_hbm.at[pl.ds(base, b_per_w)])


def _sc_gather(table, inner, idx):
    _, d = table.shape
    b = idx.shape[0]
    nw = _NC * _NS
    assert b % (8 * nw) == 0, b
    b_per_w = b // nw
    chunks = []
    r = b_per_w
    while r > 0:
        c = min(128, r)
        chunks.append(c)
        r -= c
    body = functools.partial(_gather_body, b_per_w=b_per_w,
                             chunks=tuple(chunks))
    return pl.kernel(
        body,
        out_type=jax.ShapeDtypeStruct((b, d), table.dtype),
        mesh=plsc.VectorSubcoreMesh(core_axis_name="c", subcore_axis_name="s"),
        scratch_types=[
            pltpu.VMEM((b_per_w,), jnp.int32),
            pltpu.VMEM((b_per_w,), jnp.int32),
            pltpu.VMEM((b_per_w, d), table.dtype),
            pltpu.SemaphoreType.DMA,
            pltpu.SemaphoreType.DMA,
        ],
    )(table, inner, idx)



def _att_stage(gs, gt, cols, al_ref, ar_ref, p_ref):
    c = jnp.dot(gt.astype(jnp.bfloat16), al_ref[...],
                preferred_element_type=jnp.float32)
    es = []
    for k in range(_FAN):
        sk = jnp.dot(gs[k].astype(jnp.bfloat16), ar_ref[...],
                     preferred_element_type=jnp.float32)
        zk = c + sk
        es.append(jnp.where(zk >= 0, zk, _ALPHA * zk))
    m = es[0]
    for k in range(1, _FAN):
        m = jnp.maximum(m, es[k])
    ws = []
    for k in range(_FAN):
        colk = cols[:, k:k + 1]
        mult = jnp.zeros_like(colk, dtype=jnp.float32)
        for l in range(_FAN):
            mult += (cols[:, l:l + 1] == colk).astype(jnp.float32)
        ws.append(jnp.exp(es[k] - m) / mult)
    denom = ws[0]
    for k in range(1, _FAN):
        denom = denom + ws[k]
    inv = 1.0 / denom
    acc = jnp.zeros((gt.shape[0], _DM), jnp.float32)
    for k in range(_FAN):
        attk = ws[k] * inv
        wide = jnp.dot(attk.astype(jnp.bfloat16), p_ref[...],
                       preferred_element_type=jnp.float32)
        gk16 = gs[k].astype(jnp.bfloat16).astype(jnp.float32)
        acc = acc + wide * gk16
    return jnp.where(acc > 0, acc, jnp.exp(acc) - 1.0)


def _half_body(g0_ref, g1_ref, g2_ref, g3_ref, g4_ref, gt_ref, colsa_ref,
               w0_ref, al0_ref, ar0_ref, p_ref, w1_ref, o_ref):
    ga = []
    for ref in (g0_ref, g1_ref, g2_ref, g3_ref, g4_ref, gt_ref):
        ga.append(jnp.dot(ref[...], w0_ref[...],
                          preferred_element_type=jnp.float32))
    xa = _att_stage(ga[:_FAN], ga[_FAN], colsa_ref[...],
                    al0_ref, ar0_ref, p_ref)
    o_ref[...] = jnp.dot(
        xa, w1_ref[...],
        preferred_element_type=jnp.float32).astype(jnp.bfloat16)


def _tc_half(g, colsa, w0, al0, ar0, p, w1, nh):
    def stripe(k):
        return pl.BlockSpec((nh, _DM), lambda i, k=k: (k, 0))

    return pl.pallas_call(
        _half_body,
        grid=(1,),
        in_specs=[
            stripe(0), stripe(1), stripe(2), stripe(3), stripe(4), stripe(5),
            pl.BlockSpec((nh, _FAN), lambda i: (0, 0)),
            pl.BlockSpec((_DM, _DM), lambda i: (0, 0)),
            pl.BlockSpec((_DM, _NH), lambda i: (0, 0)),
            pl.BlockSpec((_DM, _NH), lambda i: (0, 0)),
            pl.BlockSpec((_NH, _DM), lambda i: (0, 0)),
            pl.BlockSpec((_DM, _DM), lambda i: (0, 0)),
        ],
        out_specs=pl.BlockSpec((nh, _DM), lambda i: (0, 0)),
        out_shape=jax.ShapeDtypeStruct((nh, _DM), jnp.bfloat16),
    )(g, g, g, g, g, g, colsa, w0, al0, ar0, p, w1)


def _final_body(g0_ref, g1_ref, g2_ref, g3_ref, g4_ref, gt_ref, colsa_ref,
                hb1_ref, colsb_ref, w0_ref, al0_ref, ar0_ref, al1_ref,
                ar1_ref, p_ref, w1_ref, wl_ref, bl_ref, o_ref, *, n1, n0, nh):
    ga = []
    for ref in (g0_ref, g1_ref, g2_ref, g3_ref, g4_ref, gt_ref):
        ga.append(jnp.dot(ref[...], w0_ref[...],
                          preferred_element_type=jnp.float32))
    xa = _att_stage(ga[:_FAN], ga[_FAN], colsa_ref[...],
                    al0_ref, ar0_ref, p_ref)
    hb2 = jnp.dot(xa, w1_ref[...],
                  preferred_element_type=jnp.float32).astype(jnp.bfloat16)
    hb1 = hb1_ref[...]
    colsb = colsb_ref[...]
    iota1 = lax.broadcasted_iota(jnp.int32, (n0, nh), 1)
    iota2 = iota1 + nh
    gb = []
    for k in range(_FAN + 1):
        ck = colsb[:, k:k + 1]
        sel1 = (iota1 == ck).astype(jnp.bfloat16)
        sel2 = (iota2 == ck).astype(jnp.bfloat16)
        gb.append(jnp.dot(sel1, hb1, preferred_element_type=jnp.float32)
                  + jnp.dot(sel2, hb2, preferred_element_type=jnp.float32))
    xb = _att_stage(gb[:_FAN], gb[_FAN], colsb[:, :_FAN],
                    al1_ref, ar1_ref, p_ref)
    y = jnp.dot(xb, wl_ref[...], preferred_element_type=jnp.float32)
    o_ref[...] = jnp.tanh(y + bl_ref[...])


def _tc_final(g, colsa, hb1, colsb, w0, al0, ar0, al1, ar1, p, w1, wl,
              blr, n1, n0, nh):
    def stripe(k):
        return pl.BlockSpec((nh, _DM), lambda i, k=k: (k, 0))

    return pl.pallas_call(
        functools.partial(_final_body, n1=n1, n0=n0, nh=nh),
        grid=(1,),
        in_specs=[
            stripe(0), stripe(1), stripe(2), stripe(3), stripe(4), stripe(5),
            pl.BlockSpec((nh, _FAN), lambda i: (0, 0)),
            pl.BlockSpec((nh, _DM), lambda i: (0, 0)),
            pl.BlockSpec((n0, _FAN + 1), lambda i: (0, 0)),
            pl.BlockSpec((_DM, _DM), lambda i: (0, 0)),
            pl.BlockSpec((_DM, _NH), lambda i: (0, 0)),
            pl.BlockSpec((_DM, _NH), lambda i: (0, 0)),
            pl.BlockSpec((_DM, _NH), lambda i: (0, 0)),
            pl.BlockSpec((_DM, _NH), lambda i: (0, 0)),
            pl.BlockSpec((_NH, _DM), lambda i: (0, 0)),
            pl.BlockSpec((_DM, _DM), lambda i: (0, 0)),
            pl.BlockSpec((_DM, _DM), lambda i: (0, 0)),
            pl.BlockSpec((1, _DM), lambda i: (0, 0)),
        ],
        out_specs=pl.BlockSpec((n0, _DM), lambda i: (0, 0)),
        out_shape=jax.ShapeDtypeStruct((n0, _DM), jnp.float32),
    )(g, g, g, g, g, g, colsa, hb1, colsb, w0, al0, ar0, al1, ar1, p,
      w1, wl, blr)



def kernel(feats, sample2_idx, adjA0, adjA1, tioA, adjB0, adjB1, tioB,
           W0, a0, W1, a1, Wl, bl):
    f32 = jnp.float32
    bf16 = jnp.bfloat16
    n1 = adjA1.shape[0] // _FAN
    n0 = adjB1.shape[0] // _FAN

    w0c = W0.transpose(1, 0, 2).reshape(_DM, _DM)
    w1c = W1.transpose(1, 0, 2).reshape(_DM, _DM)
    eye = jnp.eye(_NH, dtype=f32)[:, None, :]
    al0 = (eye * a0[:, :_DH, :]).reshape(_DM, _NH).astype(bf16)
    ar0 = (eye * a0[:, _DH:, :]).reshape(_DM, _NH).astype(bf16)
    al1 = (eye * a1[:, :_DH, :]).reshape(_DM, _NH).astype(bf16)
    ar1 = (eye * a1[:, _DH:, :]).reshape(_DM, _NH).astype(bf16)
    p = (jnp.arange(_DM)[None, :] // _DH
         == jnp.arange(_NH)[:, None]).astype(bf16)
    blr = bl.reshape(1, _DM)

    nh = n1 // 2
    colsA = adjA1.reshape(n1, _FAN)
    adjt = adjA0[::_FAN]
    colsA1, colsA2 = colsA[:nh], colsA[nh:]
    idxA1 = jnp.concatenate([colsA1.T.reshape(-1), adjt[:nh]])
    idxA2 = jnp.concatenate([colsA2.T.reshape(-1), adjt[nh:]])
    colsB = adjB1.reshape(n0, _FAN)
    colsB6 = jnp.concatenate([colsB, adjB0[::_FAN, None]], axis=1)

    ga1 = _sc_gather(feats, sample2_idx, idxA1)
    ga2 = _sc_gather(feats, sample2_idx, idxA2)
    hb1 = _tc_half(ga1, colsA1, w0c, al0, ar0, p, w1c, nh)
    return _tc_final(ga2, colsA2, hb1, colsB6, w0c, al0, ar0, al1, ar1,
                     p, w1c, Wl, blr, n1, n0, nh)

# --- scband reference (transcript-rebuilt; emitter-appended) ---
"""Pipeline reference for scband-homo-att-model-36550171689026 (READ-ONLY COPY).

The authoritative reference and input builder live on the scoring server;
editing this copy changes nothing except your own understanding.
"""

import jax, jax.numpy as jnp
import numpy as np

N_NODES = 50000
D_IN = 256
D_OUT = 64
NHEADS = 4
N0 = 512
N1 = 2304
N2 = 10240
FANOUT = 5
EA = N1 * FANOUT
EB = N0 * FANOUT
ALPHA = 0.2


def _xavier(key, shape):
    fan_in, fan_out = shape[-2], shape[-1]
    limit = 1.414 * (6.0 / (fan_in + fan_out)) ** 0.5
    return jax.random.uniform(key, shape, jnp.float32, -limit, limit)


def setup_inputs(seed: int = 0):
    key = jax.random.key(seed)
    ks = jax.random.split(key, 14)
    feats = jax.random.normal(ks[0], (N_NODES, D_IN), dtype=jnp.float32)
    sample2_idx = jax.random.randint(ks[1], (N2,), 0, N_NODES)
    tioA = jnp.repeat(jnp.arange(N1), FANOUT)
    adjA0 = jnp.repeat(jax.random.randint(ks[2], (N1,), 0, N2), FANOUT)
    adjA1 = jax.random.randint(ks[3], (EA,), 0, N2)
    tioB = jnp.repeat(jnp.arange(N0), FANOUT)
    adjB0 = jnp.repeat(jax.random.randint(ks[4], (N0,), 0, N1), FANOUT)
    adjB1 = jax.random.randint(ks[5], (EB,), 0, N1)
    W0 = _xavier(ks[6], (NHEADS, D_IN, D_OUT))
    a0 = _xavier(ks[7], (NHEADS, 2 * D_OUT, 1))
    W1 = _xavier(ks[8], (NHEADS, D_OUT * NHEADS, D_OUT))
    a1 = _xavier(ks[9], (NHEADS, 2 * D_OUT, 1))
    lim = 1.0 / (D_OUT * NHEADS) ** 0.5
    Wl = jax.random.uniform(ks[10], (D_OUT * NHEADS, D_OUT * NHEADS), jnp.float32, -lim, lim)
    bl = jax.random.uniform(ks[11], (D_OUT * NHEADS,), jnp.float32, -lim, lim)
    return {"feats": feats, "sample2_idx": sample2_idx, "adjA0": adjA0, "adjA1": adjA1,
            "tioA": tioA, "adjB0": adjB0, "adjB1": adjB1, "tioB": tioB,
            "W0": W0, "a0": a0, "W1": W1, "a1": a1, "Wl": Wl, "bl": bl}


def _att_layer(x, W, a, adj0, adj1, tio, tlen, nlen):
    # HomoAttLayer.forward (eval mode: dropout is identity)
    h = x @ W
    compare = jnp.concatenate([h[adj0], h[adj1]], axis=1)
    e = jax.nn.leaky_relu(compare @ a, negative_slope=ALPHA)[:, 0]
    att = jnp.full((tlen, nlen), -9000000000000000.0, dtype=jnp.float32)
    att = att.at[tio, adj1].set(e)
    att = jax.nn.softmax(att, axis=1)
    return jax.nn.elu(att @ h)


def reference(feats, sample2_idx, adjA0, adjA1, tioA, adjB0, adjB1, tioB, W0, a0, W1, a1, Wl, bl):
    x = feats[sample2_idx]
    x = jnp.concatenate([_att_layer(x, W0[j], a0[j], adjA0, adjA1, tioA, N1, N2) for j in range(NHEADS)], axis=1)
    x = jnp.concatenate([_att_layer(x, W1[j], a1[j], adjB0, adjB1, tioB, N0, N1) for j in range(NHEADS)], axis=1)
    return jnp.tanh(x @ Wl + bl)

if __name__ == "__main__":
    import jax
    _d = setup_inputs()
    print(jax.jit(kernel)(*tuple(_d.values())))

</pallas_src>

<mosaic_0001>
#map = affine_map<(d0, d1) -> (0, 0)>
#map1 = affine_map<(d0, d1) -> (0)>
module attributes {stable_mosaic.version = 14 : i64} {
  func.func @_gather_body(%arg0: i32, %arg1: i32, %arg2: memref<50000x256xf32, #tpu.memory_space<hbm>>, %arg3: memref<10240xi32, #tpu.memory_space<hbm>>, %arg4: memref<6912xi32, #tpu.memory_space<hbm>>, %arg5: memref<6912x256xf32, #tpu.memory_space<hbm>>, %arg6: memref<216xi32, #tpu.memory_space<vmem>>, %arg7: memref<216xi32, #tpu.memory_space<vmem>>, %arg8: memref<216x256xf32, #tpu.memory_space<vmem>>, %arg9: memref<!tpu.dma_semaphore, #tpu.memory_space<semaphore_mem>>, %arg10: memref<!tpu.dma_semaphore, #tpu.memory_space<semaphore_mem>>) attributes {dimension_semantics = [#tpu.dimension_semantics<core_parallel>, #tpu.dimension_semantics<subcore_parallel>], iteration_bounds = array<i64: 2, 16>, scalar_prefetch = 0 : i64, scratch_operands = 5 : i64, tpu.core_type = #tpu.core_type<sc_vector_subcore>, window_params = [{transform_indices = #map}, {transform_indices = #map1}, {transform_indices = #map1}, {transform_indices = #map}]} {
    %mul3A = arith.constant 2 : i32
    %mul3A_0 = arith.muli %arg1, %mul3A : i32
    %add3A = arith.addi %mul3A_0, %arg0 : i32
    %mul3A_1 = arith.constant 216 : i32
    %mul3A_2 = arith.muli %add3A, %mul3A_1 : i32
    "tpu.region"() ({
      %run_scoped3A = tpu.sem_alloc : memref<!tpu.dma_semaphore, #tpu.memory_space<semaphore_mem>>
      %dma_start3A_57 = tpu.memref_slice %arg4[%mul3A_2] : memref<6912xi32, #tpu.memory_space<hbm>> -> memref<216xi32, #tpu.memory_space<hbm>>
      %dma_start3A_58 = tpu.memref_slice %arg4[%mul3A_2] : memref<6912xi32, #tpu.memory_space<hbm>> -> memref<216xi32, #tpu.memory_space<hbm>>
      tpu.enqueue_dma source(%dma_start3A_58 : memref<216xi32, #tpu.memory_space<hbm>>) target(%arg6 : memref<216xi32, #tpu.memory_space<vmem>>) target_semaphore(%run_scoped3A : memref<!tpu.dma_semaphore, #tpu.memory_space<semaphore_mem>>)
      %dma_wait3A_59 = tpu.memref_slice %arg4[%mul3A_2] : memref<6912xi32, #tpu.memory_space<hbm>> -> memref<216xi32, #tpu.memory_space<hbm>>
      %dma_wait3A_60 = tpu.memref_slice %arg4[%mul3A_2] : memref<6912xi32, #tpu.memory_space<hbm>> -> memref<216xi32, #tpu.memory_space<hbm>>
      tpu.wait_dma2 semaphore(%run_scoped3A : memref<!tpu.dma_semaphore, #tpu.memory_space<semaphore_mem>>) src(%dma_wait3A_60 : memref<216xi32, #tpu.memory_space<hbm>>) dst(%arg6 : memref<216xi32, #tpu.memory_space<vmem>>)
      tpu.yield
    }) : () -> ()
    %dma_start3A = arith.constant 0 : i32
    %dma_start3A_3 = tpu.memref_slice %arg7[%dma_start3A] : memref<216xi32, #tpu.memory_space<vmem>> -> memref<128xi32, #tpu.memory_space<vmem>>
    %dma_start3A_4 = arith.constant 0 : i32
    %dma_start3A_5 = tpu.memref_slice %arg6[%dma_start3A_4] : memref<216xi32, #tpu.memory_space<vmem>> -> memref<128xi32, #tpu.memory_space<vmem>>
    %dma_start3A_6 = arith.constant 0 : i32
    %dma_start3A_7 = tpu.memref_slice %arg3[%dma_start3A_6] : memref<10240xi32, #tpu.memory_space<hbm>> -> memref<10240xi32, #tpu.memory_space<hbm>>
    tpu.enqueue_indirect_dma source(%dma_start3A_7 : memref<10240xi32, #tpu.memory_space<hbm>>) target(%dma_start3A_3 : memref<128xi32, #tpu.memory_space<vmem>>) offsets(%dma_start3A_5 : memref<128xi32, #tpu.memory_space<vmem>>) semaphore(%arg9 : memref<!tpu.dma_semaphore, #tpu.memory_space<semaphore_mem>>)
    %dma_start3A_8 = arith.constant 128 : i32
    %dma_start3A_9 = tpu.memref_slice %arg7[%dma_start3A_8] : memref<216xi32, #tpu.memory_space<vmem>> -> memref<88xi32, #tpu.memory_space<vmem>>
    %dma_start3A_10 = arith.constant 128 : i32
    %dma_start3A_11 = tpu.memref_slice %arg6[%dma_start3A_10] : memref<216xi32, #tpu.memory_space<vmem>> -> memref<88xi32, #tpu.memory_space<vmem>>
    %dma_start3A_12 = arith.constant 0 : i32
    %dma_start3A_13 = tpu.memref_slice %arg3[%dma_start3A_12] : memref<10240xi32, #tpu.memory_space<hbm>> -> memref<10240xi32, #tpu.memory_space<hbm>>
    tpu.enqueue_indirect_dma source(%dma_start3A_13 : memref<10240xi32, #tpu.memory_space<hbm>>) target(%dma_start3A_9 : memref<88xi32, #tpu.memory_space<vmem>>) offsets(%dma_start3A_11 : memref<88xi32, #tpu.memory_space<vmem>>) semaphore(%arg9 : memref<!tpu.dma_semaphore, #tpu.memory_space<semaphore_mem>>)
    %dma_wait3A = arith.constant 0 : i32
    %dma_wait3A_14 = tpu.memref_slice %arg7[%dma_wait3A] : memref<216xi32, #tpu.memory_space<vmem>> -> memref<128xi32, #tpu.memory_space<vmem>>
    %dma_wait3A_15 = arith.constant 0 : i32
    %dma_wait3A_16 = tpu.memref_slice %arg6[%dma_wait3A_15] : memref<216xi32, #tpu.memory_space<vmem>> -> memref<128xi32, #tpu.memory_space<vmem>>
    %dma_wait3A_17 = arith.constant 0 : i32
    %dma_wait3A_18 = tpu.memref_slice %arg3[%dma_wait3A_17] : memref<10240xi32, #tpu.memory_space<hbm>> -> memref<10240xi32, #tpu.memory_space<hbm>>
    tpu.wait_indirect_dma semaphore(%arg9 : memref<!tpu.dma_semaphore, #tpu.memory_space<semaphore_mem>>) src(%dma_wait3A_18 : memref<10240xi32, #tpu.memory_space<hbm>>) dst(%dma_wait3A_14 : memref<128xi32, #tpu.memory_space<vmem>>)
    %dma_start3A_19 = arith.constant 0 : i32
    %dma_start3A_20 = arith.constant 0 : i32
    %dma_start3A_21 = tpu.memref_slice %arg8[%dma_start3A_19, %dma_start3A_20] : memref<216x256xf32, #tpu.memory_space<vmem>> -> memref<128x256xf32, #tpu.memory_space<vmem>>
    %dma_start3A_22 = arith.constant 0 : i32
    %dma_start3A_23 = tpu.memref_slice %arg7[%dma_start3A_22] : memref<216xi32, #tpu.memory_space<vmem>> -> memref<128xi32, #tpu.memory_space<vmem>>
    %dma_start3A_24 = arith.constant 0 : i32
    %dma_start3A_25 = arith.constant 0 : i32
    %dma_start3A_26 = tpu.memref_slice %arg2[%dma_start3A_24, %dma_start3A_25] : memref<50000x256xf32, #tpu.memory_space<hbm>> -> memref<50000x256xf32, #tpu.memory_space<hbm>>
    tpu.enqueue_indirect_dma source(%dma_start3A_26 : memref<50000x256xf32, #tpu.memory_space<hbm>>) target(%dma_start3A_21 : memref<128x256xf32, #tpu.memory_space<vmem>>) offsets(%dma_start3A_23 : memref<128xi32, #tpu.memory_space<vmem>>) semaphore(%arg10 : memref<!tpu.dma_semaphore, #tpu.memory_space<semaphore_mem>>)
    %dma_wait3A_27 = arith.constant 128 : i32
    %dma_wait3A_28 = tpu.memref_slice %arg7[%dma_wait3A_27] : memref<216xi32, #tpu.memory_space<vmem>> -> memref<88xi32, #tpu.memory_space<vmem>>
    %dma_wait3A_29 = arith.constant 128 : i32
    %dma_wait3A_30 = tpu.memref_slice %arg6[%dma_wait3A_29] : memref<216xi32, #tpu.memory_space<vmem>> -> memref<88xi32, #tpu.memory_space<vmem>>
    %dma_wait3A_31 = arith.constant 0 : i32
    %dma_wait3A_32 = tpu.memref_slice %arg3[%dma_wait3A_31] : memref<10240xi32, #tpu.memory_space<hbm>> -> memref<10240xi32, #tpu.memory_space<hbm>>
    tpu.wait_indirect_dma semaphore(%arg9 : memref<!tpu.dma_semaphore, #tpu.memory_space<semaphore_mem>>) src(%dma_wait3A_32 : memref<10240xi32, #tpu.memory_space<hbm>>) dst(%dma_wait3A_28 : memref<88xi32, #tpu.memory_space<vmem>>)
    %dma_start3A_33 = arith.constant 128 : i32
    %dma_start3A_34 = arith.constant 0 : i32
    %dma_start3A_35 = tpu.memref_slice %arg8[%dma_start3A_33, %dma_start3A_34] : memref<216x256xf32, #tpu.memory_space<vmem>> -> memref<88x256xf32, #tpu.memory_space<vmem>>
    %dma_start3A_36 = arith.constant 128 : i32
    %dma_start3A_37 = tpu.memref_slice %arg7[%dma_start3A_36] : memref<216xi32, #tpu.memory_space<vmem>> -> memref<88xi32, #tpu.memory_space<vmem>>
    %dma_start3A_38 = arith.constant 0 : i32
    %dma_start3A_39 = arith.constant 0 : i32
    %dma_start3A_40 = tpu.memref_slice %arg2[%dma_start3A_38, %dma_start3A_39] : memref<50000x256xf32, #tpu.memory_space<hbm>> -> memref<50000x256xf32, #tpu.memory_space<hbm>>
    tpu.enqueue_indirect_dma source(%dma_start3A_40 : memref<50000x256xf32, #tpu.memory_space<hbm>>) target(%dma_start3A_35 : memref<88x256xf32, #tpu.memory_space<vmem>>) offsets(%dma_start3A_37 : memref<88xi32, #tpu.memory_space<vmem>>) semaphore(%arg10 : memref<!tpu.dma_semaphore, #tpu.memory_space<semaphore_mem>>)
    %dma_wait3A_41 = arith.constant 0 : i32
    %dma_wait3A_42 = arith.constant 0 : i32
    %dma_wait3A_43 = tpu.memref_slice %arg8[%dma_wait3A_41, %dma_wait3A_42] : memref<216x256xf32, #tpu.memory_space<vmem>> -> memref<128x256xf32, #tpu.memory_space<vmem>>
    %dma_wait3A_44 = arith.constant 0 : i32
    %dma_wait3A_45 = tpu.memref_slice %arg7[%dma_wait3A_44] : memref<216xi32, #tpu.memory_space<vmem>> -> memref<128xi32, #tpu.memory_space<vmem>>
    %dma_wait3A_46 = arith.constant 0 : i32
    %dma_wait3A_47 = arith.constant 0 : i32
    %dma_wait3A_48 = tpu.memref_slice %arg2[%dma_wait3A_46, %dma_wait3A_47] : memref<50000x256xf32, #tpu.memory_space<hbm>> -> memref<50000x256xf32, #tpu.memory_space<hbm>>
    tpu.wait_indirect_dma semaphore(%arg10 : memref<!tpu.dma_semaphore, #tpu.memory_space<semaphore_mem>>) src(%dma_wait3A_48 : memref<50000x256xf32, #tpu.memory_space<hbm>>) dst(%dma_wait3A_43 : memref<128x256xf32, #tpu.memory_space<vmem>>)
    %dma_wait3A_49 = arith.constant 128 : i32
    %dma_wait3A_50 = arith.constant 0 : i32
    %dma_wait3A_51 = tpu.memref_slice %arg8[%dma_wait3A_49, %dma_wait3A_50] : memref<216x256xf32, #tpu.memory_space<vmem>> -> memref<88x256xf32, #tpu.memory_space<vmem>>
    %dma_wait3A_52 = arith.constant 128 : i32
    %dma_wait3A_53 = tpu.memref_slice %arg7[%dma_wait3A_52] : memref<216xi32, #tpu.memory_space<vmem>> -> memref<88xi32, #tpu.memory_space<vmem>>
    %dma_wait3A_54 = arith.constant 0 : i32
    %dma_wait3A_55 = arith.constant 0 : i32
    %dma_wait3A_56 = tpu.memref_slice %arg2[%dma_wait3A_54, %dma_wait3A_55] : memref<50000x256xf32, #tpu.memory_space<hbm>> -> memref<50000x256xf32, #tpu.memory_space<hbm>>
    tpu.wait_indirect_dma semaphore(%arg10 : memref<!tpu.dma_semaphore, #tpu.memory_space<semaphore_mem>>) src(%dma_wait3A_56 : memref<50000x256xf32, #tpu.memory_space<hbm>>) dst(%dma_wait3A_51 : memref<88x256xf32, #tpu.memory_space<vmem>>)
    "tpu.region"() ({
      %run_scoped3A = tpu.sem_alloc : memref<!tpu.dma_semaphore, #tpu.memory_space<semaphore_mem>>
      %dma_start3A_57 = arith.constant 0 : i32
      %dma_start3A_58 = tpu.memref_slice %arg5[%mul3A_2, %dma_start3A_57] : memref<6912x256xf32, #tpu.memory_space<hbm>> -> memref<216x256xf32, #tpu.memory_space<hbm>>
      %dma_start3A_59 = arith.constant 0 : i32
      %dma_start3A_60 = tpu.memref_slice %arg5[%mul3A_2, %dma_start3A_59] : memref<6912x256xf32, #tpu.memory_space<hbm>> -> memref<216x256xf32, #tpu.memory_space<hbm>>
      tpu.enqueue_dma source(%arg8 : memref<216x256xf32, #tpu.memory_space<vmem>>) target(%dma_start3A_60 : memref<216x256xf32, #tpu.memory_space<hbm>>) target_semaphore(%run_scoped3A : memref<!tpu.dma_semaphore, #tpu.memory_space<semaphore_mem>>)
      %dma_wait3A_61 = arith.constant 0 : i32
      %dma_wait3A_62 = tpu.memref_slice %arg5[%mul3A_2, %dma_wait3A_61] : memref<6912x256xf32, #tpu.memory_space<hbm>> -> memref<216x256xf32, #tpu.memory_space<hbm>>
      %dma_wait3A_63 = arith.constant 0 : i32
      %dma_wait3A_64 = tpu.memref_slice %arg5[%mul3A_2, %dma_wait3A_63] : memref<6912x256xf32, #tpu.memory_space<hbm>> -> memref<216x256xf32, #tpu.memory_space<hbm>>
      tpu.wait_dma2 semaphore(%run_scoped3A : memref<!tpu.dma_semaphore, #tpu.memory_space<semaphore_mem>>) src(%arg8 : memref<216x256xf32, #tpu.memory_space<vmem>>) dst(%dma_wait3A_64 : memref<216x256xf32, #tpu.memory_space<hbm>>)
      tpu.yield
    }) : () -> ()
    return
  }
}

#map = affine_map<(d0, d1) -> (0, 0)>
#map1 = affine_map<(d0, d1) -> (0)>
module attributes {stable_mosaic.version = 14 : i64} {
  func.func @_gather_body(%arg0: i32, %arg1: i32, %arg2: memref<50000x256xf32, #tpu.memory_space<hbm>>, %arg3: memref<10240xi32, #tpu.memory_space<hbm>>, %arg4: memref<6912xi32, #tpu.memory_space<hbm>>, %arg5: memref<6912x256xf32, #tpu.memory_space<hbm>>, %arg6: memref<216xi32, #tpu.memory_space<vmem>>, %arg7: memref<216xi32, #tpu.memory_space<vmem>>, %arg8: memref<216x256xf32, #tpu.memory_space<vmem>>, %arg9: memref<!tpu.dma_semaphore, #tpu.memory_space<semaphore_mem>>, %arg10: memref<!tpu.dma_semaphore, #tpu.memory_space<semaphore_mem>>) attributes {dimension_semantics = [#tpu.dimension_semantics<core_parallel>, #tpu.dimension_semantics<subcore_parallel>], iteration_bounds = array<i64: 2, 16>, scalar_prefetch = 0 : i64, scratch_operands = 5 : i64, tpu.core_type = #tpu.core_type<sc_vector_subcore>, window_params = [{transform_indices = #map}, {transform_indices = #map1}, {transform_indices = #map1}, {transform_indices = #map}]} {
    %mul3A = arith.constant 2 : i32
    %mul3A_0 = arith.muli %arg1, %mul3A : i32
    %add3A = arith.addi %mul3A_0, %arg0 : i32
    %mul3A_1 = arith.constant 216 : i32
    %mul3A_2 = arith.muli %add3A, %mul3A_1 : i32
    "tpu.region"() ({
      %run_scoped3A = tpu.sem_alloc : memref<!tpu.dma_semaphore, #tpu.memory_space<semaphore_mem>>
      %dma_start3A_57 = tpu.memref_slice %arg4[%mul3A_2] : memref<6912xi32, #tpu.memory_space<hbm>> -> memref<216xi32, #tpu.memory_space<hbm>>
      %dma_start3A_58 = tpu.memref_slice %arg4[%mul3A_2] : memref<6912xi32, #tpu.memory_space<hbm>> -> memref<216xi32, #tpu.memory_space<hbm>>
      tpu.enqueue_dma source(%dma_start3A_58 : memref<216xi32, #tpu.memory_space<hbm>>) target(%arg6 : memref<216xi32, #tpu.memory_space<vmem>>) target_semaphore(%run_scoped3A : memref<!tpu.dma_semaphore, #tpu.memory_space<semaphore_mem>>)
      %dma_wait3A_59 = tpu.memref_slice %arg4[%mul3A_2] : memref<6912xi32, #tpu.memory_space<hbm>> -> memref<216xi32, #tpu.memory_space<hbm>>
      %dma_wait3A_60 = tpu.memref_slice %arg4[%mul3A_2] : memref<6912xi32, #tpu.memory_space<hbm>> -> memref<216xi32, #tpu.memory_space<hbm>>
      tpu.wait_dma2 semaphore(%run_scoped3A : memref<!tpu.dma_semaphore, #tpu.memory_space<semaphore_mem>>) src(%dma_wait3A_60 : memref<216xi32, #tpu.memory_space<hbm>>) dst(%arg6 : memref<216xi32, #tpu.memory_space<vmem>>)
      tpu.yield
    }) : () -> ()
    %dma_start3A = arith.constant 0 : i32
    %dma_start3A_3 = tpu.memref_slice %arg7[%dma_start3A] : memref<216xi32, #tpu.memory_space<vmem>> -> memref<128xi32, #tpu.memory_space<vmem>>
    %dma_start3A_4 = arith.constant 0 : i32
    %dma_start3A_5 = tpu.memref_slice %arg6[%dma_start3A_4] : memref<216xi32, #tpu.memory_space<vmem>> -> memref<128xi32, #tpu.memory_space<vmem>>
    %dma_start3A_6 = arith.constant 0 : i32
    %dma_start3A_7 = tpu.memref_slice %arg3[%dma_start3A_6] : memref<10240xi32, #tpu.memory_space<hbm>> -> memref<10240xi32, #tpu.memory_space<hbm>>
    tpu.enqueue_indirect_dma source(%dma_start3A_7 : memref<10240xi32, #tpu.memory_space<hbm>>) target(%dma_start3A_3 : memref<128xi32, #tpu.memory_space<vmem>>) offsets(%dma_start3A_5 : memref<128xi32, #tpu.memory_space<vmem>>) semaphore(%arg9 : memref<!tpu.dma_semaphore, #tpu.memory_space<semaphore_mem>>)
    %dma_start3A_8 = arith.constant 128 : i32
    %dma_start3A_9 = tpu.memref_slice %arg7[%dma_start3A_8] : memref<216xi32, #tpu.memory_space<vmem>> -> memref<88xi32, #tpu.memory_space<vmem>>
    %dma_start3A_10 = arith.constant 128 : i32
    %dma_start3A_11 = tpu.memref_slice %arg6[%dma_start3A_10] : memref<216xi32, #tpu.memory_space<vmem>> -> memref<88xi32, #tpu.memory_space<vmem>>
    %dma_start3A_12 = arith.constant 0 : i32
    %dma_start3A_13 = tpu.memref_slice %arg3[%dma_start3A_12] : memref<10240xi32, #tpu.memory_space<hbm>> -> memref<10240xi32, #tpu.memory_space<hbm>>
    tpu.enqueue_indirect_dma source(%dma_start3A_13 : memref<10240xi32, #tpu.memory_space<hbm>>) target(%dma_start3A_9 : memref<88xi32, #tpu.memory_space<vmem>>) offsets(%dma_start3A_11 : memref<88xi32, #tpu.memory_space<vmem>>) semaphore(%arg9 : memref<!tpu.dma_semaphore, #tpu.memory_space<semaphore_mem>>)
    %dma_wait3A = arith.constant 0 : i32
    %dma_wait3A_14 = tpu.memref_slice %arg7[%dma_wait3A] : memref<216xi32, #tpu.memory_space<vmem>> -> memref<128xi32, #tpu.memory_space<vmem>>
    %dma_wait3A_15 = arith.constant 0 : i32
    %dma_wait3A_16 = tpu.memref_slice %arg6[%dma_wait3A_15] : memref<216xi32, #tpu.memory_space<vmem>> -> memref<128xi32, #tpu.memory_space<vmem>>
    %dma_wait3A_17 = arith.constant 0 : i32
    %dma_wait3A_18 = tpu.memref_slice %arg3[%dma_wait3A_17] : memref<10240xi32, #tpu.memory_space<hbm>> -> memref<10240xi32, #tpu.memory_space<hbm>>
    tpu.wait_indirect_dma semaphore(%arg9 : memref<!tpu.dma_semaphore, #tpu.memory_space<semaphore_mem>>) src(%dma_wait3A_18 : memref<10240xi32, #tpu.memory_space<hbm>>) dst(%dma_wait3A_14 : memref<128xi32, #tpu.memory_space<vmem>>)
    %dma_start3A_19 = arith.constant 0 : i32
    %dma_start3A_20 = arith.constant 0 : i32
    %dma_start3A_21 = tpu.memref_slice %arg8[%dma_start3A_19, %dma_start3A_20] : memref<216x256xf32, #tpu.memory_space<vmem>> -> memref<128x256xf32, #tpu.memory_space<vmem>>
    %dma_start3A_22 = arith.constant 0 : i32
    %dma_start3A_23 = tpu.memref_slice %arg7[%dma_start3A_22] : memref<216xi32, #tpu.memory_space<vmem>> -> memref<128xi32, #tpu.memory_space<vmem>>
    %dma_start3A_24 = arith.constant 0 : i32
    %dma_start3A_25 = arith.constant 0 : i32
    %dma_start3A_26 = tpu.memref_slice %arg2[%dma_start3A_24, %dma_start3A_25] : memref<50000x256xf32, #tpu.memory_space<hbm>> -> memref<50000x256xf32, #tpu.memory_space<hbm>>
    tpu.enqueue_indirect_dma source(%dma_start3A_26 : memref<50000x256xf32, #tpu.memory_space<hbm>>) target(%dma_start3A_21 : memref<128x256xf32, #tpu.memory_space<vmem>>) offsets(%dma_start3A_23 : memref<128xi32, #tpu.memory_space<vmem>>) semaphore(%arg10 : memref<!tpu.dma_semaphore, #tpu.memory_space<semaphore_mem>>)
    %dma_wait3A_27 = arith.constant 128 : i32
    %dma_wait3A_28 = tpu.memref_slice %arg7[%dma_wait3A_27] : memref<216xi32, #tpu.memory_space<vmem>> -> memref<88xi32, #tpu.memory_space<vmem>>
    %dma_wait3A_29 = arith.constant 128 : i32
    %dma_wait3A_30 = tpu.memref_slice %arg6[%dma_wait3A_29] : memref<216xi32, #tpu.memory_space<vmem>> -> memref<88xi32, #tpu.memory_space<vmem>>
    %dma_wait3A_31 = arith.constant 0 : i32
    %dma_wait3A_32 = tpu.memref_slice %arg3[%dma_wait3A_31] : memref<10240xi32, #tpu.memory_space<hbm>> -> memref<10240xi32, #tpu.memory_space<hbm>>
    tpu.wait_indirect_dma semaphore(%arg9 : memref<!tpu.dma_semaphore, #tpu.memory_space<semaphore_mem>>) src(%dma_wait3A_32 : memref<10240xi32, #tpu.memory_space<hbm>>) dst(%dma_wait3A_28 : memref<88xi32, #tpu.memory_space<vmem>>)
    %dma_start3A_33 = arith.constant 128 : i32
    %dma_start3A_34 = arith.constant 0 : i32
    %dma_start3A_35 = tpu.memref_slice %arg8[%dma_start3A_33, %dma_start3A_34] : memref<216x256xf32, #tpu.memory_space<vmem>> -> memref<88x256xf32, #tpu.memory_space<vmem>>
    %dma_start3A_36 = arith.constant 128 : i32
    %dma_start3A_37 = tpu.memref_slice %arg7[%dma_start3A_36] : memref<216xi32, #tpu.memory_space<vmem>> -> memref<88xi32, #tpu.memory_space<vmem>>
    %dma_start3A_38 = arith.constant 0 : i32
    %dma_start3A_39 = arith.constant 0 : i32
    %dma_start3A_40 = tpu.memref_slice %arg2[%dma_start3A_38, %dma_start3A_39] : memref<50000x256xf32, #tpu.memory_space<hbm>> -> memref<50000x256xf32, #tpu.memory_space<hbm>>
    tpu.enqueue_indirect_dma source(%dma_start3A_40 : memref<50000x256xf32, #tpu.memory_space<hbm>>) target(%dma_start3A_35 : memref<88x256xf32, #tpu.memory_space<vmem>>) offsets(%dma_start3A_37 : memref<88xi32, #tpu.memory_space<vmem>>) semaphore(%arg10 : memref<!tpu.dma_semaphore, #tpu.memory_space<semaphore_mem>>)
    %dma_wait3A_41 = arith.constant 0 : i32
    %dma_wait3A_42 = arith.constant 0 : i32
    %dma_wait3A_43 = tpu.memref_slice %arg8[%dma_wait3A_41, %dma_wait3A_42] : memref<216x256xf32, #tpu.memory_space<vmem>> -> memref<128x256xf32, #tpu.memory_space<vmem>>
    %dma_wait3A_44 = arith.constant 0 : i32
    %dma_wait3A_45 = tpu.memref_slice %arg7[%dma_wait3A_44] : memref<216xi32, #tpu.memory_space<vmem>> -> memref<128xi32, #tpu.memory_space<vmem>>
    %dma_wait3A_46 = arith.constant 0 : i32
    %dma_wait3A_47 = arith.constant 0 : i32
    %dma_wait3A_48 = tpu.memref_slice %arg2[%dma_wait3A_46, %dma_wait3A_47] : memref<50000x256xf32, #tpu.memory_space<hbm>> -> memref<50000x256xf32, #tpu.memory_space<hbm>>
    tpu.wait_indirect_dma semaphore(%arg10 : memref<!tpu.dma_semaphore, #tpu.memory_space<semaphore_mem>>) src(%dma_wait3A_48 : memref<50000x256xf32, #tpu.memory_space<hbm>>) dst(%dma_wait3A_43 : memref<128x256xf32, #tpu.memory_space<vmem>>)
    %dma_wait3A_49 = arith.constant 128 : i32
    %dma_wait3A_50 = arith.constant 0 : i32
    %dma_wait3A_51 = tpu.memref_slice %arg8[%dma_wait3A_49, %dma_wait3A_50] : memref<216x256xf32, #tpu.memory_space<vmem>> -> memref<88x256xf32, #tpu.memory_space<vmem>>
    %dma_wait3A_52 = arith.constant 128 : i32
    %dma_wait3A_53 = tpu.memref_slice %arg7[%dma_wait3A_52] : memref<216xi32, #tpu.memory_space<vmem>> -> memref<88xi32, #tpu.memory_space<vmem>>
    %dma_wait3A_54 = arith.constant 0 : i32
    %dma_wait3A_55 = arith.constant 0 : i32
    %dma_wait3A_56 = tpu.memref_slice %arg2[%dma_wait3A_54, %dma_wait3A_55] : memref<50000x256xf32, #tpu.memory_space<hbm>> -> memref<50000x256xf32, #tpu.memory_space<hbm>>
    tpu.wait_indirect_dma semaphore(%arg10 : memref<!tpu.dma_semaphore, #tpu.memory_space<semaphore_mem>>) src(%dma_wait3A_56 : memref<50000x256xf32, #tpu.memory_space<hbm>>) dst(%dma_wait3A_51 : memref<88x256xf32, #tpu.memory_space<vmem>>)
    "tpu.region"() ({
      %run_scoped3A = tpu.sem_alloc : memref<!tpu.dma_semaphore, #tpu.memory_space<semaphore_mem>>
      %dma_start3A_57 = arith.constant 0 : i32
      %dma_start3A_58 = tpu.memref_slice %arg5[%mul3A_2, %dma_start3A_57] : memref<6912x256xf32, #tpu.memory_space<hbm>> -> memref<216x256xf32, #tpu.memory_space<hbm>>
      %dma_start3A_59 = arith.constant 0 : i32
      %dma_start3A_60 = tpu.memref_slice %arg5[%mul3A_2, %dma_start3A_59] : memref<6912x256xf32, #tpu.memory_space<hbm>> -> memref<216x256xf32, #tpu.memory_space<hbm>>
      tpu.enqueue_dma source(%arg8 : memref<216x256xf32, #tpu.memory_space<vmem>>) target(%dma_start3A_60 : memref<216x256xf32, #tpu.memory_space<hbm>>) target_semaphore(%run_scoped3A : memref<!tpu.dma_semaphore, #tpu.memory_space<semaphore_mem>>)
      %dma_wait3A_61 = arith.constant 0 : i32
      %dma_wait3A_62 = tpu.memref_slice %arg5[%mul3A_2, %dma_wait3A_61] : memref<6912x256xf32, #tpu.memory_space<hbm>> -> memref<216x256xf32, #tpu.memory_space<hbm>>
      %dma_wait3A_63 = arith.constant 0 : i32
      %dma_wait3A_64 = tpu.memref_slice %arg5[%mul3A_2, %dma_wait3A_63] : memref<6912x256xf32, #tpu.memory_space<hbm>> -> memref<216x256xf32, #tpu.memory_space<hbm>>
      tpu.wait_dma2 semaphore(%run_scoped3A : memref<!tpu.dma_semaphore, #tpu.memory_space<semaphore_mem>>) src(%arg8 : memref<216x256xf32, #tpu.memory_space<vmem>>) dst(%dma_wait3A_64 : memref<216x256xf32, #tpu.memory_space<hbm>>)
      tpu.yield
    }) : () -> ()
    return
  }
}

module attributes {stable_mosaic.version = 14 : i64} {
  func.func @_half_body(%arg0: i32, %arg1: memref<1152x256xf32, #tpu.memory_space<vmem>>, %arg2: memref<1152x256xf32, #tpu.memory_space<vmem>>, %arg3: memref<1152x256xf32, #tpu.memory_space<vmem>>, %arg4: memref<1152x256xf32, #tpu.memory_space<vmem>>, %arg5: memref<1152x256xf32, #tpu.memory_space<vmem>>, %arg6: memref<1152x256xf32, #tpu.memory_space<vmem>>, %arg7: memref<1152x5xi32, #tpu.memory_space<vmem>>, %arg8: memref<256x256xf32, #tpu.memory_space<vmem>>, %arg9: memref<256x4xbf16, #tpu.memory_space<vmem>>, %arg10: memref<256x4xbf16, #tpu.memory_space<vmem>>, %arg11: memref<4x256xbf16, #tpu.memory_space<vmem>>, %arg12: memref<256x256xf32, #tpu.memory_space<vmem>>, %arg13: memref<1152x256xbf16, #tpu.memory_space<vmem>>) attributes {dimension_semantics = [#tpu.dimension_semantics<arbitrary>], iteration_bounds = array<i64: 1>, scalar_prefetch = 0 : i64, scratch_operands = 0 : i64, tpu.core_type = #tpu.core_type<tc>, window_params = [{transform_indices = @transform_0, window_bounds = array<i64: 1152, 256>}, {transform_indices = @transform_1, window_bounds = array<i64: 1152, 256>}, {transform_indices = @transform_2, window_bounds = array<i64: 1152, 256>}, {transform_indices = @transform_3, window_bounds = array<i64: 1152, 256>}, {transform_indices = @transform_4, window_bounds = array<i64: 1152, 256>}, {transform_indices = @transform_5, window_bounds = array<i64: 1152, 256>}, {pipeline_mode = #tpu.pipeline_mode<synchronous>, transform_indices = @transform_6, window_bounds = array<i64: 1152, 5>}, {pipeline_mode = #tpu.pipeline_mode<synchronous>, transform_indices = @transform_7, window_bounds = array<i64: 256, 256>}, {pipeline_mode = #tpu.pipeline_mode<synchronous>, transform_indices = @transform_8, window_bounds = array<i64: 256, 4>}, {pipeline_mode = #tpu.pipeline_mode<synchronous>, transform_indices = @transform_9, window_bounds = array<i64: 256, 4>}, {pipeline_mode = #tpu.pipeline_mode<synchronous>, transform_indices = @transform_10, window_bounds = array<i64: 4, 256>}, {pipeline_mode = #tpu.pipeline_mode<synchronous>, transform_indices = @transform_11, window_bounds = array<i64: 256, 256>}, {pipeline_mode = #tpu.pipeline_mode<synchronous>, transform_indices = @transform_12, window_bounds = array<i64: 1152, 256>}]} {
    %get3A = arith.constant 0 : index
    %get3A_0 = arith.constant 0 : index
    %get3A_1 = vector.load %arg1[%get3A, %get3A_0] : memref<1152x256xf32, #tpu.memory_space<vmem>>, vector<1152x256xf32>
    %get3A_2 = arith.constant 0 : index
    %get3A_3 = arith.constant 0 : index
    %get3A_4 = vector.load %arg8[%get3A_2, %get3A_3] : memref<256x256xf32, #tpu.memory_space<vmem>>, vector<256x256xf32>
    %dot_general3A = arith.constant dense<0.000000e+00> : vector<1152x256xf32>
    %dot_general3A_5 = tpu.matmul %get3A_1, %get3A_4, %dot_general3A {dimension_numbers = #tpu.dot_dimension_numbers<[1], [0], [0], [1], [0, 0, 1, 1], [], []>, transpose_lhs_hint = false} : vector<1152x256xf32>, vector<256x256xf32>, vector<1152x256xf32> -> vector<1152x256xf32>
    %get3A_6 = arith.constant 0 : index
    %get3A_7 = arith.constant 0 : index
    %get3A_8 = vector.load %arg2[%get3A_6, %get3A_7] : memref<1152x256xf32, #tpu.memory_space<vmem>>, vector<1152x256xf32>
    %get3A_9 = arith.constant 0 : index
    %get3A_10 = arith.constant 0 : index
    %get3A_11 = vector.load %arg8[%get3A_9, %get3A_10] : memref<256x256xf32, #tpu.memory_space<vmem>>, vector<256x256xf32>
    %dot_general3A_12 = arith.constant dense<0.000000e+00> : vector<1152x256xf32>
    %dot_general3A_13 = tpu.matmul %get3A_8, %get3A_11, %dot_general3A_12 {dimension_numbers = #tpu.dot_dimension_numbers<[1], [0], [0], [1], [0, 0, 1, 1], [], []>, transpose_lhs_hint = false} : vector<1152x256xf32>, vector<256x256xf32>, vector<1152x256xf32> -> vector<1152x256xf32>
    %get3A_14 = arith.constant 0 : index
    %get3A_15 = arith.constant 0 : index
    %get3A_16 = vector.load %arg3[%get3A_14, %get3A_15] : memref<1152x256xf32, #tpu.memory_space<vmem>>, vector<1152x256xf32>
    %get3A_17 = arith.constant 0 : index
    %get3A_18 = arith.constant 0 : index
    %get3A_19 = vector.load %arg8[%get3A_17, %get3A_18] : memref<256x256xf32, #tpu.memory_space<vmem>>, vector<256x256xf32>
    %dot_general3A_20 = arith.constant dense<0.000000e+00> : vector<1152x256xf32>
    %dot_general3A_21 = tpu.matmul %get3A_16, %get3A_19, %dot_general3A_20 {dimension_numbers = #tpu.dot_dimension_numbers<[1], [0], [0], [1], [0, 0, 1, 1], [], []>, transpose_lhs_hint = false} : vector<1152x256xf32>, vector<256x256xf32>, vector<1152x256xf32> -> vector<1152x256xf32>
    %get3A_22 = arith.constant 0 : index
    %get3A_23 = arith.constant 0 : index
    %get3A_24 = vector.load %arg4[%get3A_22, %get3A_23] : memref<1152x256xf32, #tpu.memory_space<vmem>>, vector<1152x256xf32>
    %get3A_25 = arith.constant 0 : index
    %get3A_26 = arith.constant 0 : index
    %get3A_27 = vector.load %arg8[%get3A_25, %get3A_26] : memref<256x256xf32, #tpu.memory_space<vmem>>, vector<256x256xf32>
    %dot_general3A_28 = arith.constant dense<0.000000e+00> : vector<1152x256xf32>
    %dot_general3A_29 = tpu.matmul %get3A_24, %get3A_27, %dot_general3A_28 {dimension_numbers = #tpu.dot_dimension_numbers<[1], [0], [0], [1], [0, 0, 1, 1], [], []>, transpose_lhs_hint = false} : vector<1152x256xf32>, vector<256x256xf32>, vector<1152x256xf32> -> vector<1152x256xf32>
    %get3A_30 = arith.constant 0 : index
    %get3A_31 = arith.constant 0 : index
    %get3A_32 = vector.load %arg5[%get3A_30, %get3A_31] : memref<1152x256xf32, #tpu.memory_space<vmem>>, vector<1152x256xf32>
    %get3A_33 = arith.constant 0 : index
    %get3A_34 = arith.constant 0 : index
    %get3A_35 = vector.load %arg8[%get3A_33, %get3A_34] : memref<256x256xf32, #tpu.memory_space<vmem>>, vector<256x256xf32>
    %dot_general3A_36 = arith.constant dense<0.000000e+00> : vector<1152x256xf32>
    %dot_general3A_37 = tpu.matmul %get3A_32, %get3A_35, %dot_general3A_36 {dimension_numbers = #tpu.dot_dimension_numbers<[1], [0], [0], [1], [0, 0, 1, 1], [], []>, transpose_lhs_hint = false} : vector<1152x256xf32>, vector<256x256xf32>, vector<1152x256xf32> -> vector<1152x256xf32>
    %get3A_38 = arith.constant 0 : index
    %get3A_39 = arith.constant 0 : index
    %get3A_40 = vector.load %arg6[%get3A_38, %get3A_39] : memref<1152x256xf32, #tpu.memory_space<vmem>>, vector<1152x256xf32>
    %get3A_41 = arith.constant 0 : index
    %get3A_42 = arith.constant 0 : index
    %get3A_43 = vector.load %arg8[%get3A_41, %get3A_42] : memref<256x256xf32, #tpu.memory_space<vmem>>, vector<256x256xf32>
    %dot_general3A_44 = arith.constant dense<0.000000e+00> : vector<1152x256xf32>
    %dot_general3A_45 = tpu.matmul %get3A_40, %get3A_43, %dot_general3A_44 {dimension_numbers = #tpu.dot_dimension_numbers<[1], [0], [0], [1], [0, 0, 1, 1], [], []>, transpose_lhs_hint = false} : vector<1152x256xf32>, vector<256x256xf32>, vector<1152x256xf32> -> vector<1152x256xf32>
    %get3A_46 = arith.constant 0 : index
    %get3A_47 = arith.constant 0 : index
    %get3A_48 = vector.load %arg7[%get3A_46, %get3A_47] : memref<1152x5xi32, #tpu.memory_space<vmem>>, vector<1152x5xi32>
    %convert_element_type3A = arith.truncf %dot_general3A_45 : vector<1152x256xf32> to vector<1152x256xbf16>
    %get3A_49 = arith.constant 0 : index
    %get3A_50 = arith.constant 0 : index
    %get3A_51 = vector.load %arg9[%get3A_49, %get3A_50] : memref<256x4xbf16, #tpu.memory_space<vmem>>, vector<256x4xbf16>
    %dot_general3A_52 = arith.constant dense<0.000000e+00> : vector<1152x4xf32>
    %dot_general3A_53 = tpu.matmul %convert_element_type3A, %get3A_51, %dot_general3A_52 {dimension_numbers = #tpu.dot_dimension_numbers<[1], [0], [0], [1], [0, 0, 1, 1], [], []>, transpose_lhs_hint = false} : vector<1152x256xbf16>, vector<256x4xbf16>, vector<1152x4xf32> -> vector<1152x4xf32>
    %convert_element_type3A_54 = arith.truncf %dot_general3A_5 : vector<1152x256xf32> to vector<1152x256xbf16>
    %get3A_55 = arith.constant 0 : index
    %get3A_56 = arith.constant 0 : index
    %get3A_57 = vector.load %arg10[%get3A_55, %get3A_56] : memref<256x4xbf16, #tpu.memory_space<vmem>>, vector<256x4xbf16>
    %dot_general3A_58 = arith.constant dense<0.000000e+00> : vector<1152x4xf32>
    %dot_general3A_59 = tpu.matmul %convert_element_type3A_54, %get3A_57, %dot_general3A_58 {dimension_numbers = #tpu.dot_dimension_numbers<[1], [0], [0], [1], [0, 0, 1, 1], [], []>, transpose_lhs_hint = false} : vector<1152x256xbf16>, vector<256x4xbf16>, vector<1152x4xf32> -> vector<1152x4xf32>
    %add3A = arith.addf %dot_general3A_53, %dot_general3A_59 : vector<1152x4xf32>
    %ge3A = arith.constant 0.000000e+00 : f32
    %ge3A_60 = vector.broadcast %ge3A : f32 to vector<1152x4xf32>
    %ge3A_61 = arith.cmpf oge, %add3A, %ge3A_60 : vector<1152x4xf32>
    %mul3A = arith.constant 2.000000e-01 : f32
    %mul3A_62 = vector.broadcast %mul3A : f32 to vector<1152x4xf32>
    %mul3A_63 = arith.mulf %mul3A_62, %add3A : vector<1152x4xf32>
    %select_n3A = arith.select %ge3A_61, %add3A, %mul3A_63 : vector<1152x4xi1>, vector<1152x4xf32>
    %convert_element_type3A_64 = arith.truncf %dot_general3A_13 : vector<1152x256xf32> to vector<1152x256xbf16>
    %get3A_65 = arith.constant 0 : index
    %get3A_66 = arith.constant 0 : index
    %get3A_67 = vector.load %arg10[%get3A_65, %get3A_66] : memref<256x4xbf16, #tpu.memory_space<vmem>>, vector<256x4xbf16>
    %dot_general3A_68 = arith.constant dense<0.000000e+00> : vector<1152x4xf32>
    %dot_general3A_69 = tpu.matmul %convert_element_type3A_64, %get3A_67, %dot_general3A_68 {dimension_numbers = #tpu.dot_dimension_numbers<[1], [0], [0], [1], [0, 0, 1, 1], [], []>, transpose_lhs_hint = false} : vector<1152x256xbf16>, vector<256x4xbf16>, vector<1152x4xf32> -> vector<1152x4xf32>
    %add3A_70 = arith.addf %dot_general3A_53, %dot_general3A_69 : vector<1152x4xf32>
    %ge3A_71 = arith.constant 0.000000e+00 : f32
    %ge3A_72 = vector.broadcast %ge3A_71 : f32 to vector<1152x4xf32>
    %ge3A_73 = arith.cmpf oge, %add3A_70, %ge3A_72 : vector<1152x4xf32>
    %mul3A_74 = arith.constant 2.000000e-01 : f32
    %mul3A_75 = vector.broadcast %mul3A_74 : f32 to vector<1152x4xf32>
    %mul3A_76 = arith.mulf %mul3A_75, %add3A_70 : vector<1152x4xf32>
    %select_n3A_77 = arith.select %ge3A_73, %add3A_70, %mul3A_76 : vector<1152x4xi1>, vector<1152x4xf32>
    %convert_element_type3A_78 = arith.truncf %dot_general3A_21 : vector<1152x256xf32> to vector<1152x256xbf16>
    %get3A_79 = arith.constant 0 : index
    %get3A_80 = arith.constant 0 : index
    %get3A_81 = vector.load %arg10[%get3A_79, %get3A_80] : memref<256x4xbf16, #tpu.memory_space<vmem>>, vector<256x4xbf16>
    %dot_general3A_82 = arith.constant dense<0.000000e+00> : vector<1152x4xf32>
    %dot_general3A_83 = tpu.matmul %convert_element_type3A_78, %get3A_81, %dot_general3A_82 {dimension_numbers = #tpu.dot_dimension_numbers<[1], [0], [0], [1], [0, 0, 1, 1], [], []>, transpose_lhs_hint = false} : vector<1152x256xbf16>, vector<256x4xbf16>, vector<1152x4xf32> -> vector<1152x4xf32>
    %add3A_84 = arith.addf %dot_general3A_53, %dot_general3A_83 : vector<1152x4xf32>
    %ge3A_85 = arith.constant 0.000000e+00 : f32
    %ge3A_86 = vector.broadcast %ge3A_85 : f32 to vector<1152x4xf32>
    %ge3A_87 = arith.cmpf oge, %add3A_84, %ge3A_86 : vector<1152x4xf32>
    %mul3A_88 = arith.constant 2.000000e-01 : f32
    %mul3A_89 = vector.broadcast %mul3A_88 : f32 to vector<1152x4xf32>
    %mul3A_90 = arith.mulf %mul3A_89, %add3A_84 : vector<1152x4xf32>
    %select_n3A_91 = arith.select %ge3A_87, %add3A_84, %mul3A_90 : vector<1152x4xi1>, vector<1152x4xf32>
    %convert_element_type3A_92 = arith.truncf %dot_general3A_29 : vector<1152x256xf32> to vector<1152x256xbf16>
    %get3A_93 = arith.constant 0 : index
    %get3A_94 = arith.constant 0 : index
    %get3A_95 = vector.load %arg10[%get3A_93, %get3A_94] : memref<256x4xbf16, #tpu.memory_space<vmem>>, vector<256x4xbf16>
    %dot_general3A_96 = arith.constant dense<0.000000e+00> : vector<1152x4xf32>
    %dot_general3A_97 = tpu.matmul %convert_element_type3A_92, %get3A_95, %dot_general3A_96 {dimension_numbers = #tpu.dot_dimension_numbers<[1], [0], [0], [1], [0, 0, 1, 1], [], []>, transpose_lhs_hint = false} : vector<1152x256xbf16>, vector<256x4xbf16>, vector<1152x4xf32> -> vector<1152x4xf32>
    %add3A_98 = arith.addf %dot_general3A_53, %dot_general3A_97 : vector<1152x4xf32>
    %ge3A_99 = arith.constant 0.000000e+00 : f32
    %ge3A_100 = vector.broadcast %ge3A_99 : f32 to vector<1152x4xf32>
    %ge3A_101 = arith.cmpf oge, %add3A_98, %ge3A_100 : vector<1152x4xf32>
    %mul3A_102 = arith.constant 2.000000e-01 : f32
    %mul3A_103 = vector.broadcast %mul3A_102 : f32 to vector<1152x4xf32>
    %mul3A_104 = arith.mulf %mul3A_103, %add3A_98 : vector<1152x4xf32>
    %select_n3A_105 = arith.select %ge3A_101, %add3A_98, %mul3A_104 : vector<1152x4xi1>, vector<1152x4xf32>
    %convert_element_type3A_106 = arith.truncf %dot_general3A_37 : vector<1152x256xf32> to vector<1152x256xbf16>
    %get3A_107 = arith.constant 0 : index
    %get3A_108 = arith.constant 0 : index
    %get3A_109 = vector.load %arg10[%get3A_107, %get3A_108] : memref<256x4xbf16, #tpu.memory_space<vmem>>, vector<256x4xbf16>
    %dot_general3A_110 = arith.constant dense<0.000000e+00> : vector<1152x4xf32>
    %dot_general3A_111 = tpu.matmul %convert_element_type3A_106, %get3A_109, %dot_general3A_110 {dimension_numbers = #tpu.dot_dimension_numbers<[1], [0], [0], [1], [0, 0, 1, 1], [], []>, transpose_lhs_hint = false} : vector<1152x256xbf16>, vector<256x4xbf16>, vector<1152x4xf32> -> vector<1152x4xf32>
    %add3A_112 = arith.addf %dot_general3A_53, %dot_general3A_111 : vector<1152x4xf32>
    %ge3A_113 = arith.constant 0.000000e+00 : f32
    %ge3A_114 = vector.broadcast %ge3A_113 : f32 to vector<1152x4xf32>
    %ge3A_115 = arith.cmpf oge, %add3A_112, %ge3A_114 : vector<1152x4xf32>
    %mul3A_116 = arith.constant 2.000000e-01 : f32
    %mul3A_117 = vector.broadcast %mul3A_116 : f32 to vector<1152x4xf32>
    %mul3A_118 = arith.mulf %mul3A_117, %add3A_112 : vector<1152x4xf32>
    %select_n3A_119 = arith.select %ge3A_115, %add3A_112, %mul3A_118 : vector<1152x4xi1>, vector<1152x4xf32>
    %max3A = arith.maximumf %select_n3A, %select_n3A_77 : vector<1152x4xf32>
    %max3A_120 = arith.maximumf %max3A, %select_n3A_91 : vector<1152x4xf32>
    %max3A_121 = arith.maximumf %max3A_120, %select_n3A_105 : vector<1152x4xf32>
    %max3A_122 = arith.maximumf %max3A_121, %select_n3A_119 : vector<1152x4xf32>
    %slice3A = vector.extract_strided_slice %get3A_48 {offsets = [0, 0], sizes = [1152, 1], strides = [1, 1]} : vector<1152x5xi32> to vector<1152x1xi32>
    %broadcast_in_dim3A = arith.constant 0.000000e+00 : f32
    %broadcast_in_dim3A_123 = vector.broadcast %broadcast_in_dim3A : f32 to vector<1152x1xf32>
    %slice3A_124 = vector.extract_strided_slice %get3A_48 {offsets = [0, 0], sizes = [1152, 1], strides = [1, 1]} : vector<1152x5xi32> to vector<1152x1xi32>
    %eq3A = arith.cmpi eq, %slice3A_124, %slice3A : vector<1152x1xi32>
    %convert_element_type3A_125 = arith.extui %eq3A : vector<1152x1xi1> to vector<1152x1xi32>
    %convert_element_type3A_126 = arith.sitofp %convert_element_type3A_125 : vector<1152x1xi32> to vector<1152x1xf32>
    %add3A_127 = arith.addf %broadcast_in_dim3A_123, %convert_element_type3A_126 : vector<1152x1xf32>
    %slice3A_128 = vector.extract_strided_slice %get3A_48 {offsets = [0, 1], sizes = [1152, 1], strides = [1, 1]} : vector<1152x5xi32> to vector<1152x1xi32>
    %eq3A_129 = arith.cmpi eq, %slice3A_128, %slice3A : vector<1152x1xi32>
    %convert_element_type3A_130 = arith.extui %eq3A_129 : vector<1152x1xi1> to vector<1152x1xi32>
    %convert_element_type3A_131 = arith.sitofp %convert_element_type3A_130 : vector<1152x1xi32> to vector<1152x1xf32>
    %add3A_132 = arith.addf %add3A_127, %convert_element_type3A_131 : vector<1152x1xf32>
    %slice3A_133 = vector.extract_strided_slice %get3A_48 {offsets = [0, 2], sizes = [1152, 1], strides = [1, 1]} : vector<1152x5xi32> to vector<1152x1xi32>
    %eq3A_134 = arith.cmpi eq, %slice3A_133, %slice3A : vector<1152x1xi32>
    %convert_element_type3A_135 = arith.extui %eq3A_134 : vector<1152x1xi1> to vector<1152x1xi32>
    %convert_element_type3A_136 = arith.sitofp %convert_element_type3A_135 : vector<1152x1xi32> to vector<1152x1xf32>
    %add3A_137 = arith.addf %add3A_132, %convert_element_type3A_136 : vector<1152x1xf32>
    %slice3A_138 = vector.extract_strided_slice %get3A_48 {offsets = [0, 3], sizes = [1152, 1], strides = [1, 1]} : vector<1152x5xi32> to vector<1152x1xi32>
    %eq3A_139 = arith.cmpi eq, %slice3A_138, %slice3A : vector<1152x1xi32>
    %convert_element_type3A_140 = arith.extui %eq3A_139 : vector<1152x1xi1> to vector<1152x1xi32>
    %convert_element_type3A_141 = arith.sitofp %convert_element_type3A_140 : vector<1152x1xi32> to vector<1152x1xf32>
    %add3A_142 = arith.addf %add3A_137, %convert_element_type3A_141 : vector<1152x1xf32>
    %slice3A_143 = vector.extract_strided_slice %get3A_48 {offsets = [0, 4], sizes = [1152, 1], strides = [1, 1]} : vector<1152x5xi32> to vector<1152x1xi32>
    %eq3A_144 = arith.cmpi eq, %slice3A_143, %slice3A : vector<1152x1xi32>
    %convert_element_type3A_145 = arith.extui %eq3A_144 : vector<1152x1xi1> to vector<1152x1xi32>
    %convert_element_type3A_146 = arith.sitofp %convert_element_type3A_145 : vector<1152x1xi32> to vector<1152x1xf32>
    %add3A_147 = arith.addf %add3A_142, %convert_element_type3A_146 : vector<1152x1xf32>
    %sub3A = arith.subf %select_n3A, %max3A_122 : vector<1152x4xf32>
    %exp3A = math.exp %sub3A : vector<1152x4xf32>
    %div3A = vector.broadcast %add3A_147 : vector<1152x1xf32> to vector<1152x4xf32>
    %div3A_148 = arith.divf %exp3A, %div3A : vector<1152x4xf32>
    %slice3A_149 = vector.extract_strided_slice %get3A_48 {offsets = [0, 1], sizes = [1152, 1], strides = [1, 1]} : vector<1152x5xi32> to vector<1152x1xi32>
    %broadcast_in_dim3A_150 = arith.constant 0.000000e+00 : f32
    %broadcast_in_dim3A_151 = vector.broadcast %broadcast_in_dim3A_150 : f32 to vector<1152x1xf32>
    %slice3A_152 = vector.extract_strided_slice %get3A_48 {offsets = [0, 0], sizes = [1152, 1], strides = [1, 1]} : vector<1152x5xi32> to vector<1152x1xi32>
    %eq3A_153 = arith.cmpi eq, %slice3A_152, %slice3A_149 : vector<1152x1xi32>
    %convert_element_type3A_154 = arith.extui %eq3A_153 : vector<1152x1xi1> to vector<1152x1xi32>
    %convert_element_type3A_155 = arith.sitofp %convert_element_type3A_154 : vector<1152x1xi32> to vector<1152x1xf32>
    %add3A_156 = arith.addf %broadcast_in_dim3A_151, %convert_element_type3A_155 : vector<1152x1xf32>
    %slice3A_157 = vector.extract_strided_slice %get3A_48 {offsets = [0, 1], sizes = [1152, 1], strides = [1, 1]} : vector<1152x5xi32> to vector<1152x1xi32>
    %eq3A_158 = arith.cmpi eq, %slice3A_157, %slice3A_149 : vector<1152x1xi32>
    %convert_element_type3A_159 = arith.extui %eq3A_158 : vector<1152x1xi1> to vector<1152x1xi32>
    %convert_element_type3A_160 = arith.sitofp %convert_element_type3A_159 : vector<1152x1xi32> to vector<1152x1xf32>
    %add3A_161 = arith.addf %add3A_156, %convert_element_type3A_160 : vector<1152x1xf32>
    %slice3A_162 = vector.extract_strided_slice %get3A_48 {offsets = [0, 2], sizes = [1152, 1], strides = [1, 1]} : vector<1152x5xi32> to vector<1152x1xi32>
    %eq3A_163 = arith.cmpi eq, %slice3A_162, %slice3A_149 : vector<1152x1xi32>
    %convert_element_type3A_164 = arith.extui %eq3A_163 : vector<1152x1xi1> to vector<1152x1xi32>
    %convert_element_type3A_165 = arith.sitofp %convert_element_type3A_164 : vector<1152x1xi32> to vector<1152x1xf32>
    %add3A_166 = arith.addf %add3A_161, %convert_element_type3A_165 : vector<1152x1xf32>
    %slice3A_167 = vector.extract_strided_slice %get3A_48 {offsets = [0, 3], sizes = [1152, 1], strides = [1, 1]} : vector<1152x5xi32> to vector<1152x1xi32>
    %eq3A_168 = arith.cmpi eq, %slice3A_167, %slice3A_149 : vector<1152x1xi32>
    %convert_element_type3A_169 = arith.extui %eq3A_168 : vector<1152x1xi1> to vector<1152x1xi32>
    %convert_element_type3A_170 = arith.sitofp %convert_element_type3A_169 : vector<1152x1xi32> to vector<1152x1xf32>
    %add3A_171 = arith.addf %add3A_166, %convert_element_type3A_170 : vector<1152x1xf32>
    %slice3A_172 = vector.extract_strided_slice %get3A_48 {offsets = [0, 4], sizes = [1152, 1], strides = [1, 1]} : vector<1152x5xi32> to vector<1152x1xi32>
    %eq3A_173 = arith.cmpi eq, %slice3A_172, %slice3A_149 : vector<1152x1xi32>
    %convert_element_type3A_174 = arith.extui %eq3A_173 : vector<1152x1xi1> to vector<1152x1xi32>
    %convert_element_type3A_175 = arith.sitofp %convert_element_type3A_174 : vector<1152x1xi32> to vector<1152x1xf32>
    %add3A_176 = arith.addf %add3A_171, %convert_element_type3A_175 : vector<1152x1xf32>
    %sub3A_177 = arith.subf %select_n3A_77, %max3A_122 : vector<1152x4xf32>
    %exp3A_178 = math.exp %sub3A_177 : vector<1152x4xf32>
    %div3A_179 = vector.broadcast %add3A_176 : vector<1152x1xf32> to vector<1152x4xf32>
    %div3A_180 = arith.divf %exp3A_178, %div3A_179 : vector<1152x4xf32>
    %slice3A_181 = vector.extract_strided_slice %get3A_48 {offsets = [0, 2], sizes = [1152, 1], strides = [1, 1]} : vector<1152x5xi32> to vector<1152x1xi32>
    %broadcast_in_dim3A_182 = arith.constant 0.000000e+00 : f32
    %broadcast_in_dim3A_183 = vector.broadcast %broadcast_in_dim3A_182 : f32 to vector<1152x1xf32>
    %slice3A_184 = vector.extract_strided_slice %get3A_48 {offsets = [0, 0], sizes = [1152, 1], strides = [1, 1]} : vector<1152x5xi32> to vector<1152x1xi32>
    %eq3A_185 = arith.cmpi eq, %slice3A_184, %slice3A_181 : vector<1152x1xi32>
    %convert_element_type3A_186 = arith.extui %eq3A_185 : vector<1152x1xi1> to vector<1152x1xi32>
    %convert_element_type3A_187 = arith.sitofp %convert_element_type3A_186 : vector<1152x1xi32> to vector<1152x1xf32>
    %add3A_188 = arith.addf %broadcast_in_dim3A_183, %convert_element_type3A_187 : vector<1152x1xf32>
    %slice3A_189 = vector.extract_strided_slice %get3A_48 {offsets = [0, 1], sizes = [1152, 1], strides = [1, 1]} : vector<1152x5xi32> to vector<1152x1xi32>
    %eq3A_190 = arith.cmpi eq, %slice3A_189, %slice3A_181 : vector<1152x1xi32>
    %convert_element_type3A_191 = arith.extui %eq3A_190 : vector<1152x1xi1> to vector<1152x1xi32>
    %convert_element_type3A_192 = arith.sitofp %convert_element_type3A_191 : vector<1152x1xi32> to vector<1152x1xf32>
    %add3A_193 = arith.addf %add3A_188, %convert_element_type3A_192 : vector<1152x1xf32>
    %slice3A_194 = vector.extract_strided_slice %get3A_48 {offsets = [0, 2], sizes = [1152, 1], strides = [1, 1]} : vector<1152x5xi32> to vector<1152x1xi32>
    %eq3A_195 = arith.cmpi eq, %slice3A_194, %slice3A_181 : vector<1152x1xi32>
    %convert_element_type3A_196 = arith.extui %eq3A_195 : vector<1152x1xi1> to vector<1152x1xi32>
    %convert_element_type3A_197 = arith.sitofp %convert_element_type3A_196 : vector<1152x1xi32> to vector<1152x1xf32>
    %add3A_198 = arith.addf %add3A_193, %convert_element_type3A_197 : vector<1152x1xf32>
    %slice3A_199 = vector.extract_strided_slice %get3A_48 {offsets = [0, 3], sizes = [1152, 1], strides = [1, 1]} : vector<1152x5xi32> to vector<1152x1xi32>
    %eq3A_200 = arith.cmpi eq, %slice3A_199, %slice3A_181 : vector<1152x1xi32>
    %convert_element_type3A_201 = arith.extui %eq3A_200 : vector<1152x1xi1> to vector<1152x1xi32>
    %convert_element_type3A_202 = arith.sitofp %convert_element_type3A_201 : vector<1152x1xi32> to vector<1152x1xf32>
    %add3A_203 = arith.addf %add3A_198, %convert_element_type3A_202 : vector<1152x1xf32>
    %slice3A_204 = vector.extract_strided_slice %get3A_48 {offsets = [0, 4], sizes = [1152, 1], strides = [1, 1]} : vector<1152x5xi32> to vector<1152x1xi32>
    %eq3A_205 = arith.cmpi eq, %slice3A_204, %slice3A_181 : vector<1152x1xi32>
    %convert_element_type3A_206 = arith.extui %eq3A_205 : vector<1152x1xi1> to vector<1152x1xi32>
    %convert_element_type3A_207 = arith.sitofp %convert_element_type3A_206 : vector<1152x1xi32> to vector<1152x1xf32>
    %add3A_208 = arith.addf %add3A_203, %convert_element_type3A_207 : vector<1152x1xf32>
    %sub3A_209 = arith.subf %select_n3A_91, %max3A_122 : vector<1152x4xf32>
    %exp3A_210 = math.exp %sub3A_209 : vector<1152x4xf32>
    %div3A_211 = vector.broadcast %add3A_208 : vector<1152x1xf32> to vector<1152x4xf32>
    %div3A_212 = arith.divf %exp3A_210, %div3A_211 : vector<1152x4xf32>
    %slice3A_213 = vector.extract_strided_slice %get3A_48 {offsets = [0, 3], sizes = [1152, 1], strides = [1, 1]} : vector<1152x5xi32> to vector<1152x1xi32>
    %broadcast_in_dim3A_214 = arith.constant 0.000000e+00 : f32
    %broadcast_in_dim3A_215 = vector.broadcast %broadcast_in_dim3A_214 : f32 to vector<1152x1xf32>
    %slice3A_216 = vector.extract_strided_slice %get3A_48 {offsets = [0, 0], sizes = [1152, 1], strides = [1, 1]} : vector<1152x5xi32> to vector<1152x1xi32>
    %eq3A_217 = arith.cmpi eq, %slice3A_216, %slice3A_213 : vector<1152x1xi32>
    %convert_element_type3A_218 = arith.extui %eq3A_217 : vector<1152x1xi1> to vector<1152x1xi32>
    %convert_element_type3A_219 = arith.sitofp %convert_element_type3A_218 : vector<1152x1xi32> to vector<1152x1xf32>
    %add3A_220 = arith.addf %broadcast_in_dim3A_215, %convert_element_type3A_219 : vector<1152x1xf32>
    %slice3A_221 = vector.extract_strided_slice %get3A_48 {offsets = [0, 1], sizes = [1152, 1], strides = [1, 1]} : vector<1152x5xi32> to vector<1152x1xi32>
    %eq3A_222 = arith.cmpi eq, %slice3A_221, %slice3A_213 : vector<1152x1xi32>
    %convert_element_type3A_223 = arith.extui %eq3A_222 : vector<1152x1xi1> to vector<1152x1xi32>
    %convert_element_type3A_224 = arith.sitofp %convert_element_type3A_223 : vector<1152x1xi32> to vector<1152x1xf32>
    %add3A_225 = arith.addf %add3A_220, %convert_element_type3A_224 : vector<1152x1xf32>
    %slice3A_226 = vector.extract_strided_slice %get3A_48 {offsets = [0, 2], sizes = [1152, 1], strides = [1, 1]} : vector<1152x5xi32> to vector<1152x1xi32>
    %eq3A_227 = arith.cmpi eq, %slice3A_226, %slice3A_213 : vector<1152x1xi32>
    %convert_element_type3A_228 = arith.extui %eq3A_227 : vector<1152x1xi1> to vector<1152x1xi32>
    %convert_element_type3A_229 = arith.sitofp %convert_element_type3A_228 : vector<1152x1xi32> to vector<1152x1xf32>
    %add3A_230 = arith.addf %add3A_225, %convert_element_type3A_229 : vector<1152x1xf32>
    %slice3A_231 = vector.extract_strided_slice %get3A_48 {offsets = [0, 3], sizes = [1152, 1], strides = [1, 1]} : vector<1152x5xi32> to vector<1152x1xi32>
    %eq3A_232 = arith.cmpi eq, %slice3A_231, %slice3A_213 : vector<1152x1xi32>
    %convert_element_type3A_233 = arith.extui %eq3A_232 : vector<1152x1xi1> to vector<1152x1xi32>
    %convert_element_type3A_234 = arith.sitofp %convert_element_type3A_233 : vector<1152x1xi32> to vector<1152x1xf32>
    %add3A_235 = arith.addf %add3A_230, %convert_element_type3A_234 : vector<1152x1xf32>
    %slice3A_236 = vector.extract_strided_slice %get3A_48 {offsets = [0, 4], sizes = [1152, 1], strides = [1, 1]} : vector<1152x5xi32> to vector<1152x1xi32>
    %eq3A_237 = arith.cmpi eq, %slice3A_236, %slice3A_213 : vector<1152x1xi32>
    %convert_element_type3A_238 = arith.extui %eq3A_237 : vector<1152x1xi1> to vector<1152x1xi32>
    %convert_element_type3A_239 = arith.sitofp %convert_element_type3A_238 : vector<1152x1xi32> to vector<1152x1xf32>
    %add3A_240 = arith.addf %add3A_235, %convert_element_type3A_239 : vector<1152x1xf32>
    %sub3A_241 = arith.subf %select_n3A_105, %max3A_122 : vector<1152x4xf32>
    %exp3A_242 = math.exp %sub3A_241 : vector<1152x4xf32>
    %div3A_243 = vector.broadcast %add3A_240 : vector<1152x1xf32> to vector<1152x4xf32>
    %div3A_244 = arith.divf %exp3A_242, %div3A_243 : vector<1152x4xf32>
    %slice3A_245 = vector.extract_strided_slice %get3A_48 {offsets = [0, 4], sizes = [1152, 1], strides = [1, 1]} : vector<1152x5xi32> to vector<1152x1xi32>
    %broadcast_in_dim3A_246 = arith.constant 0.000000e+00 : f32
    %broadcast_in_dim3A_247 = vector.broadcast %broadcast_in_dim3A_246 : f32 to vector<1152x1xf32>
    %slice3A_248 = vector.extract_strided_slice %get3A_48 {offsets = [0, 0], sizes = [1152, 1], strides = [1, 1]} : vector<1152x5xi32> to vector<1152x1xi32>
    %eq3A_249 = arith.cmpi eq, %slice3A_248, %slice3A_245 : vector<1152x1xi32>
    %convert_element_type3A_250 = arith.extui %eq3A_249 : vector<1152x1xi1> to vector<1152x1xi32>
    %convert_element_type3A_251 = arith.sitofp %convert_element_type3A_250 : vector<1152x1xi32> to vector<1152x1xf32>
    %add3A_252 = arith.addf %broadcast_in_dim3A_247, %convert_element_type3A_251 : vector<1152x1xf32>
    %slice3A_253 = vector.extract_strided_slice %get3A_48 {offsets = [0, 1], sizes = [1152, 1], strides = [1, 1]} : vector<1152x5xi32> to vector<1152x1xi32>
    %eq3A_254 = arith.cmpi eq, %slice3A_253, %slice3A_245 : vector<1152x1xi32>
    %convert_element_type3A_255 = arith.extui %eq3A_254 : vector<1152x1xi1> to vector<1152x1xi32>
    %convert_element_type3A_256 = arith.sitofp %convert_element_type3A_255 : vector<1152x1xi32> to vector<1152x1xf32>
    %add3A_257 = arith.addf %add3A_252, %convert_element_type3A_256 : vector<1152x1xf32>
    %slice3A_258 = vector.extract_strided_slice %get3A_48 {offsets = [0, 2], sizes = [1152, 1], strides = [1, 1]} : vector<1152x5xi32> to vector<1152x1xi32>
    %eq3A_259 = arith.cmpi eq, %slice3A_258, %slice3A_245 : vector<1152x1xi32>
    %convert_element_type3A_260 = arith.extui %eq3A_259 : vector<1152x1xi1> to vector<1152x1xi32>
    %convert_element_type3A_261 = arith.sitofp %convert_element_type3A_260 : vector<1152x1xi32> to vector<1152x1xf32>
    %add3A_262 = arith.addf %add3A_257, %convert_element_type3A_261 : vector<1152x1xf32>
    %slice3A_263 = vector.extract_strided_slice %get3A_48 {offsets = [0, 3], sizes = [1152, 1], strides = [1, 1]} : vector<1152x5xi32> to vector<1152x1xi32>
    %eq3A_264 = arith.cmpi eq, %slice3A_263, %slice3A_245 : vector<1152x1xi32>
    %convert_element_type3A_265 = arith.extui %eq3A_264 : vector<1152x1xi1> to vector<1152x1xi32>
    %convert_element_type3A_266 = arith.sitofp %convert_element_type3A_265 : vector<1152x1xi32> to vector<1152x1xf32>
    %add3A_267 = arith.addf %add3A_262, %convert_element_type3A_266 : vector<1152x1xf32>
    %slice3A_268 = vector.extract_strided_slice %get3A_48 {offsets = [0, 4], sizes = [1152, 1], strides = [1, 1]} : vector<1152x5xi32> to vector<1152x1xi32>
    %eq3A_269 = arith.cmpi eq, %slice3A_268, %slice3A_245 : vector<1152x1xi32>
    %convert_element_type3A_270 = arith.extui %eq3A_269 : vector<1152x1xi1> to vector<1152x1xi32>
    %convert_element_type3A_271 = arith.sitofp %convert_element_type3A_270 : vector<1152x1xi32> to vector<1152x1xf32>
    %add3A_272 = arith.addf %add3A_267, %convert_element_type3A_271 : vector<1152x1xf32>
    %sub3A_273 = arith.subf %select_n3A_119, %max3A_122 : vector<1152x4xf32>
    %exp3A_274 = math.exp %sub3A_273 : vector<1152x4xf32>
    %div3A_275 = vector.broadcast %add3A_272 : vector<1152x1xf32> to vector<1152x4xf32>
    %div3A_276 = arith.divf %exp3A_274, %div3A_275 : vector<1152x4xf32>
    %add3A_277 = arith.addf %div3A_148, %div3A_180 : vector<1152x4xf32>
    %add3A_278 = arith.addf %add3A_277, %div3A_212 : vector<1152x4xf32>
    %add3A_279 = arith.addf %add3A_278, %div3A_244 : vector<1152x4xf32>
    %add3A_280 = arith.addf %add3A_279, %div3A_276 : vector<1152x4xf32>
    %div3A_281 = arith.constant 1.000000e+00 : f32
    %div3A_282 = vector.broadcast %div3A_281 : f32 to vector<1152x4xf32>
    %div3A_283 = arith.divf %div3A_282, %add3A_280 : vector<1152x4xf32>
    %broadcast_in_dim3A_284 = arith.constant 0.000000e+00 : f32
    %broadcast_in_dim3A_285 = vector.broadcast %broadcast_in_dim3A_284 : f32 to vector<1152x256xf32>
    %mul3A_286 = arith.mulf %div3A_148, %div3A_283 : vector<1152x4xf32>
    %convert_element_type3A_287 = arith.truncf %mul3A_286 : vector<1152x4xf32> to vector<1152x4xbf16>
    %get3A_288 = arith.constant 0 : index
    %get3A_289 = arith.constant 0 : index
    %get3A_290 = vector.load %arg11[%get3A_288, %get3A_289] : memref<4x256xbf16, #tpu.memory_space<vmem>>, vector<4x256xbf16>
    %dot_general3A_291 = arith.constant dense<0.000000e+00> : vector<1152x256xf32>
    %dot_general3A_292 = tpu.matmul %convert_element_type3A_287, %get3A_290, %dot_general3A_291 {dimension_numbers = #tpu.dot_dimension_numbers<[1], [0], [0], [1], [0, 0, 1, 1], [], []>, transpose_lhs_hint = false} : vector<1152x4xbf16>, vector<4x256xbf16>, vector<1152x256xf32> -> vector<1152x256xf32>
    %convert_element_type3A_293 = arith.truncf %dot_general3A_5 : vector<1152x256xf32> to vector<1152x256xbf16>
    %convert_element_type3A_294 = arith.extf %convert_element_type3A_293 : vector<1152x256xbf16> to vector<1152x256xf32>
    %mul3A_295 = arith.mulf %dot_general3A_292, %convert_element_type3A_294 : vector<1152x256xf32>
    %add3A_296 = arith.addf %broadcast_in_dim3A_285, %mul3A_295 : vector<1152x256xf32>
    %mul3A_297 = arith.mulf %div3A_180, %div3A_283 : vector<1152x4xf32>
    %convert_element_type3A_298 = arith.truncf %mul3A_297 : vector<1152x4xf32> to vector<1152x4xbf16>
    %get3A_299 = arith.constant 0 : index
    %get3A_300 = arith.constant 0 : index
    %get3A_301 = vector.load %arg11[%get3A_299, %get3A_300] : memref<4x256xbf16, #tpu.memory_space<vmem>>, vector<4x256xbf16>
    %dot_general3A_302 = arith.constant dense<0.000000e+00> : vector<1152x256xf32>
    %dot_general3A_303 = tpu.matmul %convert_element_type3A_298, %get3A_301, %dot_general3A_302 {dimension_numbers = #tpu.dot_dimension_numbers<[1], [0], [0], [1], [0, 0, 1, 1], [], []>, transpose_lhs_hint = false} : vector<1152x4xbf16>, vector<4x256xbf16>, vector<1152x256xf32> -> vector<1152x256xf32>
    %convert_element_type3A_304 = arith.truncf %dot_general3A_13 : vector<1152x256xf32> to vector<1152x256xbf16>
    %convert_element_type3A_305 = arith.extf %convert_element_type3A_304 : vector<1152x256xbf16> to vector<1152x256xf32>
    %mul3A_306 = arith.mulf %dot_general3A_303, %convert_element_type3A_305 : vector<1152x256xf32>
    %add3A_307 = arith.addf %add3A_296, %mul3A_306 : vector<1152x256xf32>
    %mul3A_308 = arith.mulf %div3A_212, %div3A_283 : vector<1152x4xf32>
    %convert_element_type3A_309 = arith.truncf %mul3A_308 : vector<1152x4xf32> to vector<1152x4xbf16>
    %get3A_310 = arith.constant 0 : index
    %get3A_311 = arith.constant 0 : index
    %get3A_312 = vector.load %arg11[%get3A_310, %get3A_311] : memref<4x256xbf16, #tpu.memory_space<vmem>>, vector<4x256xbf16>
    %dot_general3A_313 = arith.constant dense<0.000000e+00> : vector<1152x256xf32>
    %dot_general3A_314 = tpu.matmul %convert_element_type3A_309, %get3A_312, %dot_general3A_313 {dimension_numbers = #tpu.dot_dimension_numbers<[1], [0], [0], [1], [0, 0, 1, 1], [], []>, transpose_lhs_hint = false} : vector<1152x4xbf16>, vector<4x256xbf16>, vector<1152x256xf32> -> vector<1152x256xf32>
    %convert_element_type3A_315 = arith.truncf %dot_general3A_21 : vector<1152x256xf32> to vector<1152x256xbf16>
    %convert_element_type3A_316 = arith.extf %convert_element_type3A_315 : vector<1152x256xbf16> to vector<1152x256xf32>
    %mul3A_317 = arith.mulf %dot_general3A_314, %convert_element_type3A_316 : vector<1152x256xf32>
    %add3A_318 = arith.addf %add3A_307, %mul3A_317 : vector<1152x256xf32>
    %mul3A_319 = arith.mulf %div3A_244, %div3A_283 : vector<1152x4xf32>
    %convert_element_type3A_320 = arith.truncf %mul3A_319 : vector<1152x4xf32> to vector<1152x4xbf16>
    %get3A_321 = arith.constant 0 : index
    %get3A_322 = arith.constant 0 : index
    %get3A_323 = vector.load %arg11[%get3A_321, %get3A_322] : memref<4x256xbf16, #tpu.memory_space<vmem>>, vector<4x256xbf16>
    %dot_general3A_324 = arith.constant dense<0.000000e+00> : vector<1152x256xf32>
    %dot_general3A_325 = tpu.matmul %convert_element_type3A_320, %get3A_323, %dot_general3A_324 {dimension_numbers = #tpu.dot_dimension_numbers<[1], [0], [0], [1], [0, 0, 1, 1], [], []>, transpose_lhs_hint = false} : vector<1152x4xbf16>, vector<4x256xbf16>, vector<1152x256xf32> -> vector<1152x256xf32>
    %convert_element_type3A_326 = arith.truncf %dot_general3A_29 : vector<1152x256xf32> to vector<1152x256xbf16>
    %convert_element_type3A_327 = arith.extf %convert_element_type3A_326 : vector<1152x256xbf16> to vector<1152x256xf32>
    %mul3A_328 = arith.mulf %dot_general3A_325, %convert_element_type3A_327 : vector<1152x256xf32>
    %add3A_329 = arith.addf %add3A_318, %mul3A_328 : vector<1152x256xf32>
    %mul3A_330 = arith.mulf %div3A_276, %div3A_283 : vector<1152x4xf32>
    %convert_element_type3A_331 = arith.truncf %mul3A_330 : vector<1152x4xf32> to vector<1152x4xbf16>
    %get3A_332 = arith.constant 0 : index
    %get3A_333 = arith.constant 0 : index
    %get3A_334 = vector.load %arg11[%get3A_332, %get3A_333] : memref<4x256xbf16, #tpu.memory_space<vmem>>, vector<4x256xbf16>
    %dot_general3A_335 = arith.constant dense<0.000000e+00> : vector<1152x256xf32>
    %dot_general3A_336 = tpu.matmul %convert_element_type3A_331, %get3A_334, %dot_general3A_335 {dimension_numbers = #tpu.dot_dimension_numbers<[1], [0], [0], [1], [0, 0, 1, 1], [], []>, transpose_lhs_hint = false} : vector<1152x4xbf16>, vector<4x256xbf16>, vector<1152x256xf32> -> vector<1152x256xf32>
    %convert_element_type3A_337 = arith.truncf %dot_general3A_37 : vector<1152x256xf32> to vector<1152x256xbf16>
    %convert_element_type3A_338 = arith.extf %convert_element_type3A_337 : vector<1152x256xbf16> to vector<1152x256xf32>
    %mul3A_339 = arith.mulf %dot_general3A_336, %convert_element_type3A_338 : vector<1152x256xf32>
    %add3A_340 = arith.addf %add3A_329, %mul3A_339 : vector<1152x256xf32>
    %gt3A = arith.constant 0.000000e+00 : f32
    %gt3A_341 = vector.broadcast %gt3A : f32 to vector<1152x256xf32>
    %gt3A_342 = arith.cmpf ogt, %add3A_340, %gt3A_341 : vector<1152x256xf32>
    %exp3A_343 = math.exp %add3A_340 : vector<1152x256xf32>
    %sub3A_344 = arith.constant 1.000000e+00 : f32
    %sub3A_345 = vector.broadcast %sub3A_344 : f32 to vector<1152x256xf32>
    %sub3A_346 = arith.subf %exp3A_343, %sub3A_345 : vector<1152x256xf32>
    %select_n3A_347 = arith.select %gt3A_342, %add3A_340, %sub3A_346 : vector<1152x256xi1>, vector<1152x256xf32>
    %get3A_348 = arith.constant 0 : index
    %get3A_349 = arith.constant 0 : index
    %get3A_350 = vector.load %arg12[%get3A_348, %get3A_349] : memref<256x256xf32, #tpu.memory_space<vmem>>, vector<256x256xf32>
    %dot_general3A_351 = arith.constant dense<0.000000e+00> : vector<1152x256xf32>
    %dot_general3A_352 = tpu.matmul %select_n3A_347, %get3A_350, %dot_general3A_351 {dimension_numbers = #tpu.dot_dimension_numbers<[1], [0], [0], [1], [0, 0, 1, 1], [], []>, transpose_lhs_hint = false} : vector<1152x256xf32>, vector<256x256xf32>, vector<1152x256xf32> -> vector<1152x256xf32>
    %convert_element_type3A_353 = arith.truncf %dot_general3A_352 : vector<1152x256xf32> to vector<1152x256xbf16>
    %swap3A = arith.constant 0 : index
    %swap3A_354 = arith.constant 0 : index
    %swap3A_355 = vector.load %arg13[%swap3A, %swap3A_354] : memref<1152x256xbf16, #tpu.memory_space<vmem>>, vector<1152x256xbf16>
    tpu.vector_store %arg13[%swap3A, %swap3A_354], %convert_element_type3A_353 {strides = array<i32>} : memref<1152x256xbf16, #tpu.memory_space<vmem>>, vector<1152x256xbf16>,
    return
  }
  func.func @transform_0(%arg0: i32) -> (i32, i32) {
    %c0_i32 = arith.constant 0 : i32
    %c0_i32_0 = arith.constant 0 : i32
    %c0_i32_1 = arith.constant 0 : i32
    return %c0_i32, %c0_i32_0 : i32, i32
  }
  func.func @transform_1(%arg0: i32) -> (i32, i32) {
    %c1_i32 = arith.constant 1 : i32
    %c0_i32 = arith.constant 0 : i32
    %c0_i32_0 = arith.constant 0 : i32
    return %c1_i32, %c0_i32 : i32, i32
  }
  func.func @transform_2(%arg0: i32) -> (i32, i32) {
    %c2_i32 = arith.constant 2 : i32
    %c0_i32 = arith.constant 0 : i32
    %c0_i32_0 = arith.constant 0 : i32
    return %c2_i32, %c0_i32 : i32, i32
  }
  func.func @transform_3(%arg0: i32) -> (i32, i32) {
    %c3_i32 = arith.constant 3 : i32
    %c0_i32 = arith.constant 0 : i32
    %c0_i32_0 = arith.constant 0 : i32
    return %c3_i32, %c0_i32 : i32, i32
  }
  func.func @transform_4(%arg0: i32) -> (i32, i32) {
    %c4_i32 = arith.constant 4 : i32
    %c0_i32 = arith.constant 0 : i32
    %c0_i32_0 = arith.constant 0 : i32
    return %c4_i32, %c0_i32 : i32, i32
  }
  func.func @transform_5(%arg0: i32) -> (i32, i32) {
    %c5_i32 = arith.constant 5 : i32
    %c0_i32 = arith.constant 0 : i32
    %c0_i32_0 = arith.constant 0 : i32
    return %c5_i32, %c0_i32 : i32, i32
  }
  func.func @transform_6(%arg0: i32) -> (i32, i32) {
    %c0_i32 = arith.constant 0 : i32
    %c0_i32_0 = arith.constant 0 : i32
    %c0_i32_1 = arith.constant 0 : i32
    return %c0_i32, %c0_i32_0 : i32, i32
  }
  func.func @transform_7(%arg0: i32) -> (i32, i32) {
    %c0_i32 = arith.constant 0 : i32
    %c0_i32_0 = arith.constant 0 : i32
    %c0_i32_1 = arith.constant 0 : i32
    return %c0_i32, %c0_i32_0 : i32, i32
  }
  func.func @transform_8(%arg0: i32) -> (i32, i32) {
    %c0_i32 = arith.constant 0 : i32
    %c0_i32_0 = arith.constant 0 : i32
    %c0_i32_1 = arith.constant 0 : i32
    return %c0_i32, %c0_i32_0 : i32, i32
  }
  func.func @transform_9(%arg0: i32) -> (i32, i32) {
    %c0_i32 = arith.constant 0 : i32
    %c0_i32_0 = arith.constant 0 : i32
    %c0_i32_1 = arith.constant 0 : i32
    return %c0_i32, %c0_i32_0 : i32, i32
  }
  func.func @transform_10(%arg0: i32) -> (i32, i32) {
    %c0_i32 = arith.constant 0 : i32
    %c0_i32_0 = arith.constant 0 : i32
    %c0_i32_1 = arith.constant 0 : i32
    return %c0_i32, %c0_i32_0 : i32, i32
  }
  func.func @transform_11(%arg0: i32) -> (i32, i32) {
    %c0_i32 = arith.constant 0 : i32
    %c0_i32_0 = arith.constant 0 : i32
    %c0_i32_1 = arith.constant 0 : i32
    return %c0_i32, %c0_i32_0 : i32, i32
  }
  func.func @transform_12(%arg0: i32) -> (i32, i32) {
    %c0_i32 = arith.constant 0 : i32
    %c0_i32_0 = arith.constant 0 : i32
    %c0_i32_1 = arith.constant 0 : i32
    return %c0_i32, %c0_i32_0 : i32, i32
  }
}

module attributes {stable_mosaic.version = 14 : i64} {
  func.func @_final_body(%arg0: i32, %arg1: memref<1152x256xf32, #tpu.memory_space<vmem>>, %arg2: memref<1152x256xf32, #tpu.memory_space<vmem>>, %arg3: memref<1152x256xf32, #tpu.memory_space<vmem>>, %arg4: memref<1152x256xf32, #tpu.memory_space<vmem>>, %arg5: memref<1152x256xf32, #tpu.memory_space<vmem>>, %arg6: memref<1152x256xf32, #tpu.memory_space<vmem>>, %arg7: memref<1152x5xi32, #tpu.memory_space<vmem>>, %arg8: memref<1152x256xbf16, #tpu.memory_space<vmem>>, %arg9: memref<512x6xi32, #tpu.memory_space<vmem>>, %arg10: memref<256x256xf32, #tpu.memory_space<vmem>>, %arg11: memref<256x4xbf16, #tpu.memory_space<vmem>>, %arg12: memref<256x4xbf16, #tpu.memory_space<vmem>>, %arg13: memref<256x4xbf16, #tpu.memory_space<vmem>>, %arg14: memref<256x4xbf16, #tpu.memory_space<vmem>>, %arg15: memref<4x256xbf16, #tpu.memory_space<vmem>>, %arg16: memref<256x256xf32, #tpu.memory_space<vmem>>, %arg17: memref<256x256xf32, #tpu.memory_space<vmem>>, %arg18: memref<1x256xf32, #tpu.memory_space<vmem>>, %arg19: memref<512x256xf32, #tpu.memory_space<vmem>>) attributes {dimension_semantics = [#tpu.dimension_semantics<arbitrary>], iteration_bounds = array<i64: 1>, scalar_prefetch = 0 : i64, scratch_operands = 0 : i64, tpu.core_type = #tpu.core_type<tc>, window_params = [{transform_indices = @transform_0, window_bounds = array<i64: 1152, 256>}, {transform_indices = @transform_1, window_bounds = array<i64: 1152, 256>}, {transform_indices = @transform_2, window_bounds = array<i64: 1152, 256>}, {transform_indices = @transform_3, window_bounds = array<i64: 1152, 256>}, {transform_indices = @transform_4, window_bounds = array<i64: 1152, 256>}, {transform_indices = @transform_5, window_bounds = array<i64: 1152, 256>}, {pipeline_mode = #tpu.pipeline_mode<synchronous>, transform_indices = @transform_6, window_bounds = array<i64: 1152, 5>}, {pipeline_mode = #tpu.pipeline_mode<synchronous>, transform_indices = @transform_7, window_bounds = array<i64: 1152, 256>}, {pipeline_mode = #tpu.pipeline_mode<synchronous>, transform_indices = @transform_8, window_bounds = array<i64: 512, 6>}, {pipeline_mode = #tpu.pipeline_mode<synchronous>, transform_indices = @transform_9, window_bounds = array<i64: 256, 256>}, {pipeline_mode = #tpu.pipeline_mode<synchronous>, transform_indices = @transform_10, window_bounds = array<i64: 256, 4>}, {pipeline_mode = #tpu.pipeline_mode<synchronous>, transform_indices = @transform_11, window_bounds = array<i64: 256, 4>}, {pipeline_mode = #tpu.pipeline_mode<synchronous>, transform_indices = @transform_12, window_bounds = array<i64: 256, 4>}, {pipeline_mode = #tpu.pipeline_mode<synchronous>, transform_indices = @transform_13, window_bounds = array<i64: 256, 4>}, {pipeline_mode = #tpu.pipeline_mode<synchronous>, transform_indices = @transform_14, window_bounds = array<i64: 4, 256>}, {pipeline_mode = #tpu.pipeline_mode<synchronous>, transform_indices = @transform_15, window_bounds = array<i64: 256, 256>}, {pipeline_mode = #tpu.pipeline_mode<synchronous>, transform_indices = @transform_16, window_bounds = array<i64: 256, 256>}, {pipeline_mode = #tpu.pipeline_mode<synchronous>, transform_indices = @transform_17, window_bounds = array<i64: 1, 256>}, {pipeline_mode = #tpu.pipeline_mode<synchronous>, transform_indices = @transform_18, window_bounds = array<i64: 512, 256>}]} {
    %get3A = arith.constant 0 : index
    %get3A_0 = arith.constant 0 : index
    %get3A_1 = vector.load %arg1[%get3A, %get3A_0] : memref<1152x256xf32, #tpu.memory_space<vmem>>, vector<1152x256xf32>
    %get3A_2 = arith.constant 0 : index
    %get3A_3 = arith.constant 0 : index
    %get3A_4 = vector.load %arg10[%get3A_2, %get3A_3] : memref<256x256xf32, #tpu.memory_space<vmem>>, vector<256x256xf32>
    %dot_general3A = arith.constant dense<0.000000e+00> : vector<1152x256xf32>
    %dot_general3A_5 = tpu.matmul %get3A_1, %get3A_4, %dot_general3A {dimension_numbers = #tpu.dot_dimension_numbers<[1], [0], [0], [1], [0, 0, 1, 1], [], []>, transpose_lhs_hint = false} : vector<1152x256xf32>, vector<256x256xf32>, vector<1152x256xf32> -> vector<1152x256xf32>
    %get3A_6 = arith.constant 0 : index
    %get3A_7 = arith.constant 0 : index
    %get3A_8 = vector.load %arg2[%get3A_6, %get3A_7] : memref<1152x256xf32, #tpu.memory_space<vmem>>, vector<1152x256xf32>
    %get3A_9 = arith.constant 0 : index
    %get3A_10 = arith.constant 0 : index
    %get3A_11 = vector.load %arg10[%get3A_9, %get3A_10] : memref<256x256xf32, #tpu.memory_space<vmem>>, vector<256x256xf32>
    %dot_general3A_12 = arith.constant dense<0.000000e+00> : vector<1152x256xf32>
    %dot_general3A_13 = tpu.matmul %get3A_8, %get3A_11, %dot_general3A_12 {dimension_numbers = #tpu.dot_dimension_numbers<[1], [0], [0], [1], [0, 0, 1, 1], [], []>, transpose_lhs_hint = false} : vector<1152x256xf32>, vector<256x256xf32>, vector<1152x256xf32> -> vector<1152x256xf32>
    %get3A_14 = arith.constant 0 : index
    %get3A_15 = arith.constant 0 : index
    %get3A_16 = vector.load %arg3[%get3A_14, %get3A_15] : memref<1152x256xf32, #tpu.memory_space<vmem>>, vector<1152x256xf32>
    %get3A_17 = arith.constant 0 : index
    %get3A_18 = arith.constant 0 : index
    %get3A_19 = vector.load %arg10[%get3A_17, %get3A_18] : memref<256x256xf32, #tpu.memory_space<vmem>>, vector<256x256xf32>
    %dot_general3A_20 = arith.constant dense<0.000000e+00> : vector<1152x256xf32>
    %dot_general3A_21 = tpu.matmul %get3A_16, %get3A_19, %dot_general3A_20 {dimension_numbers = #tpu.dot_dimension_numbers<[1], [0], [0], [1], [0, 0, 1, 1], [], []>, transpose_lhs_hint = false} : vector<1152x256xf32>, vector<256x256xf32>, vector<1152x256xf32> -> vector<1152x256xf32>
    %get3A_22 = arith.constant 0 : index
    %get3A_23 = arith.constant 0 : index
    %get3A_24 = vector.load %arg4[%get3A_22, %get3A_23] : memref<1152x256xf32, #tpu.memory_space<vmem>>, vector<1152x256xf32>
    %get3A_25 = arith.constant 0 : index
    %get3A_26 = arith.constant 0 : index
    %get3A_27 = vector.load %arg10[%get3A_25, %get3A_26] : memref<256x256xf32, #tpu.memory_space<vmem>>, vector<256x256xf32>
    %dot_general3A_28 = arith.constant dense<0.000000e+00> : vector<1152x256xf32>
    %dot_general3A_29 = tpu.matmul %get3A_24, %get3A_27, %dot_general3A_28 {dimension_numbers = #tpu.dot_dimension_numbers<[1], [0], [0], [1], [0, 0, 1, 1], [], []>, transpose_lhs_hint = false} : vector<1152x256xf32>, vector<256x256xf32>, vector<1152x256xf32> -> vector<1152x256xf32>
    %get3A_30 = arith.constant 0 : index
    %get3A_31 = arith.constant 0 : index
    %get3A_32 = vector.load %arg5[%get3A_30, %get3A_31] : memref<1152x256xf32, #tpu.memory_space<vmem>>, vector<1152x256xf32>
    %get3A_33 = arith.constant 0 : index
    %get3A_34 = arith.constant 0 : index
    %get3A_35 = vector.load %arg10[%get3A_33, %get3A_34] : memref<256x256xf32, #tpu.memory_space<vmem>>, vector<256x256xf32>
    %dot_general3A_36 = arith.constant dense<0.000000e+00> : vector<1152x256xf32>
    %dot_general3A_37 = tpu.matmul %get3A_32, %get3A_35, %dot_general3A_36 {dimension_numbers = #tpu.dot_dimension_numbers<[1], [0], [0], [1], [0, 0, 1, 1], [], []>, transpose_lhs_hint = false} : vector<1152x256xf32>, vector<256x256xf32>, vector<1152x256xf32> -> vector<1152x256xf32>
    %get3A_38 = arith.constant 0 : index
    %get3A_39 = arith.constant 0 : index
    %get3A_40 = vector.load %arg6[%get3A_38, %get3A_39] : memref<1152x256xf32, #tpu.memory_space<vmem>>, vector<1152x256xf32>
    %get3A_41 = arith.constant 0 : index
    %get3A_42 = arith.constant 0 : index
    %get3A_43 = vector.load %arg10[%get3A_41, %get3A_42] : memref<256x256xf32, #tpu.memory_space<vmem>>, vector<256x256xf32>
    %dot_general3A_44 = arith.constant dense<0.000000e+00> : vector<1152x256xf32>
    %dot_general3A_45 = tpu.matmul %get3A_40, %get3A_43, %dot_general3A_44 {dimension_numbers = #tpu.dot_dimension_numbers<[1], [0], [0], [1], [0, 0, 1, 1], [], []>, transpose_lhs_hint = false} : vector<1152x256xf32>, vector<256x256xf32>, vector<1152x256xf32> -> vector<1152x256xf32>
    %get3A_46 = arith.constant 0 : index
    %get3A_47 = arith.constant 0 : index
    %get3A_48 = vector.load %arg7[%get3A_46, %get3A_47] : memref<1152x5xi32, #tpu.memory_space<vmem>>, vector<1152x5xi32>
    %convert_element_type3A = arith.truncf %dot_general3A_45 : vector<1152x256xf32> to vector<1152x256xbf16>
    %get3A_49 = arith.constant 0 : index
    %get3A_50 = arith.constant 0 : index
    %get3A_51 = vector.load %arg11[%get3A_49, %get3A_50] : memref<256x4xbf16, #tpu.memory_space<vmem>>, vector<256x4xbf16>
    %dot_general3A_52 = arith.constant dense<0.000000e+00> : vector<1152x4xf32>
    %dot_general3A_53 = tpu.matmul %convert_element_type3A, %get3A_51, %dot_general3A_52 {dimension_numbers = #tpu.dot_dimension_numbers<[1], [0], [0], [1], [0, 0, 1, 1], [], []>, transpose_lhs_hint = false} : vector<1152x256xbf16>, vector<256x4xbf16>, vector<1152x4xf32> -> vector<1152x4xf32>
    %convert_element_type3A_54 = arith.truncf %dot_general3A_5 : vector<1152x256xf32> to vector<1152x256xbf16>
    %get3A_55 = arith.constant 0 : index
    %get3A_56 = arith.constant 0 : index
    %get3A_57 = vector.load %arg12[%get3A_55, %get3A_56] : memref<256x4xbf16, #tpu.memory_space<vmem>>, vector<256x4xbf16>
    %dot_general3A_58 = arith.constant dense<0.000000e+00> : vector<1152x4xf32>
    %dot_general3A_59 = tpu.matmul %convert_element_type3A_54, %get3A_57, %dot_general3A_58 {dimension_numbers = #tpu.dot_dimension_numbers<[1], [0], [0], [1], [0, 0, 1, 1], [], []>, transpose_lhs_hint = false} : vector<1152x256xbf16>, vector<256x4xbf16>, vector<1152x4xf32> -> vector<1152x4xf32>
    %add3A = arith.addf %dot_general3A_53, %dot_general3A_59 : vector<1152x4xf32>
    %ge3A = arith.constant 0.000000e+00 : f32
    %ge3A_60 = vector.broadcast %ge3A : f32 to vector<1152x4xf32>
    %ge3A_61 = arith.cmpf oge, %add3A, %ge3A_60 : vector<1152x4xf32>
    %mul3A = arith.constant 2.000000e-01 : f32
    %mul3A_62 = vector.broadcast %mul3A : f32 to vector<1152x4xf32>
    %mul3A_63 = arith.mulf %mul3A_62, %add3A : vector<1152x4xf32>
    %select_n3A = arith.select %ge3A_61, %add3A, %mul3A_63 : vector<1152x4xi1>, vector<1152x4xf32>
    %convert_element_type3A_64 = arith.truncf %dot_general3A_13 : vector<1152x256xf32> to vector<1152x256xbf16>
    %get3A_65 = arith.constant 0 : index
    %get3A_66 = arith.constant 0 : index
    %get3A_67 = vector.load %arg12[%get3A_65, %get3A_66] : memref<256x4xbf16, #tpu.memory_space<vmem>>, vector<256x4xbf16>
    %dot_general3A_68 = arith.constant dense<0.000000e+00> : vector<1152x4xf32>
    %dot_general3A_69 = tpu.matmul %convert_element_type3A_64, %get3A_67, %dot_general3A_68 {dimension_numbers = #tpu.dot_dimension_numbers<[1], [0], [0], [1], [0, 0, 1, 1], [], []>, transpose_lhs_hint = false} : vector<1152x256xbf16>, vector<256x4xbf16>, vector<1152x4xf32> -> vector<1152x4xf32>
    %add3A_70 = arith.addf %dot_general3A_53, %dot_general3A_69 : vector<1152x4xf32>
    %ge3A_71 = arith.constant 0.000000e+00 : f32
    %ge3A_72 = vector.broadcast %ge3A_71 : f32 to vector<1152x4xf32>
    %ge3A_73 = arith.cmpf oge, %add3A_70, %ge3A_72 : vector<1152x4xf32>
    %mul3A_74 = arith.constant 2.000000e-01 : f32
    %mul3A_75 = vector.broadcast %mul3A_74 : f32 to vector<1152x4xf32>
    %mul3A_76 = arith.mulf %mul3A_75, %add3A_70 : vector<1152x4xf32>
    %select_n3A_77 = arith.select %ge3A_73, %add3A_70, %mul3A_76 : vector<1152x4xi1>, vector<1152x4xf32>
    %convert_element_type3A_78 = arith.truncf %dot_general3A_21 : vector<1152x256xf32> to vector<1152x256xbf16>
    %get3A_79 = arith.constant 0 : index
    %get3A_80 = arith.constant 0 : index
    %get3A_81 = vector.load %arg12[%get3A_79, %get3A_80] : memref<256x4xbf16, #tpu.memory_space<vmem>>, vector<256x4xbf16>
    %dot_general3A_82 = arith.constant dense<0.000000e+00> : vector<1152x4xf32>
    %dot_general3A_83 = tpu.matmul %convert_element_type3A_78, %get3A_81, %dot_general3A_82 {dimension_numbers = #tpu.dot_dimension_numbers<[1], [0], [0], [1], [0, 0, 1, 1], [], []>, transpose_lhs_hint = false} : vector<1152x256xbf16>, vector<256x4xbf16>, vector<1152x4xf32> -> vector<1152x4xf32>
    %add3A_84 = arith.addf %dot_general3A_53, %dot_general3A_83 : vector<1152x4xf32>
    %ge3A_85 = arith.constant 0.000000e+00 : f32
    %ge3A_86 = vector.broadcast %ge3A_85 : f32 to vector<1152x4xf32>
    %ge3A_87 = arith.cmpf oge, %add3A_84, %ge3A_86 : vector<1152x4xf32>
    %mul3A_88 = arith.constant 2.000000e-01 : f32
    %mul3A_89 = vector.broadcast %mul3A_88 : f32 to vector<1152x4xf32>
    %mul3A_90 = arith.mulf %mul3A_89, %add3A_84 : vector<1152x4xf32>
    %select_n3A_91 = arith.select %ge3A_87, %add3A_84, %mul3A_90 : vector<1152x4xi1>, vector<1152x4xf32>
    %convert_element_type3A_92 = arith.truncf %dot_general3A_29 : vector<1152x256xf32> to vector<1152x256xbf16>
    %get3A_93 = arith.constant 0 : index
    %get3A_94 = arith.constant 0 : index
    %get3A_95 = vector.load %arg12[%get3A_93, %get3A_94] : memref<256x4xbf16, #tpu.memory_space<vmem>>, vector<256x4xbf16>
    %dot_general3A_96 = arith.constant dense<0.000000e+00> : vector<1152x4xf32>
    %dot_general3A_97 = tpu.matmul %convert_element_type3A_92, %get3A_95, %dot_general3A_96 {dimension_numbers = #tpu.dot_dimension_numbers<[1], [0], [0], [1], [0, 0, 1, 1], [], []>, transpose_lhs_hint = false} : vector<1152x256xbf16>, vector<256x4xbf16>, vector<1152x4xf32> -> vector<1152x4xf32>
    %add3A_98 = arith.addf %dot_general3A_53, %dot_general3A_97 : vector<1152x4xf32>
    %ge3A_99 = arith.constant 0.000000e+00 : f32
    %ge3A_100 = vector.broadcast %ge3A_99 : f32 to vector<1152x4xf32>
    %ge3A_101 = arith.cmpf oge, %add3A_98, %ge3A_100 : vector<1152x4xf32>
    %mul3A_102 = arith.constant 2.000000e-01 : f32
    %mul3A_103 = vector.broadcast %mul3A_102 : f32 to vector<1152x4xf32>
    %mul3A_104 = arith.mulf %mul3A_103, %add3A_98 : vector<1152x4xf32>
    %select_n3A_105 = arith.select %ge3A_101, %add3A_98, %mul3A_104 : vector<1152x4xi1>, vector<1152x4xf32>
    %convert_element_type3A_106 = arith.truncf %dot_general3A_37 : vector<1152x256xf32> to vector<1152x256xbf16>
    %get3A_107 = arith.constant 0 : index
    %get3A_108 = arith.constant 0 : index
    %get3A_109 = vector.load %arg12[%get3A_107, %get3A_108] : memref<256x4xbf16, #tpu.memory_space<vmem>>, vector<256x4xbf16>
    %dot_general3A_110 = arith.constant dense<0.000000e+00> : vector<1152x4xf32>
    %dot_general3A_111 = tpu.matmul %convert_element_type3A_106, %get3A_109, %dot_general3A_110 {dimension_numbers = #tpu.dot_dimension_numbers<[1], [0], [0], [1], [0, 0, 1, 1], [], []>, transpose_lhs_hint = false} : vector<1152x256xbf16>, vector<256x4xbf16>, vector<1152x4xf32> -> vector<1152x4xf32>
    %add3A_112 = arith.addf %dot_general3A_53, %dot_general3A_111 : vector<1152x4xf32>
    %ge3A_113 = arith.constant 0.000000e+00 : f32
    %ge3A_114 = vector.broadcast %ge3A_113 : f32 to vector<1152x4xf32>
    %ge3A_115 = arith.cmpf oge, %add3A_112, %ge3A_114 : vector<1152x4xf32>
    %mul3A_116 = arith.constant 2.000000e-01 : f32
    %mul3A_117 = vector.broadcast %mul3A_116 : f32 to vector<1152x4xf32>
    %mul3A_118 = arith.mulf %mul3A_117, %add3A_112 : vector<1152x4xf32>
    %select_n3A_119 = arith.select %ge3A_115, %add3A_112, %mul3A_118 : vector<1152x4xi1>, vector<1152x4xf32>
    %max3A = arith.maximumf %select_n3A, %select_n3A_77 : vector<1152x4xf32>
    %max3A_120 = arith.maximumf %max3A, %select_n3A_91 : vector<1152x4xf32>
    %max3A_121 = arith.maximumf %max3A_120, %select_n3A_105 : vector<1152x4xf32>
    %max3A_122 = arith.maximumf %max3A_121, %select_n3A_119 : vector<1152x4xf32>
    %slice3A = vector.extract_strided_slice %get3A_48 {offsets = [0, 0], sizes = [1152, 1], strides = [1, 1]} : vector<1152x5xi32> to vector<1152x1xi32>
    %broadcast_in_dim3A = arith.constant 0.000000e+00 : f32
    %broadcast_in_dim3A_123 = vector.broadcast %broadcast_in_dim3A : f32 to vector<1152x1xf32>
    %slice3A_124 = vector.extract_strided_slice %get3A_48 {offsets = [0, 0], sizes = [1152, 1], strides = [1, 1]} : vector<1152x5xi32> to vector<1152x1xi32>
    %eq3A = arith.cmpi eq, %slice3A_124, %slice3A : vector<1152x1xi32>
    %convert_element_type3A_125 = arith.extui %eq3A : vector<1152x1xi1> to vector<1152x1xi32>
    %convert_element_type3A_126 = arith.sitofp %convert_element_type3A_125 : vector<1152x1xi32> to vector<1152x1xf32>
    %add3A_127 = arith.addf %broadcast_in_dim3A_123, %convert_element_type3A_126 : vector<1152x1xf32>
    %slice3A_128 = vector.extract_strided_slice %get3A_48 {offsets = [0, 1], sizes = [1152, 1], strides = [1, 1]} : vector<1152x5xi32> to vector<1152x1xi32>
    %eq3A_129 = arith.cmpi eq, %slice3A_128, %slice3A : vector<1152x1xi32>
    %convert_element_type3A_130 = arith.extui %eq3A_129 : vector<1152x1xi1> to vector<1152x1xi32>
    %convert_element_type3A_131 = arith.sitofp %convert_element_type3A_130 : vector<1152x1xi32> to vector<1152x1xf32>
    %add3A_132 = arith.addf %add3A_127, %convert_element_type3A_131 : vector<1152x1xf32>
    %slice3A_133 = vector.extract_strided_slice %get3A_48 {offsets = [0, 2], sizes = [1152, 1], strides = [1, 1]} : vector<1152x5xi32> to vector<1152x1xi32>
    %eq3A_134 = arith.cmpi eq, %slice3A_133, %slice3A : vector<1152x1xi32>
    %convert_element_type3A_135 = arith.extui %eq3A_134 : vector<1152x1xi1> to vector<1152x1xi32>
    %convert_element_type3A_136 = arith.sitofp %convert_element_type3A_135 : vector<1152x1xi32> to vector<1152x1xf32>
    %add3A_137 = arith.addf %add3A_132, %convert_element_type3A_136 : vector<1152x1xf32>
    %slice3A_138 = vector.extract_strided_slice %get3A_48 {offsets = [0, 3], sizes = [1152, 1], strides = [1, 1]} : vector<1152x5xi32> to vector<1152x1xi32>
    %eq3A_139 = arith.cmpi eq, %slice3A_138, %slice3A : vector<1152x1xi32>
    %convert_element_type3A_140 = arith.extui %eq3A_139 : vector<1152x1xi1> to vector<1152x1xi32>
    %convert_element_type3A_141 = arith.sitofp %convert_element_type3A_140 : vector<1152x1xi32> to vector<1152x1xf32>
    %add3A_142 = arith.addf %add3A_137, %convert_element_type3A_141 : vector<1152x1xf32>
    %slice3A_143 = vector.extract_strided_slice %get3A_48 {offsets = [0, 4], sizes = [1152, 1], strides = [1, 1]} : vector<1152x5xi32> to vector<1152x1xi32>
    %eq3A_144 = arith.cmpi eq, %slice3A_143, %slice3A : vector<1152x1xi32>
    %convert_element_type3A_145 = arith.extui %eq3A_144 : vector<1152x1xi1> to vector<1152x1xi32>
    %convert_element_type3A_146 = arith.sitofp %convert_element_type3A_145 : vector<1152x1xi32> to vector<1152x1xf32>
    %add3A_147 = arith.addf %add3A_142, %convert_element_type3A_146 : vector<1152x1xf32>
    %sub3A = arith.subf %select_n3A, %max3A_122 : vector<1152x4xf32>
    %exp3A = math.exp %sub3A : vector<1152x4xf32>
    %div3A = vector.broadcast %add3A_147 : vector<1152x1xf32> to vector<1152x4xf32>
    %div3A_148 = arith.divf %exp3A, %div3A : vector<1152x4xf32>
    %slice3A_149 = vector.extract_strided_slice %get3A_48 {offsets = [0, 1], sizes = [1152, 1], strides = [1, 1]} : vector<1152x5xi32> to vector<1152x1xi32>
    %broadcast_in_dim3A_150 = arith.constant 0.000000e+00 : f32
    %broadcast_in_dim3A_151 = vector.broadcast %broadcast_in_dim3A_150 : f32 to vector<1152x1xf32>
    %slice3A_152 = vector.extract_strided_slice %get3A_48 {offsets = [0, 0], sizes = [1152, 1], strides = [1, 1]} : vector<1152x5xi32> to vector<1152x1xi32>
    %eq3A_153 = arith.cmpi eq, %slice3A_152, %slice3A_149 : vector<1152x1xi32>
    %convert_element_type3A_154 = arith.extui %eq3A_153 : vector<1152x1xi1> to vector<1152x1xi32>
    %convert_element_type3A_155 = arith.sitofp %convert_element_type3A_154 : vector<1152x1xi32> to vector<1152x1xf32>
    %add3A_156 = arith.addf %broadcast_in_dim3A_151, %convert_element_type3A_155 : vector<1152x1xf32>
    %slice3A_157 = vector.extract_strided_slice %get3A_48 {offsets = [0, 1], sizes = [1152, 1], strides = [1, 1]} : vector<1152x5xi32> to vector<1152x1xi32>
    %eq3A_158 = arith.cmpi eq, %slice3A_157, %slice3A_149 : vector<1152x1xi32>
    %convert_element_type3A_159 = arith.extui %eq3A_158 : vector<1152x1xi1> to vector<1152x1xi32>
    %convert_element_type3A_160 = arith.sitofp %convert_element_type3A_159 : vector<1152x1xi32> to vector<1152x1xf32>
    %add3A_161 = arith.addf %add3A_156, %convert_element_type3A_160 : vector<1152x1xf32>
    %slice3A_162 = vector.extract_strided_slice %get3A_48 {offsets = [0, 2], sizes = [1152, 1], strides = [1, 1]} : vector<1152x5xi32> to vector<1152x1xi32>
    %eq3A_163 = arith.cmpi eq, %slice3A_162, %slice3A_149 : vector<1152x1xi32>
    %convert_element_type3A_164 = arith.extui %eq3A_163 : vector<1152x1xi1> to vector<1152x1xi32>
    %convert_element_type3A_165 = arith.sitofp %convert_element_type3A_164 : vector<1152x1xi32> to vector<1152x1xf32>
    %add3A_166 = arith.addf %add3A_161, %convert_element_type3A_165 : vector<1152x1xf32>
    %slice3A_167 = vector.extract_strided_slice %get3A_48 {offsets = [0, 3], sizes = [1152, 1], strides = [1, 1]} : vector<1152x5xi32> to vector<1152x1xi32>
    %eq3A_168 = arith.cmpi eq, %slice3A_167, %slice3A_149 : vector<1152x1xi32>
    %convert_element_type3A_169 = arith.extui %eq3A_168 : vector<1152x1xi1> to vector<1152x1xi32>
    %convert_element_type3A_170 = arith.sitofp %convert_element_type3A_169 : vector<1152x1xi32> to vector<1152x1xf32>
    %add3A_171 = arith.addf %add3A_166, %convert_element_type3A_170 : vector<1152x1xf32>
    %slice3A_172 = vector.extract_strided_slice %get3A_48 {offsets = [0, 4], sizes = [1152, 1], strides = [1, 1]} : vector<1152x5xi32> to vector<1152x1xi32>
    %eq3A_173 = arith.cmpi eq, %slice3A_172, %slice3A_149 : vector<1152x1xi32>
    %convert_element_type3A_174 = arith.extui %eq3A_173 : vector<1152x1xi1> to vector<1152x1xi32>
    %convert_element_type3A_175 = arith.sitofp %convert_element_type3A_174 : vector<1152x1xi32> to vector<1152x1xf32>
    %add3A_176 = arith.addf %add3A_171, %convert_element_type3A_175 : vector<1152x1xf32>
    %sub3A_177 = arith.subf %select_n3A_77, %max3A_122 : vector<1152x4xf32>
    %exp3A_178 = math.exp %sub3A_177 : vector<1152x4xf32>
    %div3A_179 = vector.broadcast %add3A_176 : vector<1152x1xf32> to vector<1152x4xf32>
    %div3A_180 = arith.divf %exp3A_178, %div3A_179 : vector<1152x4xf32>
    %slice3A_181 = vector.extract_strided_slice %get3A_48 {offsets = [0, 2], sizes = [1152, 1], strides = [1, 1]} : vector<1152x5xi32> to vector<1152x1xi32>
    %broadcast_in_dim3A_182 = arith.constant 0.000000e+00 : f32
    %broadcast_in_dim3A_183 = vector.broadcast %broadcast_in_dim3A_182 : f32 to vector<1152x1xf32>
    %slice3A_184 = vector.extract_strided_slice %get3A_48 {offsets = [0, 0], sizes = [1152, 1], strides = [1, 1]} : vector<1152x5xi32> to vector<1152x1xi32>
    %eq3A_185 = arith.cmpi eq, %slice3A_184, %slice3A_181 : vector<1152x1xi32>
    %convert_element_type3A_186 = arith.extui %eq3A_185 : vector<1152x1xi1> to vector<1152x1xi32>
    %convert_element_type3A_187 = arith.sitofp %convert_element_type3A_186 : vector<1152x1xi32> to vector<1152x1xf32>
    %add3A_188 = arith.addf %broadcast_in_dim3A_183, %convert_element_type3A_187 : vector<1152x1xf32>
    %slice3A_189 = vector.extract_strided_slice %get3A_48 {offsets = [0, 1], sizes = [1152, 1], strides = [1, 1]} : vector<1152x5xi32> to vector<1152x1xi32>
    %eq3A_190 = arith.cmpi eq, %slice3A_189, %slice3A_181 : vector<1152x1xi32>
    %convert_element_type3A_191 = arith.extui %eq3A_190 : vector<1152x1xi1> to vector<1152x1xi32>
    %convert_element_type3A_192 = arith.sitofp %convert_element_type3A_191 : vector<1152x1xi32> to vector<1152x1xf32>
    %add3A_193 = arith.addf %add3A_188, %convert_element_type3A_192 : vector<1152x1xf32>
    %slice3A_194 = vector.extract_strided_slice %get3A_48 {offsets = [0, 2], sizes = [1152, 1], strides = [1, 1]} : vector<1152x5xi32> to vector<1152x1xi32>
    %eq3A_195 = arith.cmpi eq, %slice3A_194, %slice3A_181 : vector<1152x1xi32>
    %convert_element_type3A_196 = arith.extui %eq3A_195 : vector<1152x1xi1> to vector<1152x1xi32>
    %convert_element_type3A_197 = arith.sitofp %convert_element_type3A_196 : vector<1152x1xi32> to vector<1152x1xf32>
    %add3A_198 = arith.addf %add3A_193, %convert_element_type3A_197 : vector<1152x1xf32>
    %slice3A_199 = vector.extract_strided_slice %get3A_48 {offsets = [0, 3], sizes = [1152, 1], strides = [1, 1]} : vector<1152x5xi32> to vector<1152x1xi32>
    %eq3A_200 = arith.cmpi eq, %slice3A_199, %slice3A_181 : vector<1152x1xi32>
    %convert_element_type3A_201 = arith.extui %eq3A_200 : vector<1152x1xi1> to vector<1152x1xi32>
    %convert_element_type3A_202 = arith.sitofp %convert_element_type3A_201 : vector<1152x1xi32> to vector<1152x1xf32>
    %add3A_203 = arith.addf %add3A_198, %convert_element_type3A_202 : vector<1152x1xf32>
    %slice3A_204 = vector.extract_strided_slice %get3A_48 {offsets = [0, 4], sizes = [1152, 1], strides = [1, 1]} : vector<1152x5xi32> to vector<1152x1xi32>
    %eq3A_205 = arith.cmpi eq, %slice3A_204, %slice3A_181 : vector<1152x1xi32>
    %convert_element_type3A_206 = arith.extui %eq3A_205 : vector<1152x1xi1> to vector<1152x1xi32>
    %convert_element_type3A_207 = arith.sitofp %convert_element_type3A_206 : vector<1152x1xi32> to vector<1152x1xf32>
    %add3A_208 = arith.addf %add3A_203, %convert_element_type3A_207 : vector<1152x1xf32>
    %sub3A_209 = arith.subf %select_n3A_91, %max3A_122 : vector<1152x4xf32>
    %exp3A_210 = math.exp %sub3A_209 : vector<1152x4xf32>
    %div3A_211 = vector.broadcast %add3A_208 : vector<1152x1xf32> to vector<1152x4xf32>
    %div3A_212 = arith.divf %exp3A_210, %div3A_211 : vector<1152x4xf32>
    %slice3A_213 = vector.extract_strided_slice %get3A_48 {offsets = [0, 3], sizes = [1152, 1], strides = [1, 1]} : vector<1152x5xi32> to vector<1152x1xi32>
    %broadcast_in_dim3A_214 = arith.constant 0.000000e+00 : f32
    %broadcast_in_dim3A_215 = vector.broadcast %broadcast_in_dim3A_214 : f32 to vector<1152x1xf32>
    %slice3A_216 = vector.extract_strided_slice %get3A_48 {offsets = [0, 0], sizes = [1152, 1], strides = [1, 1]} : vector<1152x5xi32> to vector<1152x1xi32>
    %eq3A_217 = arith.cmpi eq, %slice3A_216, %slice3A_213 : vector<1152x1xi32>
    %convert_element_type3A_218 = arith.extui %eq3A_217 : vector<1152x1xi1> to vector<1152x1xi32>
    %convert_element_type3A_219 = arith.sitofp %convert_element_type3A_218 : vector<1152x1xi32> to vector<1152x1xf32>
    %add3A_220 = arith.addf %broadcast_in_dim3A_215, %convert_element_type3A_219 : vector<1152x1xf32>
    %slice3A_221 = vector.extract_strided_slice %get3A_48 {offsets = [0, 1], sizes = [1152, 1], strides = [1, 1]} : vector<1152x5xi32> to vector<1152x1xi32>
    %eq3A_222 = arith.cmpi eq, %slice3A_221, %slice3A_213 : vector<1152x1xi32>
    %convert_element_type3A_223 = arith.extui %eq3A_222 : vector<1152x1xi1> to vector<1152x1xi32>
    %convert_element_type3A_224 = arith.sitofp %convert_element_type3A_223 : vector<1152x1xi32> to vector<1152x1xf32>
    %add3A_225 = arith.addf %add3A_220, %convert_element_type3A_224 : vector<1152x1xf32>
    %slice3A_226 = vector.extract_strided_slice %get3A_48 {offsets = [0, 2], sizes = [1152, 1], strides = [1, 1]} : vector<1152x5xi32> to vector<1152x1xi32>
    %eq3A_227 = arith.cmpi eq, %slice3A_226, %slice3A_213 : vector<1152x1xi32>
    %convert_element_type3A_228 = arith.extui %eq3A_227 : vector<1152x1xi1> to vector<1152x1xi32>
    %convert_element_type3A_229 = arith.sitofp %convert_element_type3A_228 : vector<1152x1xi32> to vector<1152x1xf32>
    %add3A_230 = arith.addf %add3A_225, %convert_element_type3A_229 : vector<1152x1xf32>
    %slice3A_231 = vector.extract_strided_slice %get3A_48 {offsets = [0, 3], sizes = [1152, 1], strides = [1, 1]} : vector<1152x5xi32> to vector<1152x1xi32>
    %eq3A_232 = arith.cmpi eq, %slice3A_231, %slice3A_213 : vector<1152x1xi32>
    %convert_element_type3A_233 = arith.extui %eq3A_232 : vector<1152x1xi1> to vector<1152x1xi32>
    %convert_element_type3A_234 = arith.sitofp %convert_element_type3A_233 : vector<1152x1xi32> to vector<1152x1xf32>
    %add3A_235 = arith.addf %add3A_230, %convert_element_type3A_234 : vector<1152x1xf32>
    %slice3A_236 = vector.extract_strided_slice %get3A_48 {offsets = [0, 4], sizes = [1152, 1], strides = [1, 1]} : vector<1152x5xi32> to vector<1152x1xi32>
    %eq3A_237 = arith.cmpi eq, %slice3A_236, %slice3A_213 : vector<1152x1xi32>
    %convert_element_type3A_238 = arith.extui %eq3A_237 : vector<1152x1xi1> to vector<1152x1xi32>
    %convert_element_type3A_239 = arith.sitofp %convert_element_type3A_238 : vector<1152x1xi32> to vector<1152x1xf32>
    %add3A_240 = arith.addf %add3A_235, %convert_element_type3A_239 : vector<1152x1xf32>
    %sub3A_241 = arith.subf %select_n3A_105, %max3A_122 : vector<1152x4xf32>
    %exp3A_242 = math.exp %sub3A_241 : vector<1152x4xf32>
    %div3A_243 = vector.broadcast %add3A_240 : vector<1152x1xf32> to vector<1152x4xf32>
    %div3A_244 = arith.divf %exp3A_242, %div3A_243 : vector<1152x4xf32>
    %slice3A_245 = vector.extract_strided_slice %get3A_48 {offsets = [0, 4], sizes = [1152, 1], strides = [1, 1]} : vector<1152x5xi32> to vector<1152x1xi32>
    %broadcast_in_dim3A_246 = arith.constant 0.000000e+00 : f32
    %broadcast_in_dim3A_247 = vector.broadcast %broadcast_in_dim3A_246 : f32 to vector<1152x1xf32>
    %slice3A_248 = vector.extract_strided_slice %get3A_48 {offsets = [0, 0], sizes = [1152, 1], strides = [1, 1]} : vector<1152x5xi32> to vector<1152x1xi32>
    %eq3A_249 = arith.cmpi eq, %slice3A_248, %slice3A_245 : vector<1152x1xi32>
    %convert_element_type3A_250 = arith.extui %eq3A_249 : vector<1152x1xi1> to vector<1152x1xi32>
    %convert_element_type3A_251 = arith.sitofp %convert_element_type3A_250 : vector<1152x1xi32> to vector<1152x1xf32>
    %add3A_252 = arith.addf %broadcast_in_dim3A_247, %convert_element_type3A_251 : vector<1152x1xf32>
    %slice3A_253 = vector.extract_strided_slice %get3A_48 {offsets = [0, 1], sizes = [1152, 1], strides = [1, 1]} : vector<1152x5xi32> to vector<1152x1xi32>
    %eq3A_254 = arith.cmpi eq, %slice3A_253, %slice3A_245 : vector<1152x1xi32>
    %convert_element_type3A_255 = arith.extui %eq3A_254 : vector<1152x1xi1> to vector<1152x1xi32>
    %convert_element_type3A_256 = arith.sitofp %convert_element_type3A_255 : vector<1152x1xi32> to vector<1152x1xf32>
    %add3A_257 = arith.addf %add3A_252, %convert_element_type3A_256 : vector<1152x1xf32>
    %slice3A_258 = vector.extract_strided_slice %get3A_48 {offsets = [0, 2], sizes = [1152, 1], strides = [1, 1]} : vector<1152x5xi32> to vector<1152x1xi32>
    %eq3A_259 = arith.cmpi eq, %slice3A_258, %slice3A_245 : vector<1152x1xi32>
    %convert_element_type3A_260 = arith.extui %eq3A_259 : vector<1152x1xi1> to vector<1152x1xi32>
    %convert_element_type3A_261 = arith.sitofp %convert_element_type3A_260 : vector<1152x1xi32> to vector<1152x1xf32>
    %add3A_262 = arith.addf %add3A_257, %convert_element_type3A_261 : vector<1152x1xf32>
    %slice3A_263 = vector.extract_strided_slice %get3A_48 {offsets = [0, 3], sizes = [1152, 1], strides = [1, 1]} : vector<1152x5xi32> to vector<1152x1xi32>
    %eq3A_264 = arith.cmpi eq, %slice3A_263, %slice3A_245 : vector<1152x1xi32>
    %convert_element_type3A_265 = arith.extui %eq3A_264 : vector<1152x1xi1> to vector<1152x1xi32>
    %convert_element_type3A_266 = arith.sitofp %convert_element_type3A_265 : vector<1152x1xi32> to vector<1152x1xf32>
    %add3A_267 = arith.addf %add3A_262, %convert_element_type3A_266 : vector<1152x1xf32>
    %slice3A_268 = vector.extract_strided_slice %get3A_48 {offsets = [0, 4], sizes = [1152, 1], strides = [1, 1]} : vector<1152x5xi32> to vector<1152x1xi32>
    %eq3A_269 = arith.cmpi eq, %slice3A_268, %slice3A_245 : vector<1152x1xi32>
    %convert_element_type3A_270 = arith.extui %eq3A_269 : vector<1152x1xi1> to vector<1152x1xi32>
    %convert_element_type3A_271 = arith.sitofp %convert_element_type3A_270 : vector<1152x1xi32> to vector<1152x1xf32>
    %add3A_272 = arith.addf %add3A_267, %convert_element_type3A_271 : vector<1152x1xf32>
    %sub3A_273 = arith.subf %select_n3A_119, %max3A_122 : vector<1152x4xf32>
    %exp3A_274 = math.exp %sub3A_273 : vector<1152x4xf32>
    %div3A_275 = vector.broadcast %add3A_272 : vector<1152x1xf32> to vector<1152x4xf32>
    %div3A_276 = arith.divf %exp3A_274, %div3A_275 : vector<1152x4xf32>
    %add3A_277 = arith.addf %div3A_148, %div3A_180 : vector<1152x4xf32>
    %add3A_278 = arith.addf %add3A_277, %div3A_212 : vector<1152x4xf32>
    %add3A_279 = arith.addf %add3A_278, %div3A_244 : vector<1152x4xf32>
    %add3A_280 = arith.addf %add3A_279, %div3A_276 : vector<1152x4xf32>
    %div3A_281 = arith.constant 1.000000e+00 : f32
    %div3A_282 = vector.broadcast %div3A_281 : f32 to vector<1152x4xf32>
    %div3A_283 = arith.divf %div3A_282, %add3A_280 : vector<1152x4xf32>
    %broadcast_in_dim3A_284 = arith.constant 0.000000e+00 : f32
    %broadcast_in_dim3A_285 = vector.broadcast %broadcast_in_dim3A_284 : f32 to vector<1152x256xf32>
    %mul3A_286 = arith.mulf %div3A_148, %div3A_283 : vector<1152x4xf32>
    %convert_element_type3A_287 = arith.truncf %mul3A_286 : vector<1152x4xf32> to vector<1152x4xbf16>
    %get3A_288 = arith.constant 0 : index
    %get3A_289 = arith.constant 0 : index
    %get3A_290 = vector.load %arg15[%get3A_288, %get3A_289] : memref<4x256xbf16, #tpu.memory_space<vmem>>, vector<4x256xbf16>
    %dot_general3A_291 = arith.constant dense<0.000000e+00> : vector<1152x256xf32>
    %dot_general3A_292 = tpu.matmul %convert_element_type3A_287, %get3A_290, %dot_general3A_291 {dimension_numbers = #tpu.dot_dimension_numbers<[1], [0], [0], [1], [0, 0, 1, 1], [], []>, transpose_lhs_hint = false} : vector<1152x4xbf16>, vector<4x256xbf16>, vector<1152x256xf32> -> vector<1152x256xf32>
    %convert_element_type3A_293 = arith.truncf %dot_general3A_5 : vector<1152x256xf32> to vector<1152x256xbf16>
    %convert_element_type3A_294 = arith.extf %convert_element_type3A_293 : vector<1152x256xbf16> to vector<1152x256xf32>
    %mul3A_295 = arith.mulf %dot_general3A_292, %convert_element_type3A_294 : vector<1152x256xf32>
    %add3A_296 = arith.addf %broadcast_in_dim3A_285, %mul3A_295 : vector<1152x256xf32>
    %mul3A_297 = arith.mulf %div3A_180, %div3A_283 : vector<1152x4xf32>
    %convert_element_type3A_298 = arith.truncf %mul3A_297 : vector<1152x4xf32> to vector<1152x4xbf16>
    %get3A_299 = arith.constant 0 : index
    %get3A_300 = arith.constant 0 : index
    %get3A_301 = vector.load %arg15[%get3A_299, %get3A_300] : memref<4x256xbf16, #tpu.memory_space<vmem>>, vector<4x256xbf16>
    %dot_general3A_302 = arith.constant dense<0.000000e+00> : vector<1152x256xf32>
    %dot_general3A_303 = tpu.matmul %convert_element_type3A_298, %get3A_301, %dot_general3A_302 {dimension_numbers = #tpu.dot_dimension_numbers<[1], [0], [0], [1], [0, 0, 1, 1], [], []>, transpose_lhs_hint = false} : vector<1152x4xbf16>, vector<4x256xbf16>, vector<1152x256xf32> -> vector<1152x256xf32>
    %convert_element_type3A_304 = arith.truncf %dot_general3A_13 : vector<1152x256xf32> to vector<1152x256xbf16>
    %convert_element_type3A_305 = arith.extf %convert_element_type3A_304 : vector<1152x256xbf16> to vector<1152x256xf32>
    %mul3A_306 = arith.mulf %dot_general3A_303, %convert_element_type3A_305 : vector<1152x256xf32>
    %add3A_307 = arith.addf %add3A_296, %mul3A_306 : vector<1152x256xf32>
    %mul3A_308 = arith.mulf %div3A_212, %div3A_283 : vector<1152x4xf32>
    %convert_element_type3A_309 = arith.truncf %mul3A_308 : vector<1152x4xf32> to vector<1152x4xbf16>
    %get3A_310 = arith.constant 0 : index
    %get3A_311 = arith.constant 0 : index
    %get3A_312 = vector.load %arg15[%get3A_310, %get3A_311] : memref<4x256xbf16, #tpu.memory_space<vmem>>, vector<4x256xbf16>
    %dot_general3A_313 = arith.constant dense<0.000000e+00> : vector<1152x256xf32>
    %dot_general3A_314 = tpu.matmul %convert_element_type3A_309, %get3A_312, %dot_general3A_313 {dimension_numbers = #tpu.dot_dimension_numbers<[1], [0], [0], [1], [0, 0, 1, 1], [], []>, transpose_lhs_hint = false} : vector<1152x4xbf16>, vector<4x256xbf16>, vector<1152x256xf32> -> vector<1152x256xf32>
    %convert_element_type3A_315 = arith.truncf %dot_general3A_21 : vector<1152x256xf32> to vector<1152x256xbf16>
    %convert_element_type3A_316 = arith.extf %convert_element_type3A_315 : vector<1152x256xbf16> to vector<1152x256xf32>
    %mul3A_317 = arith.mulf %dot_general3A_314, %convert_element_type3A_316 : vector<1152x256xf32>
    %add3A_318 = arith.addf %add3A_307, %mul3A_317 : vector<1152x256xf32>
    %mul3A_319 = arith.mulf %div3A_244, %div3A_283 : vector<1152x4xf32>
    %convert_element_type3A_320 = arith.truncf %mul3A_319 : vector<1152x4xf32> to vector<1152x4xbf16>
    %get3A_321 = arith.constant 0 : index
    %get3A_322 = arith.constant 0 : index
    %get3A_323 = vector.load %arg15[%get3A_321, %get3A_322] : memref<4x256xbf16, #tpu.memory_space<vmem>>, vector<4x256xbf16>
    %dot_general3A_324 = arith.constant dense<0.000000e+00> : vector<1152x256xf32>
    %dot_general3A_325 = tpu.matmul %convert_element_type3A_320, %get3A_323, %dot_general3A_324 {dimension_numbers = #tpu.dot_dimension_numbers<[1], [0], [0], [1], [0, 0, 1, 1], [], []>, transpose_lhs_hint = false} : vector<1152x4xbf16>, vector<4x256xbf16>, vector<1152x256xf32> -> vector<1152x256xf32>
    %convert_element_type3A_326 = arith.truncf %dot_general3A_29 : vector<1152x256xf32> to vector<1152x256xbf16>
    %convert_element_type3A_327 = arith.extf %convert_element_type3A_326 : vector<1152x256xbf16> to vector<1152x256xf32>
    %mul3A_328 = arith.mulf %dot_general3A_325, %convert_element_type3A_327 : vector<1152x256xf32>
    %add3A_329 = arith.addf %add3A_318, %mul3A_328 : vector<1152x256xf32>
    %mul3A_330 = arith.mulf %div3A_276, %div3A_283 : vector<1152x4xf32>
    %convert_element_type3A_331 = arith.truncf %mul3A_330 : vector<1152x4xf32> to vector<1152x4xbf16>
    %get3A_332 = arith.constant 0 : index
    %get3A_333 = arith.constant 0 : index
    %get3A_334 = vector.load %arg15[%get3A_332, %get3A_333] : memref<4x256xbf16, #tpu.memory_space<vmem>>, vector<4x256xbf16>
    %dot_general3A_335 = arith.constant dense<0.000000e+00> : vector<1152x256xf32>
    %dot_general3A_336 = tpu.matmul %convert_element_type3A_331, %get3A_334, %dot_general3A_335 {dimension_numbers = #tpu.dot_dimension_numbers<[1], [0], [0], [1], [0, 0, 1, 1], [], []>, transpose_lhs_hint = false} : vector<1152x4xbf16>, vector<4x256xbf16>, vector<1152x256xf32> -> vector<1152x256xf32>
    %convert_element_type3A_337 = arith.truncf %dot_general3A_37 : vector<1152x256xf32> to vector<1152x256xbf16>
    %convert_element_type3A_338 = arith.extf %convert_element_type3A_337 : vector<1152x256xbf16> to vector<1152x256xf32>
    %mul3A_339 = arith.mulf %dot_general3A_336, %convert_element_type3A_338 : vector<1152x256xf32>
    %add3A_340 = arith.addf %add3A_329, %mul3A_339 : vector<1152x256xf32>
    %gt3A = arith.constant 0.000000e+00 : f32
    %gt3A_341 = vector.broadcast %gt3A : f32 to vector<1152x256xf32>
    %gt3A_342 = arith.cmpf ogt, %add3A_340, %gt3A_341 : vector<1152x256xf32>
    %exp3A_343 = math.exp %add3A_340 : vector<1152x256xf32>
    %sub3A_344 = arith.constant 1.000000e+00 : f32
    %sub3A_345 = vector.broadcast %sub3A_344 : f32 to vector<1152x256xf32>
    %sub3A_346 = arith.subf %exp3A_343, %sub3A_345 : vector<1152x256xf32>
    %select_n3A_347 = arith.select %gt3A_342, %add3A_340, %sub3A_346 : vector<1152x256xi1>, vector<1152x256xf32>
    %get3A_348 = arith.constant 0 : index
    %get3A_349 = arith.constant 0 : index
    %get3A_350 = vector.load %arg16[%get3A_348, %get3A_349] : memref<256x256xf32, #tpu.memory_space<vmem>>, vector<256x256xf32>
    %dot_general3A_351 = arith.constant dense<0.000000e+00> : vector<1152x256xf32>
    %dot_general3A_352 = tpu.matmul %select_n3A_347, %get3A_350, %dot_general3A_351 {dimension_numbers = #tpu.dot_dimension_numbers<[1], [0], [0], [1], [0, 0, 1, 1], [], []>, transpose_lhs_hint = false} : vector<1152x256xf32>, vector<256x256xf32>, vector<1152x256xf32> -> vector<1152x256xf32>
    %convert_element_type3A_353 = arith.truncf %dot_general3A_352 : vector<1152x256xf32> to vector<1152x256xbf16>
    %get3A_354 = arith.constant 0 : index
    %get3A_355 = arith.constant 0 : index
    %get3A_356 = vector.load %arg8[%get3A_354, %get3A_355] : memref<1152x256xbf16, #tpu.memory_space<vmem>>, vector<1152x256xbf16>
    %get3A_357 = arith.constant 0 : index
    %get3A_358 = arith.constant 0 : index
    %get3A_359 = vector.load %arg9[%get3A_357, %get3A_358] : memref<512x6xi32, #tpu.memory_space<vmem>>, vector<512x6xi32>
    %iota3A = tpu.iota {dimensions = array<i32: 1>} : vector<512x1152xi32>
    %add3A_360 = arith.constant 1152 : i32
    %add3A_361 = vector.broadcast %add3A_360 : i32 to vector<512x1152xi32>
    %add3A_362 = arith.addi %iota3A, %add3A_361 : vector<512x1152xi32>
    %slice3A_363 = vector.extract_strided_slice %get3A_359 {offsets = [0, 0], sizes = [512, 1], strides = [1, 1]} : vector<512x6xi32> to vector<512x1xi32>
    %eq3A_364 = vector.broadcast %slice3A_363 : vector<512x1xi32> to vector<512x1152xi32>
    %eq3A_365 = arith.cmpi eq, %iota3A, %eq3A_364 : vector<512x1152xi32>
    %convert_element_type3A_366 = arith.extui %eq3A_365 : vector<512x1152xi1> to vector<512x1152xi32>
    %convert_element_type3A_367 = arith.sitofp %convert_element_type3A_366 : vector<512x1152xi32> to vector<512x1152xf32>
    %convert_element_type3A_368 = arith.truncf %convert_element_type3A_367 : vector<512x1152xf32> to vector<512x1152xbf16>
    %eq3A_369 = vector.broadcast %slice3A_363 : vector<512x1xi32> to vector<512x1152xi32>
    %eq3A_370 = arith.cmpi eq, %add3A_362, %eq3A_369 : vector<512x1152xi32>
    %convert_element_type3A_371 = arith.extui %eq3A_370 : vector<512x1152xi1> to vector<512x1152xi32>
    %convert_element_type3A_372 = arith.sitofp %convert_element_type3A_371 : vector<512x1152xi32> to vector<512x1152xf32>
    %convert_element_type3A_373 = arith.truncf %convert_element_type3A_372 : vector<512x1152xf32> to vector<512x1152xbf16>
    %dot_general3A_374 = arith.constant dense<0.000000e+00> : vector<512x256xf32>
    %dot_general3A_375 = tpu.matmul %convert_element_type3A_368, %get3A_356, %dot_general3A_374 {dimension_numbers = #tpu.dot_dimension_numbers<[1], [0], [0], [1], [0, 0, 1, 1], [], []>, transpose_lhs_hint = false} : vector<512x1152xbf16>, vector<1152x256xbf16>, vector<512x256xf32> -> vector<512x256xf32>
    %dot_general3A_376 = arith.constant dense<0.000000e+00> : vector<512x256xf32>
    %dot_general3A_377 = tpu.matmul %convert_element_type3A_373, %convert_element_type3A_353, %dot_general3A_376 {dimension_numbers = #tpu.dot_dimension_numbers<[1], [0], [0], [1], [0, 0, 1, 1], [], []>, transpose_lhs_hint = false} : vector<512x1152xbf16>, vector<1152x256xbf16>, vector<512x256xf32> -> vector<512x256xf32>
    %add3A_378 = arith.addf %dot_general3A_375, %dot_general3A_377 : vector<512x256xf32>
    %slice3A_379 = vector.extract_strided_slice %get3A_359 {offsets = [0, 1], sizes = [512, 1], strides = [1, 1]} : vector<512x6xi32> to vector<512x1xi32>
    %eq3A_380 = vector.broadcast %slice3A_379 : vector<512x1xi32> to vector<512x1152xi32>
    %eq3A_381 = arith.cmpi eq, %iota3A, %eq3A_380 : vector<512x1152xi32>
    %convert_element_type3A_382 = arith.extui %eq3A_381 : vector<512x1152xi1> to vector<512x1152xi32>
    %convert_element_type3A_383 = arith.sitofp %convert_element_type3A_382 : vector<512x1152xi32> to vector<512x1152xf32>
    %convert_element_type3A_384 = arith.truncf %convert_element_type3A_383 : vector<512x1152xf32> to vector<512x1152xbf16>
    %eq3A_385 = vector.broadcast %slice3A_379 : vector<512x1xi32> to vector<512x1152xi32>
    %eq3A_386 = arith.cmpi eq, %add3A_362, %eq3A_385 : vector<512x1152xi32>
    %convert_element_type3A_387 = arith.extui %eq3A_386 : vector<512x1152xi1> to vector<512x1152xi32>
    %convert_element_type3A_388 = arith.sitofp %convert_element_type3A_387 : vector<512x1152xi32> to vector<512x1152xf32>
    %convert_element_type3A_389 = arith.truncf %convert_element_type3A_388 : vector<512x1152xf32> to vector<512x1152xbf16>
    %dot_general3A_390 = arith.constant dense<0.000000e+00> : vector<512x256xf32>
    %dot_general3A_391 = tpu.matmul %convert_element_type3A_384, %get3A_356, %dot_general3A_390 {dimension_numbers = #tpu.dot_dimension_numbers<[1], [0], [0], [1], [0, 0, 1, 1], [], []>, transpose_lhs_hint = false} : vector<512x1152xbf16>, vector<1152x256xbf16>, vector<512x256xf32> -> vector<512x256xf32>
    %dot_general3A_392 = arith.constant dense<0.000000e+00> : vector<512x256xf32>
    %dot_general3A_393 = tpu.matmul %convert_element_type3A_389, %convert_element_type3A_353, %dot_general3A_392 {dimension_numbers = #tpu.dot_dimension_numbers<[1], [0], [0], [1], [0, 0, 1, 1], [], []>, transpose_lhs_hint = false} : vector<512x1152xbf16>, vector<1152x256xbf16>, vector<512x256xf32> -> vector<512x256xf32>
    %add3A_394 = arith.addf %dot_general3A_391, %dot_general3A_393 : vector<512x256xf32>
    %slice3A_395 = vector.extract_strided_slice %get3A_359 {offsets = [0, 2], sizes = [512, 1], strides = [1, 1]} : vector<512x6xi32> to vector<512x1xi32>
    %eq3A_396 = vector.broadcast %slice3A_395 : vector<512x1xi32> to vector<512x1152xi32>
    %eq3A_397 = arith.cmpi eq, %iota3A, %eq3A_396 : vector<512x1152xi32>
    %convert_element_type3A_398 = arith.extui %eq3A_397 : vector<512x1152xi1> to vector<512x1152xi32>
    %convert_element_type3A_399 = arith.sitofp %convert_element_type3A_398 : vector<512x1152xi32> to vector<512x1152xf32>
    %convert_element_type3A_400 = arith.truncf %convert_element_type3A_399 : vector<512x1152xf32> to vector<512x1152xbf16>
    %eq3A_401 = vector.broadcast %slice3A_395 : vector<512x1xi32> to vector<512x1152xi32>
    %eq3A_402 = arith.cmpi eq, %add3A_362, %eq3A_401 : vector<512x1152xi32>
    %convert_element_type3A_403 = arith.extui %eq3A_402 : vector<512x1152xi1> to vector<512x1152xi32>
    %convert_element_type3A_404 = arith.sitofp %convert_element_type3A_403 : vector<512x1152xi32> to vector<512x1152xf32>
    %convert_element_type3A_405 = arith.truncf %convert_element_type3A_404 : vector<512x1152xf32> to vector<512x1152xbf16>
    %dot_general3A_406 = arith.constant dense<0.000000e+00> : vector<512x256xf32>
    %dot_general3A_407 = tpu.matmul %convert_element_type3A_400, %get3A_356, %dot_general3A_406 {dimension_numbers = #tpu.dot_dimension_numbers<[1], [0], [0], [1], [0, 0, 1, 1], [], []>, transpose_lhs_hint = false} : vector<512x1152xbf16>, vector<1152x256xbf16>, vector<512x256xf32> -> vector<512x256xf32>
    %dot_general3A_408 = arith.constant dense<0.000000e+00> : vector<512x256xf32>
    %dot_general3A_409 = tpu.matmul %convert_element_type3A_405, %convert_element_type3A_353, %dot_general3A_408 {dimension_numbers = #tpu.dot_dimension_numbers<[1], [0], [0], [1], [0, 0, 1, 1], [], []>, transpose_lhs_hint = false} : vector<512x1152xbf16>, vector<1152x256xbf16>, vector<512x256xf32> -> vector<512x256xf32>
    %add3A_410 = arith.addf %dot_general3A_407, %dot_general3A_409 : vector<512x256xf32>
    %slice3A_411 = vector.extract_strided_slice %get3A_359 {offsets = [0, 3], sizes = [512, 1], strides = [1, 1]} : vector<512x6xi32> to vector<512x1xi32>
    %eq3A_412 = vector.broadcast %slice3A_411 : vector<512x1xi32> to vector<512x1152xi32>
    %eq3A_413 = arith.cmpi eq, %iota3A, %eq3A_412 : vector<512x1152xi32>
    %convert_element_type3A_414 = arith.extui %eq3A_413 : vector<512x1152xi1> to vector<512x1152xi32>
    %convert_element_type3A_415 = arith.sitofp %convert_element_type3A_414 : vector<512x1152xi32> to vector<512x1152xf32>
    %convert_element_type3A_416 = arith.truncf %convert_element_type3A_415 : vector<512x1152xf32> to vector<512x1152xbf16>
    %eq3A_417 = vector.broadcast %slice3A_411 : vector<512x1xi32> to vector<512x1152xi32>
    %eq3A_418 = arith.cmpi eq, %add3A_362, %eq3A_417 : vector<512x1152xi32>
    %convert_element_type3A_419 = arith.extui %eq3A_418 : vector<512x1152xi1> to vector<512x1152xi32>
    %convert_element_type3A_420 = arith.sitofp %convert_element_type3A_419 : vector<512x1152xi32> to vector<512x1152xf32>
    %convert_element_type3A_421 = arith.truncf %convert_element_type3A_420 : vector<512x1152xf32> to vector<512x1152xbf16>
    %dot_general3A_422 = arith.constant dense<0.000000e+00> : vector<512x256xf32>
    %dot_general3A_423 = tpu.matmul %convert_element_type3A_416, %get3A_356, %dot_general3A_422 {dimension_numbers = #tpu.dot_dimension_numbers<[1], [0], [0], [1], [0, 0, 1, 1], [], []>, transpose_lhs_hint = false} : vector<512x1152xbf16>, vector<1152x256xbf16>, vector<512x256xf32> -> vector<512x256xf32>
    %dot_general3A_424 = arith.constant dense<0.000000e+00> : vector<512x256xf32>
    %dot_general3A_425 = tpu.matmul %convert_element_type3A_421, %convert_element_type3A_353, %dot_general3A_424 {dimension_numbers = #tpu.dot_dimension_numbers<[1], [0], [0], [1], [0, 0, 1, 1], [], []>, transpose_lhs_hint = false} : vector<512x1152xbf16>, vector<1152x256xbf16>, vector<512x256xf32> -> vector<512x256xf32>
    %add3A_426 = arith.addf %dot_general3A_423, %dot_general3A_425 : vector<512x256xf32>
    %slice3A_427 = vector.extract_strided_slice %get3A_359 {offsets = [0, 4], sizes = [512, 1], strides = [1, 1]} : vector<512x6xi32> to vector<512x1xi32>
    %eq3A_428 = vector.broadcast %slice3A_427 : vector<512x1xi32> to vector<512x1152xi32>
    %eq3A_429 = arith.cmpi eq, %iota3A, %eq3A_428 : vector<512x1152xi32>
    %convert_element_type3A_430 = arith.extui %eq3A_429 : vector<512x1152xi1> to vector<512x1152xi32>
    %convert_element_type3A_431 = arith.sitofp %convert_element_type3A_430 : vector<512x1152xi32> to vector<512x1152xf32>
    %convert_element_type3A_432 = arith.truncf %convert_element_type3A_431 : vector<512x1152xf32> to vector<512x1152xbf16>
    %eq3A_433 = vector.broadcast %slice3A_427 : vector<512x1xi32> to vector<512x1152xi32>
    %eq3A_434 = arith.cmpi eq, %add3A_362, %eq3A_433 : vector<512x1152xi32>
    %convert_element_type3A_435 = arith.extui %eq3A_434 : vector<512x1152xi1> to vector<512x1152xi32>
    %convert_element_type3A_436 = arith.sitofp %convert_element_type3A_435 : vector<512x1152xi32> to vector<512x1152xf32>
    %convert_element_type3A_437 = arith.truncf %convert_element_type3A_436 : vector<512x1152xf32> to vector<512x1152xbf16>
    %dot_general3A_438 = arith.constant dense<0.000000e+00> : vector<512x256xf32>
    %dot_general3A_439 = tpu.matmul %convert_element_type3A_432, %get3A_356, %dot_general3A_438 {dimension_numbers = #tpu.dot_dimension_numbers<[1], [0], [0], [1], [0, 0, 1, 1], [], []>, transpose_lhs_hint = false} : vector<512x1152xbf16>, vector<1152x256xbf16>, vector<512x256xf32> -> vector<512x256xf32>
    %dot_general3A_440 = arith.constant dense<0.000000e+00> : vector<512x256xf32>
    %dot_general3A_441 = tpu.matmul %convert_element_type3A_437, %convert_element_type3A_353, %dot_general3A_440 {dimension_numbers = #tpu.dot_dimension_numbers<[1], [0], [0], [1], [0, 0, 1, 1], [], []>, transpose_lhs_hint = false} : vector<512x1152xbf16>, vector<1152x256xbf16>, vector<512x256xf32> -> vector<512x256xf32>
    %add3A_442 = arith.addf %dot_general3A_439, %dot_general3A_441 : vector<512x256xf32>
    %slice3A_443 = vector.extract_strided_slice %get3A_359 {offsets = [0, 5], sizes = [512, 1], strides = [1, 1]} : vector<512x6xi32> to vector<512x1xi32>
    %eq3A_444 = vector.broadcast %slice3A_443 : vector<512x1xi32> to vector<512x1152xi32>
    %eq3A_445 = arith.cmpi eq, %iota3A, %eq3A_444 : vector<512x1152xi32>
    %convert_element_type3A_446 = arith.extui %eq3A_445 : vector<512x1152xi1> to vector<512x1152xi32>
    %convert_element_type3A_447 = arith.sitofp %convert_element_type3A_446 : vector<512x1152xi32> to vector<512x1152xf32>
    %convert_element_type3A_448 = arith.truncf %convert_element_type3A_447 : vector<512x1152xf32> to vector<512x1152xbf16>
    %eq3A_449 = vector.broadcast %slice3A_443 : vector<512x1xi32> to vector<512x1152xi32>
    %eq3A_450 = arith.cmpi eq, %add3A_362, %eq3A_449 : vector<512x1152xi32>
    %convert_element_type3A_451 = arith.extui %eq3A_450 : vector<512x1152xi1> to vector<512x1152xi32>
    %convert_element_type3A_452 = arith.sitofp %convert_element_type3A_451 : vector<512x1152xi32> to vector<512x1152xf32>
    %convert_element_type3A_453 = arith.truncf %convert_element_type3A_452 : vector<512x1152xf32> to vector<512x1152xbf16>
    %dot_general3A_454 = arith.constant dense<0.000000e+00> : vector<512x256xf32>
    %dot_general3A_455 = tpu.matmul %convert_element_type3A_448, %get3A_356, %dot_general3A_454 {dimension_numbers = #tpu.dot_dimension_numbers<[1], [0], [0], [1], [0, 0, 1, 1], [], []>, transpose_lhs_hint = false} : vector<512x1152xbf16>, vector<1152x256xbf16>, vector<512x256xf32> -> vector<512x256xf32>
    %dot_general3A_456 = arith.constant dense<0.000000e+00> : vector<512x256xf32>
    %dot_general3A_457 = tpu.matmul %convert_element_type3A_453, %convert_element_type3A_353, %dot_general3A_456 {dimension_numbers = #tpu.dot_dimension_numbers<[1], [0], [0], [1], [0, 0, 1, 1], [], []>, transpose_lhs_hint = false} : vector<512x1152xbf16>, vector<1152x256xbf16>, vector<512x256xf32> -> vector<512x256xf32>
    %add3A_458 = arith.addf %dot_general3A_455, %dot_general3A_457 : vector<512x256xf32>
    %slice3A_459 = vector.extract_strided_slice %get3A_359 {offsets = [0, 0], sizes = [512, 5], strides = [1, 1]} : vector<512x6xi32> to vector<512x5xi32>
    %convert_element_type3A_460 = arith.truncf %add3A_458 : vector<512x256xf32> to vector<512x256xbf16>
    %get3A_461 = arith.constant 0 : index
    %get3A_462 = arith.constant 0 : index
    %get3A_463 = vector.load %arg13[%get3A_461, %get3A_462] : memref<256x4xbf16, #tpu.memory_space<vmem>>, vector<256x4xbf16>
    %dot_general3A_464 = arith.constant dense<0.000000e+00> : vector<512x4xf32>
    %dot_general3A_465 = tpu.matmul %convert_element_type3A_460, %get3A_463, %dot_general3A_464 {dimension_numbers = #tpu.dot_dimension_numbers<[1], [0], [0], [1], [0, 0, 1, 1], [], []>, transpose_lhs_hint = false} : vector<512x256xbf16>, vector<256x4xbf16>, vector<512x4xf32> -> vector<512x4xf32>
    %convert_element_type3A_466 = arith.truncf %add3A_378 : vector<512x256xf32> to vector<512x256xbf16>
    %get3A_467 = arith.constant 0 : index
    %get3A_468 = arith.constant 0 : index
    %get3A_469 = vector.load %arg14[%get3A_467, %get3A_468] : memref<256x4xbf16, #tpu.memory_space<vmem>>, vector<256x4xbf16>
    %dot_general3A_470 = arith.constant dense<0.000000e+00> : vector<512x4xf32>
    %dot_general3A_471 = tpu.matmul %convert_element_type3A_466, %get3A_469, %dot_general3A_470 {dimension_numbers = #tpu.dot_dimension_numbers<[1], [0], [0], [1], [0, 0, 1, 1], [], []>, transpose_lhs_hint = false} : vector<512x256xbf16>, vector<256x4xbf16>, vector<512x4xf32> -> vector<512x4xf32>
    %add3A_472 = arith.addf %dot_general3A_465, %dot_general3A_471 : vector<512x4xf32>
    %ge3A_473 = arith.constant 0.000000e+00 : f32
    %ge3A_474 = vector.broadcast %ge3A_473 : f32 to vector<512x4xf32>
    %ge3A_475 = arith.cmpf oge, %add3A_472, %ge3A_474 : vector<512x4xf32>
    %mul3A_476 = arith.constant 2.000000e-01 : f32
    %mul3A_477 = vector.broadcast %mul3A_476 : f32 to vector<512x4xf32>
    %mul3A_478 = arith.mulf %mul3A_477, %add3A_472 : vector<512x4xf32>
    %select_n3A_479 = arith.select %ge3A_475, %add3A_472, %mul3A_478 : vector<512x4xi1>, vector<512x4xf32>
    %convert_element_type3A_480 = arith.truncf %add3A_394 : vector<512x256xf32> to vector<512x256xbf16>
    %get3A_481 = arith.constant 0 : index
    %get3A_482 = arith.constant 0 : index
    %get3A_483 = vector.load %arg14[%get3A_481, %get3A_482] : memref<256x4xbf16, #tpu.memory_space<vmem>>, vector<256x4xbf16>
    %dot_general3A_484 = arith.constant dense<0.000000e+00> : vector<512x4xf32>
    %dot_general3A_485 = tpu.matmul %convert_element_type3A_480, %get3A_483, %dot_general3A_484 {dimension_numbers = #tpu.dot_dimension_numbers<[1], [0], [0], [1], [0, 0, 1, 1], [], []>, transpose_lhs_hint = false} : vector<512x256xbf16>, vector<256x4xbf16>, vector<512x4xf32> -> vector<512x4xf32>
    %add3A_486 = arith.addf %dot_general3A_465, %dot_general3A_485 : vector<512x4xf32>
    %ge3A_487 = arith.constant 0.000000e+00 : f32
    %ge3A_488 = vector.broadcast %ge3A_487 : f32 to vector<512x4xf32>
    %ge3A_489 = arith.cmpf oge, %add3A_486, %ge3A_488 : vector<512x4xf32>
    %mul3A_490 = arith.constant 2.000000e-01 : f32
    %mul3A_491 = vector.broadcast %mul3A_490 : f32 to vector<512x4xf32>
    %mul3A_492 = arith.mulf %mul3A_491, %add3A_486 : vector<512x4xf32>
    %select_n3A_493 = arith.select %ge3A_489, %add3A_486, %mul3A_492 : vector<512x4xi1>, vector<512x4xf32>
    %convert_element_type3A_494 = arith.truncf %add3A_410 : vector<512x256xf32> to vector<512x256xbf16>
    %get3A_495 = arith.constant 0 : index
    %get3A_496 = arith.constant 0 : index
    %get3A_497 = vector.load %arg14[%get3A_495, %get3A_496] : memref<256x4xbf16, #tpu.memory_space<vmem>>, vector<256x4xbf16>
    %dot_general3A_498 = arith.constant dense<0.000000e+00> : vector<512x4xf32>
    %dot_general3A_499 = tpu.matmul %convert_element_type3A_494, %get3A_497, %dot_general3A_498 {dimension_numbers = #tpu.dot_dimension_numbers<[1], [0], [0], [1], [0, 0, 1, 1], [], []>, transpose_lhs_hint = false} : vector<512x256xbf16>, vector<256x4xbf16>, vector<512x4xf32> -> vector<512x4xf32>
    %add3A_500 = arith.addf %dot_general3A_465, %dot_general3A_499 : vector<512x4xf32>
    %ge3A_501 = arith.constant 0.000000e+00 : f32
    %ge3A_502 = vector.broadcast %ge3A_501 : f32 to vector<512x4xf32>
    %ge3A_503 = arith.cmpf oge, %add3A_500, %ge3A_502 : vector<512x4xf32>
    %mul3A_504 = arith.constant 2.000000e-01 : f32
    %mul3A_505 = vector.broadcast %mul3A_504 : f32 to vector<512x4xf32>
    %mul3A_506 = arith.mulf %mul3A_505, %add3A_500 : vector<512x4xf32>
    %select_n3A_507 = arith.select %ge3A_503, %add3A_500, %mul3A_506 : vector<512x4xi1>, vector<512x4xf32>
    %convert_element_type3A_508 = arith.truncf %add3A_426 : vector<512x256xf32> to vector<512x256xbf16>
    %get3A_509 = arith.constant 0 : index
    %get3A_510 = arith.constant 0 : index
    %get3A_511 = vector.load %arg14[%get3A_509, %get3A_510] : memref<256x4xbf16, #tpu.memory_space<vmem>>, vector<256x4xbf16>
    %dot_general3A_512 = arith.constant dense<0.000000e+00> : vector<512x4xf32>
    %dot_general3A_513 = tpu.matmul %convert_element_type3A_508, %get3A_511, %dot_general3A_512 {dimension_numbers = #tpu.dot_dimension_numbers<[1], [0], [0], [1], [0, 0, 1, 1], [], []>, transpose_lhs_hint = false} : vector<512x256xbf16>, vector<256x4xbf16>, vector<512x4xf32> -> vector<512x4xf32>
    %add3A_514 = arith.addf %dot_general3A_465, %dot_general3A_513 : vector<512x4xf32>
    %ge3A_515 = arith.constant 0.000000e+00 : f32
    %ge3A_516 = vector.broadcast %ge3A_515 : f32 to vector<512x4xf32>
    %ge3A_517 = arith.cmpf oge, %add3A_514, %ge3A_516 : vector<512x4xf32>
    %mul3A_518 = arith.constant 2.000000e-01 : f32
    %mul3A_519 = vector.broadcast %mul3A_518 : f32 to vector<512x4xf32>
    %mul3A_520 = arith.mulf %mul3A_519, %add3A_514 : vector<512x4xf32>
    %select_n3A_521 = arith.select %ge3A_517, %add3A_514, %mul3A_520 : vector<512x4xi1>, vector<512x4xf32>
    %convert_element_type3A_522 = arith.truncf %add3A_442 : vector<512x256xf32> to vector<512x256xbf16>
    %get3A_523 = arith.constant 0 : index
    %get3A_524 = arith.constant 0 : index
    %get3A_525 = vector.load %arg14[%get3A_523, %get3A_524] : memref<256x4xbf16, #tpu.memory_space<vmem>>, vector<256x4xbf16>
    %dot_general3A_526 = arith.constant dense<0.000000e+00> : vector<512x4xf32>
    %dot_general3A_527 = tpu.matmul %convert_element_type3A_522, %get3A_525, %dot_general3A_526 {dimension_numbers = #tpu.dot_dimension_numbers<[1], [0], [0], [1], [0, 0, 1, 1], [], []>, transpose_lhs_hint = false} : vector<512x256xbf16>, vector<256x4xbf16>, vector<512x4xf32> -> vector<512x4xf32>
    %add3A_528 = arith.addf %dot_general3A_465, %dot_general3A_527 : vector<512x4xf32>
    %ge3A_529 = arith.constant 0.000000e+00 : f32
    %ge3A_530 = vector.broadcast %ge3A_529 : f32 to vector<512x4xf32>
    %ge3A_531 = arith.cmpf oge, %add3A_528, %ge3A_530 : vector<512x4xf32>
    %mul3A_532 = arith.constant 2.000000e-01 : f32
    %mul3A_533 = vector.broadcast %mul3A_532 : f32 to vector<512x4xf32>
    %mul3A_534 = arith.mulf %mul3A_533, %add3A_528 : vector<512x4xf32>
    %select_n3A_535 = arith.select %ge3A_531, %add3A_528, %mul3A_534 : vector<512x4xi1>, vector<512x4xf32>
    %max3A_536 = arith.maximumf %select_n3A_479, %select_n3A_493 : vector<512x4xf32>
    %max3A_537 = arith.maximumf %max3A_536, %select_n3A_507 : vector<512x4xf32>
    %max3A_538 = arith.maximumf %max3A_537, %select_n3A_521 : vector<512x4xf32>
    %max3A_539 = arith.maximumf %max3A_538, %select_n3A_535 : vector<512x4xf32>
    %slice3A_540 = vector.extract_strided_slice %slice3A_459 {offsets = [0, 0], sizes = [512, 1], strides = [1, 1]} : vector<512x5xi32> to vector<512x1xi32>
    %broadcast_in_dim3A_541 = arith.constant 0.000000e+00 : f32
    %broadcast_in_dim3A_542 = vector.broadcast %broadcast_in_dim3A_541 : f32 to vector<512x1xf32>
    %slice3A_543 = vector.extract_strided_slice %slice3A_459 {offsets = [0, 0], sizes = [512, 1], strides = [1, 1]} : vector<512x5xi32> to vector<512x1xi32>
    %eq3A_544 = arith.cmpi eq, %slice3A_543, %slice3A_540 : vector<512x1xi32>
    %convert_element_type3A_545 = arith.extui %eq3A_544 : vector<512x1xi1> to vector<512x1xi32>
    %convert_element_type3A_546 = arith.sitofp %convert_element_type3A_545 : vector<512x1xi32> to vector<512x1xf32>
    %add3A_547 = arith.addf %broadcast_in_dim3A_542, %convert_element_type3A_546 : vector<512x1xf32>
    %slice3A_548 = vector.extract_strided_slice %slice3A_459 {offsets = [0, 1], sizes = [512, 1], strides = [1, 1]} : vector<512x5xi32> to vector<512x1xi32>
    %eq3A_549 = arith.cmpi eq, %slice3A_548, %slice3A_540 : vector<512x1xi32>
    %convert_element_type3A_550 = arith.extui %eq3A_549 : vector<512x1xi1> to vector<512x1xi32>
    %convert_element_type3A_551 = arith.sitofp %convert_element_type3A_550 : vector<512x1xi32> to vector<512x1xf32>
    %add3A_552 = arith.addf %add3A_547, %convert_element_type3A_551 : vector<512x1xf32>
    %slice3A_553 = vector.extract_strided_slice %slice3A_459 {offsets = [0, 2], sizes = [512, 1], strides = [1, 1]} : vector<512x5xi32> to vector<512x1xi32>
    %eq3A_554 = arith.cmpi eq, %slice3A_553, %slice3A_540 : vector<512x1xi32>
    %convert_element_type3A_555 = arith.extui %eq3A_554 : vector<512x1xi1> to vector<512x1xi32>
    %convert_element_type3A_556 = arith.sitofp %convert_element_type3A_555 : vector<512x1xi32> to vector<512x1xf32>
    %add3A_557 = arith.addf %add3A_552, %convert_element_type3A_556 : vector<512x1xf32>
    %slice3A_558 = vector.extract_strided_slice %slice3A_459 {offsets = [0, 3], sizes = [512, 1], strides = [1, 1]} : vector<512x5xi32> to vector<512x1xi32>
    %eq3A_559 = arith.cmpi eq, %slice3A_558, %slice3A_540 : vector<512x1xi32>
    %convert_element_type3A_560 = arith.extui %eq3A_559 : vector<512x1xi1> to vector<512x1xi32>
    %convert_element_type3A_561 = arith.sitofp %convert_element_type3A_560 : vector<512x1xi32> to vector<512x1xf32>
    %add3A_562 = arith.addf %add3A_557, %convert_element_type3A_561 : vector<512x1xf32>
    %slice3A_563 = vector.extract_strided_slice %slice3A_459 {offsets = [0, 4], sizes = [512, 1], strides = [1, 1]} : vector<512x5xi32> to vector<512x1xi32>
    %eq3A_564 = arith.cmpi eq, %slice3A_563, %slice3A_540 : vector<512x1xi32>
    %convert_element_type3A_565 = arith.extui %eq3A_564 : vector<512x1xi1> to vector<512x1xi32>
    %convert_element_type3A_566 = arith.sitofp %convert_element_type3A_565 : vector<512x1xi32> to vector<512x1xf32>
    %add3A_567 = arith.addf %add3A_562, %convert_element_type3A_566 : vector<512x1xf32>
    %sub3A_568 = arith.subf %select_n3A_479, %max3A_539 : vector<512x4xf32>
    %exp3A_569 = math.exp %sub3A_568 : vector<512x4xf32>
    %div3A_570 = vector.broadcast %add3A_567 : vector<512x1xf32> to vector<512x4xf32>
    %div3A_571 = arith.divf %exp3A_569, %div3A_570 : vector<512x4xf32>
    %slice3A_572 = vector.extract_strided_slice %slice3A_459 {offsets = [0, 1], sizes = [512, 1], strides = [1, 1]} : vector<512x5xi32> to vector<512x1xi32>
    %broadcast_in_dim3A_573 = arith.constant 0.000000e+00 : f32
    %broadcast_in_dim3A_574 = vector.broadcast %broadcast_in_dim3A_573 : f32 to vector<512x1xf32>
    %slice3A_575 = vector.extract_strided_slice %slice3A_459 {offsets = [0, 0], sizes = [512, 1], strides = [1, 1]} : vector<512x5xi32> to vector<512x1xi32>
    %eq3A_576 = arith.cmpi eq, %slice3A_575, %slice3A_572 : vector<512x1xi32>
    %convert_element_type3A_577 = arith.extui %eq3A_576 : vector<512x1xi1> to vector<512x1xi32>
    %convert_element_type3A_578 = arith.sitofp %convert_element_type3A_577 : vector<512x1xi32> to vector<512x1xf32>
    %add3A_579 = arith.addf %broadcast_in_dim3A_574, %convert_element_type3A_578 : vector<512x1xf32>
    %slice3A_580 = vector.extract_strided_slice %slice3A_459 {offsets = [0, 1], sizes = [512, 1], strides = [1, 1]} : vector<512x5xi32> to vector<512x1xi32>
    %eq3A_581 = arith.cmpi eq, %slice3A_580, %slice3A_572 : vector<512x1xi32>
    %convert_element_type3A_582 = arith.extui %eq3A_581 : vector<512x1xi1> to vector<512x1xi32>
    %convert_element_type3A_583 = arith.sitofp %convert_element_type3A_582 : vector<512x1xi32> to vector<512x1xf32>
    %add3A_584 = arith.addf %add3A_579, %convert_element_type3A_583 : vector<512x1xf32>
    %slice3A_585 = vector.extract_strided_slice %slice3A_459 {offsets = [0, 2], sizes = [512, 1], strides = [1, 1]} : vector<512x5xi32> to vector<512x1xi32>
    %eq3A_586 = arith.cmpi eq, %slice3A_585, %slice3A_572 : vector<512x1xi32>
    %convert_element_type3A_587 = arith.extui %eq3A_586 : vector<512x1xi1> to vector<512x1xi32>
    %convert_element_type3A_588 = arith.sitofp %convert_element_type3A_587 : vector<512x1xi32> to vector<512x1xf32>
    %add3A_589 = arith.addf %add3A_584, %convert_element_type3A_588 : vector<512x1xf32>
    %slice3A_590 = vector.extract_strided_slice %slice3A_459 {offsets = [0, 3], sizes = [512, 1], strides = [1, 1]} : vector<512x5xi32> to vector<512x1xi32>
    %eq3A_591 = arith.cmpi eq, %slice3A_590, %slice3A_572 : vector<512x1xi32>
    %convert_element_type3A_592 = arith.extui %eq3A_591 : vector<512x1xi1> to vector<512x1xi32>
    %convert_element_type3A_593 = arith.sitofp %convert_element_type3A_592 : vector<512x1xi32> to vector<512x1xf32>
    %add3A_594 = arith.addf %add3A_589, %convert_element_type3A_593 : vector<512x1xf32>
    %slice3A_595 = vector.extract_strided_slice %slice3A_459 {offsets = [0, 4], sizes = [512, 1], strides = [1, 1]} : vector<512x5xi32> to vector<512x1xi32>
    %eq3A_596 = arith.cmpi eq, %slice3A_595, %slice3A_572 : vector<512x1xi32>
    %convert_element_type3A_597 = arith.extui %eq3A_596 : vector<512x1xi1> to vector<512x1xi32>
    %convert_element_type3A_598 = arith.sitofp %convert_element_type3A_597 : vector<512x1xi32> to vector<512x1xf32>
    %add3A_599 = arith.addf %add3A_594, %convert_element_type3A_598 : vector<512x1xf32>
    %sub3A_600 = arith.subf %select_n3A_493, %max3A_539 : vector<512x4xf32>
    %exp3A_601 = math.exp %sub3A_600 : vector<512x4xf32>
    %div3A_602 = vector.broadcast %add3A_599 : vector<512x1xf32> to vector<512x4xf32>
    %div3A_603 = arith.divf %exp3A_601, %div3A_602 : vector<512x4xf32>
    %slice3A_604 = vector.extract_strided_slice %slice3A_459 {offsets = [0, 2], sizes = [512, 1], strides = [1, 1]} : vector<512x5xi32> to vector<512x1xi32>
    %broadcast_in_dim3A_605 = arith.constant 0.000000e+00 : f32
    %broadcast_in_dim3A_606 = vector.broadcast %broadcast_in_dim3A_605 : f32 to vector<512x1xf32>
    %slice3A_607 = vector.extract_strided_slice %slice3A_459 {offsets = [0, 0], sizes = [512, 1], strides = [1, 1]} : vector<512x5xi32> to vector<512x1xi32>
    %eq3A_608 = arith.cmpi eq, %slice3A_607, %slice3A_604 : vector<512x1xi32>
    %convert_element_type3A_609 = arith.extui %eq3A_608 : vector<512x1xi1> to vector<512x1xi32>
    %convert_element_type3A_610 = arith.sitofp %convert_element_type3A_609 : vector<512x1xi32> to vector<512x1xf32>
    %add3A_611 = arith.addf %broadcast_in_dim3A_606, %convert_element_type3A_610 : vector<512x1xf32>
    %slice3A_612 = vector.extract_strided_slice %slice3A_459 {offsets = [0, 1], sizes = [512, 1], strides = [1, 1]} : vector<512x5xi32> to vector<512x1xi32>
    %eq3A_613 = arith.cmpi eq, %slice3A_612, %slice3A_604 : vector<512x1xi32>
    %convert_element_type3A_614 = arith.extui %eq3A_613 : vector<512x1xi1> to vector<512x1xi32>
    %convert_element_type3A_615 = arith.sitofp %convert_element_type3A_614 : vector<512x1xi32> to vector<512x1xf32>
    %add3A_616 = arith.addf %add3A_611, %convert_element_type3A_615 : vector<512x1xf32>
    %slice3A_617 = vector.extract_strided_slice %slice3A_459 {offsets = [0, 2], sizes = [512, 1], strides = [1, 1]} : vector<512x5xi32> to vector<512x1xi32>
    %eq3A_618 = arith.cmpi eq, %slice3A_617, %slice3A_604 : vector<512x1xi32>
    %convert_element_type3A_619 = arith.extui %eq3A_618 : vector<512x1xi1> to vector<512x1xi32>
    %convert_element_type3A_620 = arith.sitofp %convert_element_type3A_619 : vector<512x1xi32> to vector<512x1xf32>
    %add3A_621 = arith.addf %add3A_616, %convert_element_type3A_620 : vector<512x1xf32>
    %slice3A_622 = vector.extract_strided_slice %slice3A_459 {offsets = [0, 3], sizes = [512, 1], strides = [1, 1]} : vector<512x5xi32> to vector<512x1xi32>
    %eq3A_623 = arith.cmpi eq, %slice3A_622, %slice3A_604 : vector<512x1xi32>
    %convert_element_type3A_624 = arith.extui %eq3A_623 : vector<512x1xi1> to vector<512x1xi32>
    %convert_element_type3A_625 = arith.sitofp %convert_element_type3A_624 : vector<512x1xi32> to vector<512x1xf32>
    %add3A_626 = arith.addf %add3A_621, %convert_element_type3A_625 : vector<512x1xf32>
    %slice3A_627 = vector.extract_strided_slice %slice3A_459 {offsets = [0, 4], sizes = [512, 1], strides = [1, 1]} : vector<512x5xi32> to vector<512x1xi32>
    %eq3A_628 = arith.cmpi eq, %slice3A_627, %slice3A_604 : vector<512x1xi32>
    %convert_element_type3A_629 = arith.extui %eq3A_628 : vector<512x1xi1> to vector<512x1xi32>
    %convert_element_type3A_630 = arith.sitofp %convert_element_type3A_629 : vector<512x1xi32> to vector<512x1xf32>
    %add3A_631 = arith.addf %add3A_626, %convert_element_type3A_630 : vector<512x1xf32>
    %sub3A_632 = arith.subf %select_n3A_507, %max3A_539 : vector<512x4xf32>
    %exp3A_633 = math.exp %sub3A_632 : vector<512x4xf32>
    %div3A_634 = vector.broadcast %add3A_631 : vector<512x1xf32> to vector<512x4xf32>
    %div3A_635 = arith.divf %exp3A_633, %div3A_634 : vector<512x4xf32>
    %slice3A_636 = vector.extract_strided_slice %slice3A_459 {offsets = [0, 3], sizes = [512, 1], strides = [1, 1]} : vector<512x5xi32> to vector<512x1xi32>
    %broadcast_in_dim3A_637 = arith.constant 0.000000e+00 : f32
    %broadcast_in_dim3A_638 = vector.broadcast %broadcast_in_dim3A_637 : f32 to vector<512x1xf32>
    %slice3A_639 = vector.extract_strided_slice %slice3A_459 {offsets = [0, 0], sizes = [512, 1], strides = [1, 1]} : vector<512x5xi32> to vector<512x1xi32>
    %eq3A_640 = arith.cmpi eq, %slice3A_639, %slice3A_636 : vector<512x1xi32>
    %convert_element_type3A_641 = arith.extui %eq3A_640 : vector<512x1xi1> to vector<512x1xi32>
    %convert_element_type3A_642 = arith.sitofp %convert_element_type3A_641 : vector<512x1xi32> to vector<512x1xf32>
    %add3A_643 = arith.addf %broadcast_in_dim3A_638, %convert_element_type3A_642 : vector<512x1xf32>
    %slice3A_644 = vector.extract_strided_slice %slice3A_459 {offsets = [0, 1], sizes = [512, 1], strides = [1, 1]} : vector<512x5xi32> to vector<512x1xi32>
    %eq3A_645 = arith.cmpi eq, %slice3A_644, %slice3A_636 : vector<512x1xi32>
    %convert_element_type3A_646 = arith.extui %eq3A_645 : vector<512x1xi1> to vector<512x1xi32>
    %convert_element_type3A_647 = arith.sitofp %convert_element_type3A_646 : vector<512x1xi32> to vector<512x1xf32>
    %add3A_648 = arith.addf %add3A_643, %convert_element_type3A_647 : vector<512x1xf32>
    %slice3A_649 = vector.extract_strided_slice %slice3A_459 {offsets = [0, 2], sizes = [512, 1], strides = [1, 1]} : vector<512x5xi32> to vector<512x1xi32>
    %eq3A_650 = arith.cmpi eq, %slice3A_649, %slice3A_636 : vector<512x1xi32>
    %convert_element_type3A_651 = arith.extui %eq3A_650 : vector<512x1xi1> to vector<512x1xi32>
    %convert_element_type3A_652 = arith.sitofp %convert_element_type3A_651 : vector<512x1xi32> to vector<512x1xf32>
    %add3A_653 = arith.addf %add3A_648, %convert_element_type3A_652 : vector<512x1xf32>
    %slice3A_654 = vector.extract_strided_slice %slice3A_459 {offsets = [0, 3], sizes = [512, 1], strides = [1, 1]} : vector<512x5xi32> to vector<512x1xi32>
    %eq3A_655 = arith.cmpi eq, %slice3A_654, %slice3A_636 : vector<512x1xi32>
    %convert_element_type3A_656 = arith.extui %eq3A_655 : vector<512x1xi1> to vector<512x1xi32>
    %convert_element_type3A_657 = arith.sitofp %convert_element_type3A_656 : vector<512x1xi32> to vector<512x1xf32>
    %add3A_658 = arith.addf %add3A_653, %convert_element_type3A_657 : vector<512x1xf32>
    %slice3A_659 = vector.extract_strided_slice %slice3A_459 {offsets = [0, 4], sizes = [512, 1], strides = [1, 1]} : vector<512x5xi32> to vector<512x1xi32>
    %eq3A_660 = arith.cmpi eq, %slice3A_659, %slice3A_636 : vector<512x1xi32>
    %convert_element_type3A_661 = arith.extui %eq3A_660 : vector<512x1xi1> to vector<512x1xi32>
    %convert_element_type3A_662 = arith.sitofp %convert_element_type3A_661 : vector<512x1xi32> to vector<512x1xf32>
    %add3A_663 = arith.addf %add3A_658, %convert_element_type3A_662 : vector<512x1xf32>
    %sub3A_664 = arith.subf %select_n3A_521, %max3A_539 : vector<512x4xf32>
    %exp3A_665 = math.exp %sub3A_664 : vector<512x4xf32>
    %div3A_666 = vector.broadcast %add3A_663 : vector<512x1xf32> to vector<512x4xf32>
    %div3A_667 = arith.divf %exp3A_665, %div3A_666 : vector<512x4xf32>
    %slice3A_668 = vector.extract_strided_slice %slice3A_459 {offsets = [0, 4], sizes = [512, 1], strides = [1, 1]} : vector<512x5xi32> to vector<512x1xi32>
    %broadcast_in_dim3A_669 = arith.constant 0.000000e+00 : f32
    %broadcast_in_dim3A_670 = vector.broadcast %broadcast_in_dim3A_669 : f32 to vector<512x1xf32>
    %slice3A_671 = vector.extract_strided_slice %slice3A_459 {offsets = [0, 0], sizes = [512, 1], strides = [1, 1]} : vector<512x5xi32> to vector<512x1xi32>
    %eq3A_672 = arith.cmpi eq, %slice3A_671, %slice3A_668 : vector<512x1xi32>
    %convert_element_type3A_673 = arith.extui %eq3A_672 : vector<512x1xi1> to vector<512x1xi32>
    %convert_element_type3A_674 = arith.sitofp %convert_element_type3A_673 : vector<512x1xi32> to vector<512x1xf32>
    %add3A_675 = arith.addf %broadcast_in_dim3A_670, %convert_element_type3A_674 : vector<512x1xf32>
    %slice3A_676 = vector.extract_strided_slice %slice3A_459 {offsets = [0, 1], sizes = [512, 1], strides = [1, 1]} : vector<512x5xi32> to vector<512x1xi32>
    %eq3A_677 = arith.cmpi eq, %slice3A_676, %slice3A_668 : vector<512x1xi32>
    %convert_element_type3A_678 = arith.extui %eq3A_677 : vector<512x1xi1> to vector<512x1xi32>
    %convert_element_type3A_679 = arith.sitofp %convert_element_type3A_678 : vector<512x1xi32> to vector<512x1xf32>
    %add3A_680 = arith.addf %add3A_675, %convert_element_type3A_679 : vector<512x1xf32>
    %slice3A_681 = vector.extract_strided_slice %slice3A_459 {offsets = [0, 2], sizes = [512, 1], strides = [1, 1]} : vector<512x5xi32> to vector<512x1xi32>
    %eq3A_682 = arith.cmpi eq, %slice3A_681, %slice3A_668 : vector<512x1xi32>
    %convert_element_type3A_683 = arith.extui %eq3A_682 : vector<512x1xi1> to vector<512x1xi32>
    %convert_element_type3A_684 = arith.sitofp %convert_element_type3A_683 : vector<512x1xi32> to vector<512x1xf32>
    %add3A_685 = arith.addf %add3A_680, %convert_element_type3A_684 : vector<512x1xf32>
    %slice3A_686 = vector.extract_strided_slice %slice3A_459 {offsets = [0, 3], sizes = [512, 1], strides = [1, 1]} : vector<512x5xi32> to vector<512x1xi32>
    %eq3A_687 = arith.cmpi eq, %slice3A_686, %slice3A_668 : vector<512x1xi32>
    %convert_element_type3A_688 = arith.extui %eq3A_687 : vector<512x1xi1> to vector<512x1xi32>
    %convert_element_type3A_689 = arith.sitofp %convert_element_type3A_688 : vector<512x1xi32> to vector<512x1xf32>
    %add3A_690 = arith.addf %add3A_685, %convert_element_type3A_689 : vector<512x1xf32>
    %slice3A_691 = vector.extract_strided_slice %slice3A_459 {offsets = [0, 4], sizes = [512, 1], strides = [1, 1]} : vector<512x5xi32> to vector<512x1xi32>
    %eq3A_692 = arith.cmpi eq, %slice3A_691, %slice3A_668 : vector<512x1xi32>
    %convert_element_type3A_693 = arith.extui %eq3A_692 : vector<512x1xi1> to vector<512x1xi32>
    %convert_element_type3A_694 = arith.sitofp %convert_element_type3A_693 : vector<512x1xi32> to vector<512x1xf32>
    %add3A_695 = arith.addf %add3A_690, %convert_element_type3A_694 : vector<512x1xf32>
    %sub3A_696 = arith.subf %select_n3A_535, %max3A_539 : vector<512x4xf32>
    %exp3A_697 = math.exp %sub3A_696 : vector<512x4xf32>
    %div3A_698 = vector.broadcast %add3A_695 : vector<512x1xf32> to vector<512x4xf32>
    %div3A_699 = arith.divf %exp3A_697, %div3A_698 : vector<512x4xf32>
    %add3A_700 = arith.addf %div3A_571, %div3A_603 : vector<512x4xf32>
    %add3A_701 = arith.addf %add3A_700, %div3A_635 : vector<512x4xf32>
    %add3A_702 = arith.addf %add3A_701, %div3A_667 : vector<512x4xf32>
    %add3A_703 = arith.addf %add3A_702, %div3A_699 : vector<512x4xf32>
    %div3A_704 = arith.constant 1.000000e+00 : f32
    %div3A_705 = vector.broadcast %div3A_704 : f32 to vector<512x4xf32>
    %div3A_706 = arith.divf %div3A_705, %add3A_703 : vector<512x4xf32>
    %broadcast_in_dim3A_707 = arith.constant 0.000000e+00 : f32
    %broadcast_in_dim3A_708 = vector.broadcast %broadcast_in_dim3A_707 : f32 to vector<512x256xf32>
    %mul3A_709 = arith.mulf %div3A_571, %div3A_706 : vector<512x4xf32>
    %convert_element_type3A_710 = arith.truncf %mul3A_709 : vector<512x4xf32> to vector<512x4xbf16>
    %get3A_711 = arith.constant 0 : index
    %get3A_712 = arith.constant 0 : index
    %get3A_713 = vector.load %arg15[%get3A_711, %get3A_712] : memref<4x256xbf16, #tpu.memory_space<vmem>>, vector<4x256xbf16>
    %dot_general3A_714 = arith.constant dense<0.000000e+00> : vector<512x256xf32>
    %dot_general3A_715 = tpu.matmul %convert_element_type3A_710, %get3A_713, %dot_general3A_714 {dimension_numbers = #tpu.dot_dimension_numbers<[1], [0], [0], [1], [0, 0, 1, 1], [], []>, transpose_lhs_hint = false} : vector<512x4xbf16>, vector<4x256xbf16>, vector<512x256xf32> -> vector<512x256xf32>
    %convert_element_type3A_716 = arith.truncf %add3A_378 : vector<512x256xf32> to vector<512x256xbf16>
    %convert_element_type3A_717 = arith.extf %convert_element_type3A_716 : vector<512x256xbf16> to vector<512x256xf32>
    %mul3A_718 = arith.mulf %dot_general3A_715, %convert_element_type3A_717 : vector<512x256xf32>
    %add3A_719 = arith.addf %broadcast_in_dim3A_708, %mul3A_718 : vector<512x256xf32>
    %mul3A_720 = arith.mulf %div3A_603, %div3A_706 : vector<512x4xf32>
    %convert_element_type3A_721 = arith.truncf %mul3A_720 : vector<512x4xf32> to vector<512x4xbf16>
    %get3A_722 = arith.constant 0 : index
    %get3A_723 = arith.constant 0 : index
    %get3A_724 = vector.load %arg15[%get3A_722, %get3A_723] : memref<4x256xbf16, #tpu.memory_space<vmem>>, vector<4x256xbf16>
    %dot_general3A_725 = arith.constant dense<0.000000e+00> : vector<512x256xf32>
    %dot_general3A_726 = tpu.matmul %convert_element_type3A_721, %get3A_724, %dot_general3A_725 {dimension_numbers = #tpu.dot_dimension_numbers<[1], [0], [0], [1], [0, 0, 1, 1], [], []>, transpose_lhs_hint = false} : vector<512x4xbf16>, vector<4x256xbf16>, vector<512x256xf32> -> vector<512x256xf32>
    %convert_element_type3A_727 = arith.truncf %add3A_394 : vector<512x256xf32> to vector<512x256xbf16>
    %convert_element_type3A_728 = arith.extf %convert_element_type3A_727 : vector<512x256xbf16> to vector<512x256xf32>
    %mul3A_729 = arith.mulf %dot_general3A_726, %convert_element_type3A_728 : vector<512x256xf32>
    %add3A_730 = arith.addf %add3A_719, %mul3A_729 : vector<512x256xf32>
    %mul3A_731 = arith.mulf %div3A_635, %div3A_706 : vector<512x4xf32>
    %convert_element_type3A_732 = arith.truncf %mul3A_731 : vector<512x4xf32> to vector<512x4xbf16>
    %get3A_733 = arith.constant 0 : index
    %get3A_734 = arith.constant 0 : index
    %get3A_735 = vector.load %arg15[%get3A_733, %get3A_734] : memref<4x256xbf16, #tpu.memory_space<vmem>>, vector<4x256xbf16>
    %dot_general3A_736 = arith.constant dense<0.000000e+00> : vector<512x256xf32>
    %dot_general3A_737 = tpu.matmul %convert_element_type3A_732, %get3A_735, %dot_general3A_736 {dimension_numbers = #tpu.dot_dimension_numbers<[1], [0], [0], [1], [0, 0, 1, 1], [], []>, transpose_lhs_hint = false} : vector<512x4xbf16>, vector<4x256xbf16>, vector<512x256xf32> -> vector<512x256xf32>
    %convert_element_type3A_738 = arith.truncf %add3A_410 : vector<512x256xf32> to vector<512x256xbf16>
    %convert_element_type3A_739 = arith.extf %convert_element_type3A_738 : vector<512x256xbf16> to vector<512x256xf32>
    %mul3A_740 = arith.mulf %dot_general3A_737, %convert_element_type3A_739 : vector<512x256xf32>
    %add3A_741 = arith.addf %add3A_730, %mul3A_740 : vector<512x256xf32>
    %mul3A_742 = arith.mulf %div3A_667, %div3A_706 : vector<512x4xf32>
    %convert_element_type3A_743 = arith.truncf %mul3A_742 : vector<512x4xf32> to vector<512x4xbf16>
    %get3A_744 = arith.constant 0 : index
    %get3A_745 = arith.constant 0 : index
    %get3A_746 = vector.load %arg15[%get3A_744, %get3A_745] : memref<4x256xbf16, #tpu.memory_space<vmem>>, vector<4x256xbf16>
    %dot_general3A_747 = arith.constant dense<0.000000e+00> : vector<512x256xf32>
    %dot_general3A_748 = tpu.matmul %convert_element_type3A_743, %get3A_746, %dot_general3A_747 {dimension_numbers = #tpu.dot_dimension_numbers<[1], [0], [0], [1], [0, 0, 1, 1], [], []>, transpose_lhs_hint = false} : vector<512x4xbf16>, vector<4x256xbf16>, vector<512x256xf32> -> vector<512x256xf32>
    %convert_element_type3A_749 = arith.truncf %add3A_426 : vector<512x256xf32> to vector<512x256xbf16>
    %convert_element_type3A_750 = arith.extf %convert_element_type3A_749 : vector<512x256xbf16> to vector<512x256xf32>
    %mul3A_751 = arith.mulf %dot_general3A_748, %convert_element_type3A_750 : vector<512x256xf32>
    %add3A_752 = arith.addf %add3A_741, %mul3A_751 : vector<512x256xf32>
    %mul3A_753 = arith.mulf %div3A_699, %div3A_706 : vector<512x4xf32>
    %convert_element_type3A_754 = arith.truncf %mul3A_753 : vector<512x4xf32> to vector<512x4xbf16>
    %get3A_755 = arith.constant 0 : index
    %get3A_756 = arith.constant 0 : index
    %get3A_757 = vector.load %arg15[%get3A_755, %get3A_756] : memref<4x256xbf16, #tpu.memory_space<vmem>>, vector<4x256xbf16>
    %dot_general3A_758 = arith.constant dense<0.000000e+00> : vector<512x256xf32>
    %dot_general3A_759 = tpu.matmul %convert_element_type3A_754, %get3A_757, %dot_general3A_758 {dimension_numbers = #tpu.dot_dimension_numbers<[1], [0], [0], [1], [0, 0, 1, 1], [], []>, transpose_lhs_hint = false} : vector<512x4xbf16>, vector<4x256xbf16>, vector<512x256xf32> -> vector<512x256xf32>
    %convert_element_type3A_760 = arith.truncf %add3A_442 : vector<512x256xf32> to vector<512x256xbf16>
    %convert_element_type3A_761 = arith.extf %convert_element_type3A_760 : vector<512x256xbf16> to vector<512x256xf32>
    %mul3A_762 = arith.mulf %dot_general3A_759, %convert_element_type3A_761 : vector<512x256xf32>
    %add3A_763 = arith.addf %add3A_752, %mul3A_762 : vector<512x256xf32>
    %gt3A_764 = arith.constant 0.000000e+00 : f32
    %gt3A_765 = vector.broadcast %gt3A_764 : f32 to vector<512x256xf32>
    %gt3A_766 = arith.cmpf ogt, %add3A_763, %gt3A_765 : vector<512x256xf32>
    %exp3A_767 = math.exp %add3A_763 : vector<512x256xf32>
    %sub3A_768 = arith.constant 1.000000e+00 : f32
    %sub3A_769 = vector.broadcast %sub3A_768 : f32 to vector<512x256xf32>
    %sub3A_770 = arith.subf %exp3A_767, %sub3A_769 : vector<512x256xf32>
    %select_n3A_771 = arith.select %gt3A_766, %add3A_763, %sub3A_770 : vector<512x256xi1>, vector<512x256xf32>
    %get3A_772 = arith.constant 0 : index
    %get3A_773 = arith.constant 0 : index
    %get3A_774 = vector.load %arg17[%get3A_772, %get3A_773] : memref<256x256xf32, #tpu.memory_space<vmem>>, vector<256x256xf32>
    %dot_general3A_775 = arith.constant dense<0.000000e+00> : vector<512x256xf32>
    %dot_general3A_776 = tpu.matmul %select_n3A_771, %get3A_774, %dot_general3A_775 {dimension_numbers = #tpu.dot_dimension_numbers<[1], [0], [0], [1], [0, 0, 1, 1], [], []>, transpose_lhs_hint = false} : vector<512x256xf32>, vector<256x256xf32>, vector<512x256xf32> -> vector<512x256xf32>
    %get3A_777 = arith.constant 0 : index
    %get3A_778 = arith.constant 0 : index
    %get3A_779 = vector.load %arg18[%get3A_777, %get3A_778] : memref<1x256xf32, #tpu.memory_space<vmem>>, vector<1x256xf32>
    %add3A_780 = vector.broadcast %get3A_779 : vector<1x256xf32> to vector<512x256xf32>
    %add3A_781 = arith.addf %dot_general3A_776, %add3A_780 : vector<512x256xf32>
    %tanh3A = math.tanh %add3A_781 : vector<512x256xf32>
    %swap3A = arith.constant 0 : index
    %swap3A_782 = arith.constant 0 : index
    %swap3A_783 = vector.load %arg19[%swap3A, %swap3A_782] : memref<512x256xf32, #tpu.memory_space<vmem>>, vector<512x256xf32>
    tpu.vector_store %arg19[%swap3A, %swap3A_782], %tanh3A {strides = array<i32>} : memref<512x256xf32, #tpu.memory_space<vmem>>, vector<512x256xf32>,
    return
  }
  func.func @transform_0(%arg0: i32) -> (i32, i32) {
    %c0_i32 = arith.constant 0 : i32
    %c0_i32_0 = arith.constant 0 : i32
    %c0_i32_1 = arith.constant 0 : i32
    return %c0_i32, %c0_i32_0 : i32, i32
  }
  func.func @transform_1(%arg0: i32) -> (i32, i32) {
    %c1_i32 = arith.constant 1 : i32
    %c0_i32 = arith.constant 0 : i32
    %c0_i32_0 = arith.constant 0 : i32
    return %c1_i32, %c0_i32 : i32, i32
  }
  func.func @transform_2(%arg0: i32) -> (i32, i32) {
    %c2_i32 = arith.constant 2 : i32
    %c0_i32 = arith.constant 0 : i32
    %c0_i32_0 = arith.constant 0 : i32
    return %c2_i32, %c0_i32 : i32, i32
  }
  func.func @transform_3(%arg0: i32) -> (i32, i32) {
    %c3_i32 = arith.constant 3 : i32
    %c0_i32 = arith.constant 0 : i32
    %c0_i32_0 = arith.constant 0 : i32
    return %c3_i32, %c0_i32 : i32, i32
  }
  func.func @transform_4(%arg0: i32) -> (i32, i32) {
    %c4_i32 = arith.constant 4 : i32
    %c0_i32 = arith.constant 0 : i32
    %c0_i32_0 = arith.constant 0 : i32
    return %c4_i32, %c0_i32 : i32, i32
  }
  func.func @transform_5(%arg0: i32) -> (i32, i32) {
    %c5_i32 = arith.constant 5 : i32
    %c0_i32 = arith.constant 0 : i32
    %c0_i32_0 = arith.constant 0 : i32
    return %c5_i32, %c0_i32 : i32, i32
  }
  func.func @transform_6(%arg0: i32) -> (i32, i32) {
    %c0_i32 = arith.constant 0 : i32
    %c0_i32_0 = arith.constant 0 : i32
    %c0_i32_1 = arith.constant 0 : i32
    return %c0_i32, %c0_i32_0 : i32, i32
  }
  func.func @transform_7(%arg0: i32) -> (i32, i32) {
    %c0_i32 = arith.constant 0 : i32
    %c0_i32_0 = arith.constant 0 : i32
    %c0_i32_1 = arith.constant 0 : i32
    return %c0_i32, %c0_i32_0 : i32, i32
  }
  func.func @transform_8(%arg0: i32) -> (i32, i32) {
    %c0_i32 = arith.constant 0 : i32
    %c0_i32_0 = arith.constant 0 : i32
    %c0_i32_1 = arith.constant 0 : i32
    return %c0_i32, %c0_i32_0 : i32, i32
  }
  func.func @transform_9(%arg0: i32) -> (i32, i32) {
    %c0_i32 = arith.constant 0 : i32
    %c0_i32_0 = arith.constant 0 : i32
    %c0_i32_1 = arith.constant 0 : i32
    return %c0_i32, %c0_i32_0 : i32, i32
  }
  func.func @transform_10(%arg0: i32) -> (i32, i32) {
    %c0_i32 = arith.constant 0 : i32
    %c0_i32_0 = arith.constant 0 : i32
    %c0_i32_1 = arith.constant 0 : i32
    return %c0_i32, %c0_i32_0 : i32, i32
  }
  func.func @transform_11(%arg0: i32) -> (i32, i32) {
    %c0_i32 = arith.constant 0 : i32
    %c0_i32_0 = arith.constant 0 : i32
    %c0_i32_1 = arith.constant 0 : i32
    return %c0_i32, %c0_i32_0 : i32, i32
  }
  func.func @transform_12(%arg0: i32) -> (i32, i32) {
    %c0_i32 = arith.constant 0 : i32
    %c0_i32_0 = arith.constant 0 : i32
    %c0_i32_1 = arith.constant 0 : i32
    return %c0_i32, %c0_i32_0 : i32, i32
  }
  func.func @transform_13(%arg0: i32) -> (i32, i32) {
    %c0_i32 = arith.constant 0 : i32
    %c0_i32_0 = arith.constant 0 : i32
    %c0_i32_1 = arith.constant 0 : i32
    return %c0_i32, %c0_i32_0 : i32, i32
  }
  func.func @transform_14(%arg0: i32) -> (i32, i32) {
    %c0_i32 = arith.constant 0 : i32
    %c0_i32_0 = arith.constant 0 : i32
    %c0_i32_1 = arith.constant 0 : i32
    return %c0_i32, %c0_i32_0 : i32, i32
  }
  func.func @transform_15(%arg0: i32) -> (i32, i32) {
    %c0_i32 = arith.constant 0 : i32
    %c0_i32_0 = arith.constant 0 : i32
    %c0_i32_1 = arith.constant 0 : i32
    return %c0_i32, %c0_i32_0 : i32, i32
  }
  func.func @transform_16(%arg0: i32) -> (i32, i32) {
    %c0_i32 = arith.constant 0 : i32
    %c0_i32_0 = arith.constant 0 : i32
    %c0_i32_1 = arith.constant 0 : i32
    return %c0_i32, %c0_i32_0 : i32, i32
  }
  func.func @transform_17(%arg0: i32) -> (i32, i32) {
    %c0_i32 = arith.constant 0 : i32
    %c0_i32_0 = arith.constant 0 : i32
    %c0_i32_1 = arith.constant 0 : i32
    return %c0_i32, %c0_i32_0 : i32, i32
  }
  func.func @transform_18(%arg0: i32) -> (i32, i32) {
    %c0_i32 = arith.constant 0 : i32
    %c0_i32_0 = arith.constant 0 : i32
    %c0_i32_1 = arith.constant 0 : i32
    return %c0_i32, %c0_i32_0 : i32, i32
  }
}

</mosaic_0001>

<sc_bundles>
// kernel: kernel.6.cloned.1.call-start
scs
__scs_entry_jumppad:
0x0: {  	(pc) =	sbr.rel $0x88, $3  }
0x1: {  	(tag) =	ssettag $0x0;
	lr =	simm.s32 $0x1  }
0x2: {  	[smem:$0x3F95] =	sst lr;
	_ =	strace $0xD0000000  }
0x3: {  	_ = 	snop  }
0x4: {  	_ = 	snop  }
0x5: {  	_ = 	snop  }
0x6: {  	_ = 	snop  }
0x7: {  	_ = 	snop  }
__scs_overlays_trampoline_lowered:
0x8: {  	[smem:$0x3FA4] =	sst s0  }
0x9: {  	[smem:$0x3FA5] =	sst s1  }
0xa: {  	[smem:$0x3FA6] =	sst s2  }
0xb: {  	[smem:$0x3FA7] =	sst s3  }
0xc: {  	[smem:$0x3FA8] =	sst s4  }
0xd: {  	[smem:$0x3FA9] =	sst s5  }
0xe: {  	[smem:$0x3FAA] =	sst s6  }
0xf: {  	[smem:$0x3FAB] =	sst s7  }
0x10: {  	[smem:$0x3FAC] =	sst s8  }
0x11: {  	[smem:$0x3FAD] =	sst s9;
	s0 =	simm.s32 @!p0 $0x0  }
0x12: {  	s1 =	sld [smem:$0x3F93];
	s0 =	simm.s32 @p0 $0x1  }
0x13: {  	[smem:$0x3FAE] =	sst s0;
	s0 =	simm.s32 @!p1 $0x0  }
0x14: {  	s2 =	sld [smem:$0x3F92];
	s0 =	simm.s32 @p1 $0x1  }
0x15: {  	[smem:$0x3FAF] =	sst s0;
	s0 =	simm.s32 @!p2 $0x0  }
0x16: {  	s3 =	sld [smem:$0x3FDB];
	s0 =	simm.s32 @p2 $0x1  }
0x17: {  	s4 =	simm.s32 $0x1BF5;
	[smem:$0x3FB1] =	sst s0  }
0x18: {  	s0 =	sld [smem:$0x3F94];
	_ =	swait.ge [sflag:s4], $0x0  }
0x19: {  	s7 =	sld [smem:$0x3F95]  }
0x1a: {  	s8 =	sadd.s32 $0xFFFFE003, lr  }
0x1b: {  	s9 =	sadd.s32 $0xFFFFFEF7, lr;
	s5 =	simm.s32 $0xFFFFFFFF;
	p2 =	slt.u32 s8, $0xFFFFF086  }
0x1c: {  	p1 =	slt.u32 s9, $0xF7A;
	s5 =	simm.s32 @!p2 $0x0  }
0x1d: {  	s5 =	simm.s32 @p1 $0x1;
	p0 =	seq.s32 s7, s2  }
0x1e: {  	s7 =	smul.u32 @!p0 $0xF7A, s2;
	p2 =	seq.s32 @!p0 s5, $0x0  }
0x1f: {  	s9 =	smul.u32 $0xF7A, s1;
	s8 =	simm.s32 @!p0 $0x1BF5;
	p2 =	por !p2, p0  }
0x20: {  	[sflag:s8] =	ssyncset.s32 @!p0 $0xFFFFF086;
	s6 =	sadd.s32 @!p0 s3, s7;
	s7 =	simm.s32 @!p0 $0x108  }
0x21: {  	s3 =	sadd.s32 s3, s9;
	s6 =	sadd.s32 @!p0 $0x88, s6;
	s7 =	simm.s32 @p2 $0x1082  }
0x22: {  	[simem:s7], [sflag:s8] =	dma.local @!p0 [hbm:s6], $0xF7A  }
0x23: {  	s9 =	sor.u32 $0xD0000000, s2;
	s6 =	simm.s32 $0x108;
	_ =	swait.ge @!p0 [sflag:s8], $0x0  }
0x24: {  	s3 =	sadd.s32 $0x88, s3;
	s6 =	simm.s32 @!p1 $0x1082;
	[sflag:s4] =	ssyncset.s32 $0xFFFFF086  }
0x25: {  	[simem:s6], [sflag:s4] =	dma.local [hbm:s3], $0xF7A  }
0x26: {  	[smem:$0x3F95] =	sst s1;
	(tag) =	ssettag s2;
	_ =	strace s9  }
0x27: {  	s1 =	sld [smem:$0x3FA5]  }
0x28: {  	s2 =	sld [smem:$0x3FA6]  }
0x29: {  	s4 =	sld [smem:$0x3FA8]  }
0x2a: {  	p0 =	seq.s32 s5, $0x0;
	s5 =	sld [smem:$0x3FA9]  }
0x2b: {  	s6 =	sld [smem:$0x3FAA]  }
0x2c: {  	s7 =	sld [smem:$0x3FAB]  }
0x2d: {  	s3 =	simm.s32 $0x108;
	s8 =	sld [smem:$0x3FAC]  }
0x2e: {  	s3 =	simm.s32 @!p0 $0x1082;
	s9 =	sld [smem:$0x3FAD]  }
0x2f: {  	lr =	sadd.s32 s0, s3;
	s0 =	sld [smem:$0x3FA4]  }
0x30: {  	s3 =	sld [smem:$0x3FA7]  }
0x31: {  	[smem:$0x3FB0] =	sst s10  }
0x32: {  	s10 =	sld [smem:$0x3FAE];
	_ =	sdelay $0x3  }
0x33: {  	p0 =	seq.s32 s10, $0x1;
	s10 =	sld [smem:$0x3FB0];
	_ =	sdelay $0x3  }
0x34: {  	[smem:$0x3FB0] =	sst s10  }
0x35: {  	s10 =	sld [smem:$0x3FAF];
	_ =	sdelay $0x3  }
0x36: {  	p1 =	seq.s32 s10, $0x1;
	s10 =	sld [smem:$0x3FB0];
	_ =	sdelay $0x3  }
0x37: {  	[smem:$0x3FB0] =	sst s10  }
0x38: {  	s10 =	sld [smem:$0x3FB1]  }
0x39: {  	_ = 	snop;
	(pc) =	sbr.ind lr, $3  }
0x3a: {  	_ = 	snop  }
0x3b: {  	_ = 	snop  }
0x3c: {  	p2 =	seq.s32 s10, $0x1;
	s10 =	sld [smem:$0x3FB0]  }
0x3d: {  	_ =	shalt  }
0x3e: {  	_ =	shalt  }
0x3f: {  	_ =	shalt  }
0x40: {  	_ =	shalt  }
0x41: {  	_ =	shalt  }
0x42: {  	_ =	shalt  }
0x43: {  	_ =	shalt  }
0x44: {  	_ =	shalt  }
0x45: {  	_ =	shalt  }
0x46: {  	_ =	shalt  }
0x47: {  	_ =	shalt  }
0x48: {  	_ =	shalt  }
0x49: {  	_ =	shalt  }
0x4a: {  	_ =	shalt  }
0x4b: {  	_ =	shalt  }
0x4c: {  	_ =	shalt  }
0x4d: {  	_ =	shalt  }
0x4e: {  	_ =	shalt  }
0x4f: {  	_ =	shalt  }
0x50: {  	_ =	shalt  }
0x51: {  	_ =	shalt  }
0x52: {  	_ =	shalt  }
0x53: {  	_ =	shalt  }
0x54: {  	_ =	shalt  }
0x55: {  	_ =	shalt  }
0x56: {  	_ =	shalt  }
0x57: {  	_ =	shalt  }
0x58: {  	_ =	shalt  }
0x59: {  	_ =	shalt  }
0x5a: {  	_ =	shalt  }
0x5b: {  	_ =	shalt  }
0x5c: {  	_ =	shalt  }
0x5d: {  	_ =	shalt  }
0x5e: {  	_ =	shalt  }
0x5f: {  	_ =	shalt  }
0x60: {  	_ =	shalt  }
0x61: {  	_ =	shalt  }
0x62: {  	_ =	shalt  }
0x63: {  	_ =	shalt  }
0x64: {  	_ =	shalt  }
0x65: {  	_ =	shalt  }
0x66: {  	_ =	shalt  }
0x67: {  	_ =	shalt  }
0x68: {  	_ =	shalt  }
0x69: {  	_ =	shalt  }
0x6a: {  	_ =	shalt  }
0x6b: {  	_ =	shalt  }
0x6c: {  	_ =	shalt  }
0x6d: {  	_ =	shalt  }
0x6e: {  	_ =	shalt  }
0x6f: {  	_ =	shalt  }
0x70: {  	_ =	shalt  }
0x71: {  	_ =	shalt  }
0x72: {  	_ =	shalt  }
0x73: {  	_ =	shalt  }
0x74: {  	_ =	shalt  }
0x75: {  	_ =	shalt  }
0x76: {  	_ =	shalt  }
0x77: {  	_ =	shalt  }
0x78: {  	_ =	shalt  }
0x79: {  	_ =	shalt  }
0x7a: {  	_ =	shalt  }
0x7b: {  	_ =	shalt  }
0x7c: {  	_ =	shalt  }
0x7d: {  	_ =	shalt  }
0x7e: {  	_ =	shalt  }
0x7f: {  	_ =	shalt  }
0x80: {  	_ =	shalt  }
0x81: {  	_ =	shalt  }
0x82: {  	_ =	shalt  }
0x83: {  	_ =	shalt  }
0x84: {  	_ =	shalt  }
0x85: {  	_ =	shalt  }
0x86: {  	_ =	shalt  }
0x87: {  	_ =	shalt  }
.Lfunc_end0:
.L_simem_size_0:
called_computation_lowered:
.L_overlay_start_0:
0x88: {  	s2 =	sld [smem:$0x3FD9]  }
0x89: {  	s3 =	sld [smem:$0x3FFE];
	_ =	sdelay $0x1  }
0x8a: {  	s1 =	srdreg.scid  }
0x8b: {  	s0 =	sand.u32 $0x1, s1  }
0x8c: {  	s17 =	sshll.u32 s0, $0xA;
	s2 =	sadd.s32 s3, s2  }
0x8d: {  	s2 =	sadd.s32 s2, s17  }
0x8e: {  	[smem:$0x3FBC] =	sst s2  }
0x8f: {  	_ = 	snop  }
0x90: {  	s2 =	sld [smem:$0x3FC9]  }
0x91: {  	s18 =	sld [smem:$0x3FC8];
	(tm) =	ssettm $0x1  }
0x92: {  	s4 =	sld [smem:$0x3FFB];
	_ =	sdelay $0x3  }
0x93: {  	_ =	strace s4  }
0x94: {  	s4 =	sld [smem:$0x3FFC];
	_ =	sdelay $0x3  }
0x95: {  	_ =	strace s4  }
0x96: {  	s4 =	sld [smem:$0x3FFD];
	_ =	sdelay $0x3  }
0x97: {  	_ =	strace s4  }
0x98: {  	_ =	strace $0x8FFFFFFF  }
0x99: {  	s19 =	sld [smem:$0x3FDB];
	_ =	sdelay $0x1  }
0x9a: {  	s5 =	simm.s32 $_scs_section_size  }
0x9b: {  	s6 =	simm.s32 $_size__tile_overlayer_lowered;
	s7 =	simm.s32 $_tile_overlayer_lowered  }
0x9c: {  	s22 =	simm.s32 $0x1BFF;
	s21 =	sshll.u32 s7, $0x1;
	s4 =	sadd.s32 s5, s19  }
0x9d: {  	s8 =	simm.s32 $0x0;
	s20 =	sshll.u32 s6, $0x1;
	s6 =	sadd.s32 s21, s4  }
0x9e: {  	[timem:s8], [sflag:s22] =	dma.local [hbm:s6], s20  }
0x9f: {  	_ =	swait.ge [sflag:s22], s20  }
0xa0: {  	s5 =	ssub.s32 $0x0, s20;
	[sflag:s22] =	ssyncset.done $0x0  }
0xa1: {  	[sflag:s22] =	ssyncadd.s32 s5;
	_ =	sdelay $0x1  }
0xa2: {  	s23 =	simm.s32 $0x1B8B  }
0xa3: {  	_ =	swait.ge [sflag:s23], $0x1  }
0xa4: {  	[sflag:s23] =	ssyncset.done $0x0  }
0xa5: {  	s25 =	simm.s32 $0x1B8E;
	s24 =	sld [smem:$0x3FFE];
	[sflag:s23] =	ssyncadd.s32 $0xFFFFFFFF  }
0xa6: {  	s26 =	simm.s32 $execute0_lowered;
	[smem:$0x3FD2] =	sst s25  }
0xa7: {  	s6 =	sshll.u32 s26, $0x1;
	_ =	strace $0x80000046;
	[dreg:$0x1] =	wrdreg $0xFFFFFFFF  }
0xa8: {  	s28 =	simm.s32 $_size_execute0_lowered;
	s4 =	sadd.s32 s4, s6;
	[dreg:$0x0] =	wrdreg $0x0  }
0xa9: {  	s6 =	sshll.u32 s28, $0x1;
	[dreg:$0x2] =	wrdreg s4  }
0xaa: {  	[dreg:$0x3] =	wrdreg s6  }
0xab: {  	[dreg:$0x4] =	wrdreg $0xC0  }
0xac: {  	_ =	task [dreg:s8], $0x5FFFF  }
0xad: {  	[dreg:$0x1] =	wrdreg $0xFFFFFFFF  }
0xae: {  	[dreg:$0x0] =	wrdreg $0x60  }
0xaf: {  	[dreg:$0x2] =	wrdreg s2  }
0xb0: {  	[dreg:$0x3] =	wrdreg s18  }
0xb1: {  	[dreg:$0x4] =	wrdreg s24  }
0xb2: {  	[dreg:$0x5] =	wrdreg $0x9  }
0xb3: {  	_ =	task.clear_ibuf [dreg:s8], $0x6FFFF;
	_ =	strace $0x90000046  }
0xb4: {  	s29 =	simm.s32 $0x9;
	_ =	strace $0x80000048  }
0xb5: {  	_ =	swait.ge [sflag:s29], $0x1  }
0xb6: {  	[sflag:s29] =	ssyncadd.s32 $0xFFFFFFFF  }
0xb7: {  	_ =	strace $0x90000048  }
0xb8: {  	_ =	sfence  }
0xb9: {  	s30 =	sld [smem:$0x0];
	_ =	sdelay $0x2  }
0xba: {  	s31 =	sshll.u32 s1, $0xD;
	s1 =	sshrl.u32 s1, $0x2  }
0xbb: {  	s3 =	sand.u32 $0x4000, s31;
	s1 =	sadd.s32 s1, s30  }
0xbc: {  	s0 =	sor.u32 s3, s0;
	s1 =	sshll.u32 s1, $0x11  }
0xbd: {  	s0 =	sor.u32 s1, s0  }
0xbe: {  	s0 =	sadd.s32 $0x8F2B, s0  }
0xbf: {  	[sflag:s0] =	ssyncadd.remote.s32 $0x1  }
0xc0: {  	_ =	sfence.sel $0xFFFF  }
0xc1: {  	[dreg:$0x0] =	wrdreg $0xFFFFFFFF;
	(pc) =	sbr.abs _section_cstart, $3  }
0xc2: {  	[dreg:$0x1] =	wrdreg $0xFFFFFFFF  }
0xc3: {  	_ =	task.clear_ibuf [dreg:s8], $0x2FFFF;
	_ =	strace $0x9FFFFFFF  }
0xc4: {  	(tm) =	ssettm $0x7FFFFFFF  }
0xc5: {  	_ =	shalt  }
tec
execute0_lowered:
.L_overlay_start_1:
0x0: {  	(tag) =	ssettag $0x1  }
0x1: {  	s1 =	rddreg [dreg:$0x0]  }
0x2: {  	s2 =	srdreg.scid;
	s3 =	rddreg [dreg:$0x1]  }
0x3: {  	s0 =	stileid.u32;
	s6 =	rddreg [dreg:$0x2];
	s18 =	simm.s32 $0x100  }
0x4: {  	s19 =	simm.s32 $0x58;
	s21 =	simm.s32 $0x180;
	s22 =	simm.s32 $0xA00  }
0x5: {  	s23 =	simm.s32 $0x1200;
	s24 =	simm.s32 $0x1A00;
	s25 =	simm.s32 $0x2200  }
0x6: {  	s8 =	simm.s32 $0x1;
	s2 =	sand.u32 $0x1, s2;
	s4 =	sshll.u32 s0, $0x1  }
0x7: {  	s26 =	simm.s32 $0x2A00;
	s5 =	sor.u32 s2, s4;
	s4 =	simm.s32 $0x0  }
0x8: {  	s9 =	simm.s32 $0x200;
	s12 =	simm.s32 $0x4200;
	[smem:$0x7FF] =	sst s4  }
0x9: {  	s13 =	simm.s32 $0x4A00;
	_ =	strace $0x80000047;
	[dreg:$0x6] =	wrdreg s18  }
0xa: {  	s14 =	simm.s32 $0x5200;
	s15 =	simm.s32 $0x5A00;
	[dreg:$0x7] =	wrdreg s19  }
0xb: {  	s16 =	simm.s32 $0x6200;
	s28 =	simm.s32 $0xBA00;
	[dreg:$0x8] =	wrdreg s21  }
0xc: {  	s29 =	simm.s32 $0xC200;
	s30 =	simm.s32 $0xCA00;
	[dreg:$0x9] =	wrdreg s22  }
0xd: {  	s31 =	simm.s32 $0xD200;
	s2 =	ssub.s32 $0x2, s2;
	[dreg:$0xa] =	wrdreg s23  }
0xe: {  	s7 =	smul.u32 $0x1B, s5;
	s20 =	sshrl.u32 s2, $0x1;
	[dreg:$0xb] =	wrdreg s24  }
0xf: {  	s5 =	smul.u32 $0x1B00, s5;
	s2 =	ssub.s32 s2, s20;
	[dreg:$0xc] =	wrdreg s25  }
0x10: {  	[dreg:$0xd] =	wrdreg s26;
	s18 =	simm.s32 $0x7200;
	s19 =	simm.s32 $0x7A00  }
0x11: {  	s20 =	simm.s32 $0x8200;
	s21 =	simm.s32 $0x8A00;
	s22 =	simm.s32 $0x9200  }
0x12: {  	s23 =	simm.s32 $0x9A00;
	s24 =	simm.s32 $0xA200;
	s7 =	sadd.s32 s7, s6  }
0x13: {  	s25 =	simm.s32 $0xAA00;
	s5 =	sadd.s32 s5, s6;
	s17 =	sadd.s32 $0xE00, s7  }
0x14: {  	v2 =	vlaneseq.u32;
	s26 =	simm.s32 $0xB200;
	s5 =	sadd.s32 $0x1200, s5;
	[dreg:$0x4] =	wrdreg s17  }
0x15: {  	vm0 =	vmmov $0xffff;
	v1 =	vshrl.u32 v2, $0x3;
	s6 =	simm.s32 $0x3;
	s7 =	simm.s32 $0x80;
	[dreg:$0x5] =	wrdreg s5  }
0x16: {  	v0 =	vand.u32 $0x7, v2;
	v2 =	vor.u32 $0x8, v2;
	v1 =	vmul.u32 $0x8, v1;
	s5 =	smax.u32 s2, $0x1;
	s17 =	simm.s32 $0x6A00;
	s2 =	simm.s32 $0x2  }
.LBB2_1:
0x17: {  	s0 =	rddreg [dreg:$0x4]  }
0x18: {  	[tilespmem:s4], [sflag:$0x3] =	stream.linear.gather [hbm4b:s0+s4], $0xD8, $0x38;
	[tilespmem:$0xDA00] =	vst v63  }
0x19: {  	_ =	swait.ge [sflag:s6], $0xD8  }
0x1a: {  	s0 =	rddreg [dreg:$0x6];
	[sflag:s6] =	ssyncset.done $0x0  }
0x1b: {  	s10 =	rddreg [dreg:$0x7];
	[sflag:s6] =	ssyncadd.s32 $0xFFFFFF28  }
0x1c: {  	[tilespmem:s0], [sflag:$0x1] =	stream.indirect.gather [hbm4b:s3+s7], $0x1, s4, s7, $0xb8;
	[tilespmem:$0xDA00] =	vst v63  }
0x1d: {  	s11 =	rddreg [dreg:$0x8]  }
0x1e: {  	[tilespmem:s11], [sflag:$0x1] =	stream.indirect.gather [hbm4b:s3+s10], $0x1, s7, s10, $0xb8;
	[tilespmem:$0xDA00] =	vst v63  }
0x1f: {  	_ =	swait.ge [sflag:s8], $0x80  }
0x20: {  	[sflag:s8] =	ssyncset.done $0x0  }
0x21: {  	[sflag:s8] =	ssyncadd.s32 $0xFFFFFF80  }
0x22: {  	v3 =	vld [tilespmem:$0x100];
	_ =	sdelay $0x4  }
0x23: {  	v4 =	vshll.u32 v3, $0x1  }
0x24: {  	v3 =	vand.u32 $0x7, v3;
	v4 =	vand.u32 $0xFFFFFFF0, v4  }
0x25: {  	v3 =	vor.u32 v3, v4  }
0x26: {  	v4 =	vperm.xlane v3, v0;
	_ =	sdelay $0x1  }
0x27: {  	v3 =	vperm.xlane v3, v2;
	v4 =	vadd.s32 v1, v4;
	_ =	sdelay $0x1  }
0x28: {  	v3 =	vadd.s32 v1, v3;
	_ =	sdelay $0x2  }
0x29: {  	[tilespmem:s9], [sflag:$0x2] =	stream.indirect_vreg.gather [hbm4b:s1+s4], $0x80, v4, vm0, $0xb8;
	[tilespmem:$0xDA00] =	vst v63  }
0x2a: {  	s11 =	rddreg [dreg:$0x9]  }
0x2b: {  	[tilespmem:s11], [sflag:$0x2] =	stream.indirect_vreg.gather [hbm4b:s1+s4], $0x80, v3, vm0, $0xb8;
	[tilespmem:$0xDA00] =	vst v63  }
0x2c: {  	v3 =	vld [tilespmem:$0x110];
	_ =	sdelay $0x4  }
0x2d: {  	v51 =	vshll.u32 v3, $0x1  }
0x2e: {  	v3 =	vand.u32 $0x7, v3;
	v4 =	vand.u32 $0xFFFFFFF0, v51  }
0x2f: {  	v3 =	vor.u32 v3, v4  }
0x30: {  	v4 =	vperm.xlane v3, v0;
	_ =	sdelay $0x1  }
0x31: {  	v3 =	vperm.xlane v3, v2;
	v4 =	vadd.s32 v1, v4;
	_ =	sdelay $0x1  }
0x32: {  	v3 =	vadd.s32 v1, v3;
	_ =	sdelay $0x1  }
0x33: {  	s10 =	rddreg [dreg:$0xa]  }
0x34: {  	[tilespmem:s10], [sflag:$0x2] =	stream.indirect_vreg.gather [hbm4b:s1+s4], $0x80, v4, vm0, $0xb8;
	[tilespmem:$0xDA00] =	vst v63  }
0x35: {  	s11 =	rddreg [dreg:$0xb]  }
0x36: {  	[tilespmem:s11], [sflag:$0x2] =	stream.indirect_vreg.gather [hbm4b:s1+s4], $0x80, v3, vm0, $0xb8;
	[tilespmem:$0xDA00] =	vst v63  }
0x37: {  	v3 =	vld [tilespmem:$0x120];
	_ =	sdelay $0x4  }
0x38: {  	v52 =	vshll.u32 v3, $0x1  }
0x39: {  	v3 =	vand.u32 $0x7, v3;
	v4 =	vand.u32 $0xFFFFFFF0, v52  }
0x3a: {  	v3 =	vor.u32 v3, v4  }
0x3b: {  	v4 =	vperm.xlane v3, v0;
	_ =	sdelay $0x1  }
0x3c: {  	v3 =	vperm.xlane v3, v2;
	v4 =	vadd.s32 v1, v4;
	_ =	sdelay $0x1  }
0x3d: {  	v3 =	vadd.s32 v1, v3;
	_ =	sdelay $0x1  }
0x3e: {  	s10 =	rddreg [dreg:$0xc]  }
0x3f: {  	[tilespmem:s10], [sflag:$0x2] =	stream.indirect_vreg.gather [hbm4b:s1+s4], $0x80, v4, vm0, $0xb8;
	[tilespmem:$0xDA00] =	vst v63  }
0x40: {  	s11 =	rddreg [dreg:$0xd]  }
0x41: {  	[tilespmem:s11], [sflag:$0x2] =	stream.indirect_vreg.gather [hbm4b:s1+s4], $0x80, v3, vm0, $0xb8;
	[tilespmem:$0xDA00] =	vst v63  }
0x42: {  	v3 =	vld [tilespmem:$0x130];
	_ =	sdelay $0x4  }
0x43: {  	v53 =	vshll.u32 v3, $0x1  }
0x44: {  	v3 =	vand.u32 $0x7, v3;
	v4 =	vand.u32 $0xFFFFFFF0, v53  }
0x45: {  	v3 =	vor.u32 v3, v4  }
0x46: {  	v4 =	vperm.xlane v3, v0;
	_ =	sdelay $0x1  }
0x47: {  	v3 =	vperm.xlane v3, v2;
	v4 =	vadd.s32 v1, v4;
	_ =	sdelay $0x1  }
0x48: {  	v3 =	vadd.s32 v1, v3;
	_ =	sdelay $0x1  }
0x49: {  	s11 =	simm.s32 $0x3200  }
0x4a: {  	[tilespmem:s11], [sflag:$0x2] =	stream.indirect_vreg.gather [hbm4b:s1+s4], $0x80, v4, vm0, $0xb8;
	[tilespmem:$0xDA00] =	vst v63  }
0x4b: {  	s10 =	simm.s32 $0x3A00  }
0x4c: {  	[tilespmem:s10], [sflag:$0x2] =	stream.indirect_vreg.gather [hbm4b:s1+s4], $0x80, v3, vm0, $0xb8;
	[tilespmem:$0xDA00] =	vst v63  }
0x4d: {  	v3 =	vld [tilespmem:$0x140];
	_ =	sdelay $0x4  }
0x4e: {  	v54 =	vshll.u32 v3, $0x1  }
0x4f: {  	v3 =	vand.u32 $0x7, v3;
	v4 =	vand.u32 $0xFFFFFFF0, v54  }
0x50: {  	v3 =	vor.u32 v3, v4  }
0x51: {  	v4 =	vperm.xlane v3, v0;
	_ =	sdelay $0x1  }
0x52: {  	v3 =	vperm.xlane v3, v2;
	v4 =	vadd.s32 v1, v4;
	_ =	sdelay $0x1  }
0x53: {  	v3 =	vadd.s32 v1, v3;
	_ =	sdelay $0x2  }
0x54: {  	[tilespmem:s12], [sflag:$0x2] =	stream.indirect_vreg.gather [hbm4b:s1+s4], $0x80, v4, vm0, $0xb8;
	[tilespmem:$0xDA00] =	vst v63  }
0x55: {  	_ = 	snop  }
0x56: {  	[tilespmem:s13], [sflag:$0x2] =	stream.indirect_vreg.gather [hbm4b:s1+s4], $0x80, v3, vm0, $0xb8;
	[tilespmem:$0xDA00] =	vst v63  }
0x57: {  	v3 =	vld [tilespmem:$0x150];
	_ =	sdelay $0x4  }
0x58: {  	v55 =	vshll.u32 v3, $0x1  }
0x59: {  	v3 =	vand.u32 $0x7, v3;
	v4 =	vand.u32 $0xFFFFFFF0, v55  }
0x5a: {  	v3 =	vor.u32 v3, v4  }
0x5b: {  	v4 =	vperm.xlane v3, v0;
	_ =	sdelay $0x1  }
0x5c: {  	v3 =	vperm.xlane v3, v2;
	v4 =	vadd.s32 v1, v4;
	_ =	sdelay $0x1  }
0x5d: {  	v3 =	vadd.s32 v1, v3;
	_ =	sdelay $0x2  }
0x5e: {  	[tilespmem:s14], [sflag:$0x2] =	stream.indirect_vreg.gather [hbm4b:s1+s4], $0x80, v4, vm0, $0xb8;
	[tilespmem:$0xDA00] =	vst v63  }
0x5f: {  	_ = 	snop  }
0x60: {  	[tilespmem:s15], [sflag:$0x2] =	stream.indirect_vreg.gather [hbm4b:s1+s4], $0x80, v3, vm0, $0xb8;
	[tilespmem:$0xDA00] =	vst v63  }
0x61: {  	v3 =	vld [tilespmem:$0x160];
	_ =	sdelay $0x4  }
0x62: {  	v56 =	vshll.u32 v3, $0x1  }
0x63: {  	v3 =	vand.u32 $0x7, v3;
	v4 =	vand.u32 $0xFFFFFFF0, v56  }
0x64: {  	v3 =	vor.u32 v3, v4  }
0x65: {  	v4 =	vperm.xlane v3, v0;
	_ =	sdelay $0x1  }
0x66: {  	v3 =	vperm.xlane v3, v2;
	v4 =	vadd.s32 v1, v4;
	_ =	sdelay $0x1  }
0x67: {  	v3 =	vadd.s32 v1, v3;
	_ =	sdelay $0x2  }
0x68: {  	[tilespmem:s16], [sflag:$0x2] =	stream.indirect_vreg.gather [hbm4b:s1+s4], $0x80, v4, vm0, $0xb8;
	[tilespmem:$0xDA00] =	vst v63  }
0x69: {  	_ = 	snop  }
0x6a: {  	[tilespmem:s17], [sflag:$0x2] =	stream.indirect_vreg.gather [hbm4b:s1+s4], $0x80, v3, vm0, $0xb8;
	[tilespmem:$0xDA00] =	vst v63  }
0x6b: {  	v3 =	vld [tilespmem:$0x170];
	_ =	sdelay $0x4  }
0x6c: {  	v57 =	vshll.u32 v3, $0x1  }
0x6d: {  	v3 =	vand.u32 $0x7, v3;
	v4 =	vand.u32 $0xFFFFFFF0, v57  }
0x6e: {  	v3 =	vor.u32 v3, v4  }
0x6f: {  	v4 =	vperm.xlane v3, v0;
	_ =	sdelay $0x1  }
0x70: {  	v3 =	vperm.xlane v3, v2;
	v4 =	vadd.s32 v1, v4;
	_ =	sdelay $0x1  }
0x71: {  	v3 =	vadd.s32 v1, v3;
	_ =	sdelay $0x2  }
0x72: {  	[tilespmem:s18], [sflag:$0x2] =	stream.indirect_vreg.gather [hbm4b:s1+s4], $0x80, v4, vm0, $0xb8;
	[tilespmem:$0xDA00] =	vst v63  }
0x73: {  	_ = 	snop  }
0x74: {  	[tilespmem:s19], [sflag:$0x2] =	stream.indirect_vreg.gather [hbm4b:s1+s4], $0x80, v3, vm0, $0xb8;
	[tilespmem:$0xDA00] =	vst v63  }
0x75: {  	_ =	swait.ge [sflag:s8], $0x58  }
0x76: {  	[sflag:s8] =	ssyncset.done $0x0  }
0x77: {  	[sflag:s8] =	ssyncadd.s32 $0xFFFFFFA8  }
0x78: {  	v3 =	vld [tilespmem:$0x180];
	_ =	sdelay $0x4  }
0x79: {  	v58 =	vshll.u32 v3, $0x1  }
0x7a: {  	v3 =	vand.u32 $0x7, v3;
	v4 =	vand.u32 $0xFFFFFFF0, v58  }
0x7b: {  	v3 =	vor.u32 v3, v4  }
0x7c: {  	v4 =	vperm.xlane v3, v0;
	_ =	sdelay $0x1  }
0x7d: {  	v3 =	vperm.xlane v3, v2;
	v4 =	vadd.s32 v1, v4;
	_ =	sdelay $0x1  }
0x7e: {  	v3 =	vadd.s32 v1, v3;
	_ =	sdelay $0x2  }
0x7f: {  	[tilespmem:s20], [sflag:$0x2] =	stream.indirect_vreg.gather [hbm4b:s1+s4], $0x80, v4, vm0, $0xb8;
	[tilespmem:$0xDA00] =	vst v63  }
0x80: {  	_ = 	snop  }
0x81: {  	[tilespmem:s21], [sflag:$0x2] =	stream.indirect_vreg.gather [hbm4b:s1+s4], $0x80, v3, vm0, $0xb8;
	[tilespmem:$0xDA00] =	vst v63  }
0x82: {  	v3 =	vld [tilespmem:$0x190];
	_ =	sdelay $0x4  }
0x83: {  	v59 =	vshll.u32 v3, $0x1  }
0x84: {  	v3 =	vand.u32 $0x7, v3;
	v4 =	vand.u32 $0xFFFFFFF0, v59  }
0x85: {  	v3 =	vor.u32 v3, v4  }
0x86: {  	v4 =	vperm.xlane v3, v0;
	_ =	sdelay $0x1  }
0x87: {  	v3 =	vperm.xlane v3, v2;
	v4 =	vadd.s32 v1, v4;
	_ =	sdelay $0x1  }
0x88: {  	v3 =	vadd.s32 v1, v3;
	_ =	sdelay $0x2  }
0x89: {  	[tilespmem:s22], [sflag:$0x2] =	stream.indirect_vreg.gather [hbm4b:s1+s4], $0x80, v4, vm0, $0xb8;
	[tilespmem:$0xDA00] =	vst v63  }
0x8a: {  	_ = 	snop  }
0x8b: {  	[tilespmem:s23], [sflag:$0x2] =	stream.indirect_vreg.gather [hbm4b:s1+s4], $0x80, v3, vm0, $0xb8;
	[tilespmem:$0xDA00] =	vst v63  }
0x8c: {  	v3 =	vld [tilespmem:$0x1A0];
	_ =	sdelay $0x4  }
0x8d: {  	v60 =	vshll.u32 v3, $0x1  }
0x8e: {  	v3 =	vand.u32 $0x7, v3;
	v4 =	vand.u32 $0xFFFFFFF0, v60  }
0x8f: {  	v3 =	vor.u32 v3, v4  }
0x90: {  	v4 =	vperm.xlane v3, v0;
	_ =	sdelay $0x1  }
0x91: {  	v3 =	vperm.xlane v3, v2;
	v4 =	vadd.s32 v1, v4;
	_ =	sdelay $0x1  }
0x92: {  	v3 =	vadd.s32 v1, v3;
	_ =	sdelay $0x2  }
0x93: {  	[tilespmem:s24], [sflag:$0x2] =	stream.indirect_vreg.gather [hbm4b:s1+s4], $0x80, v4, vm0, $0xb8;
	[tilespmem:$0xDA00] =	vst v63  }
0x94: {  	_ = 	snop  }
0x95: {  	[tilespmem:s25], [sflag:$0x2] =	stream.indirect_vreg.gather [hbm4b:s1+s4], $0x80, v3, vm0, $0xb8;
	[tilespmem:$0xDA00] =	vst v63  }
0x96: {  	v3 =	vld [tilespmem:$0x1B0];
	_ =	sdelay $0x4  }
0x97: {  	v61 =	vshll.u32 v3, $0x1  }
0x98: {  	v3 =	vand.u32 $0x7, v3;
	v4 =	vand.u32 $0xFFFFFFF0, v61  }
0x99: {  	v3 =	vor.u32 v3, v4  }
0x9a: {  	v4 =	vperm.xlane v3, v0;
	_ =	sdelay $0x1  }
0x9b: {  	v3 =	vperm.xlane v3, v2;
	v4 =	vadd.s32 v1, v4;
	_ =	sdelay $0x1  }
0x9c: {  	v3 =	vadd.s32 v1, v3;
	_ =	sdelay $0x2  }
0x9d: {  	[tilespmem:s26], [sflag:$0x2] =	stream.indirect_vreg.gather [hbm4b:s1+s4], $0x80, v4, vm0, $0xb8;
	[tilespmem:$0xDA00] =	vst v63  }
0x9e: {  	_ = 	snop  }
0x9f: {  	[tilespmem:s28], [sflag:$0x2] =	stream.indirect_vreg.gather [hbm4b:s1+s4], $0x80, v3, vm0, $0xb8;
	[tilespmem:$0xDA00] =	vst v63  }
0xa0: {  	v3 =	vld [tilespmem:$0x1C0];
	_ =	sdelay $0x4  }
0xa1: {  	v62 =	vshll.u32 v3, $0x1  }
0xa2: {  	v3 =	vand.u32 $0x7, v3;
	v4 =	vand.u32 $0xFFFFFFF0, v62  }
0xa3: {  	v3 =	vor.u32 v3, v4  }
0xa4: {  	v4 =	vperm.xlane v3, v0;
	_ =	sdelay $0x1  }
0xa5: {  	v3 =	vperm.xlane v3, v2;
	v4 =	vadd.s32 v1, v4;
	_ =	sdelay $0x1  }
0xa6: {  	v3 =	vadd.s32 v1, v3;
	_ =	sdelay $0x2  }
0xa7: {  	[tilespmem:s29], [sflag:$0x2] =	stream.indirect_vreg.gather [hbm4b:s1+s4], $0x80, v4, vm0, $0xb8;
	[tilespmem:$0xDA00] =	vst v63  }
0xa8: {  	_ = 	snop  }
0xa9: {  	[tilespmem:s30], [sflag:$0x2] =	stream.indirect_vreg.gather [hbm4b:s1+s4], $0x80, v3, vm0, $0xb8;
	[tilespmem:$0xDA00] =	vst v63  }
0xaa: {  	v3 =	vld.msk [tilespmem:$0x1D0], $0xff;
	_ =	sdelay $0x4  }
0xab: {  	v63 =	vshll.u32 v3, $0x1  }
0xac: {  	v3 =	vand.u32 $0x7, v3;
	v4 =	vand.u32 $0xFFFFFFF0, v63  }
0xad: {  	v3 =	vor.u32 v3, v4  }
0xae: {  	v3 =	vperm.xlane v3, v0;
	_ =	sdelay $0x1  }
0xaf: {  	v3 =	vadd.s32 v1, v3;
	_ =	sdelay $0x4  }
0xb0: {  	[tilespmem:s31], [sflag:$0x2] =	stream.indirect_vreg.gather [hbm4b:s1+s4], $0x80, v3, vm0, $0xb8;
	[tilespmem:$0xDA00] =	vst v63  }
0xb1: {  	_ =	swait.ge [sflag:s2], $0x8000  }
0xb2: {  	[sflag:s2] =	ssyncset.done $0x0  }
0xb3: {  	[sflag:s2] =	ssyncadd.s32 $0xFFFF8000  }
0xb4: {  	_ =	swait.ge [sflag:s2], $0x5800  }
0xb5: {  	p0 =	sne.s32 s5, $0x1;
	[sflag:s2] =	ssyncset.done $0x0  }
.Ltmp0:
0xb6: {  	s11 =	rddreg [dreg:$0x5];
	[sflag:s2] =	ssyncadd.s32 $0xFFFFA800;
	(pc) =	sbr.rel @p0 .LBB2_1-.Ltmp0, $4  }
0xb7: {  	[hbm4b:s11+s4] =	stream.linear.scatter [tilespmem:s9], [sflag:$0x3], $0xD800, $0x38;
	[tilespmem:$0xDA00] =	vst v63  }
0xb8: {  	_ =	swait.ge [sflag:s6], $0xD800  }
0xb9: {  	[sflag:s6] =	ssyncset.done $0x0  }
0xba: {  	s5 =	sadd.s32 $0xFFFFFFFF, s5;
	[sflag:s6] =	ssyncadd.s32 $0xFFFF2800  }
0xbb: {  	_ =	sfence.sel $0x180000  }
0xbc: {  	[bflag:$0x0] =	sbarrier.arrive $0xFFFF  }
0xbd: {  	_ =	strace $0x90000047  }
0xbe: {  	s0 =	stileid.u32;
	[bflag:$0x2] =	sbarrier.arrive $0xFFFF  }
0xbf: {  	p0 =	sne.s32 s0, $0x0;
	s0 =	rddreg [dreg:$0x3]  }
0xc0: {  	s0 =	sadd.s32 @!p0 $0x100000, s0  }
0xc1: {  	[sflag:s0] =	ssyncadd.tile.s32 @!p0 $0x1;
	_ =	shalt  }
.Lfunc_end2:
_tile_overlayer_lowered:
.L_overlay_start_2:
0xc2: {  	(tag) =	ssettag $0x2  }
0xc3: {  	s0 =	rddreg [dreg:$0x0];
	s2 =	stileid.u32  }
0xc4: {  	s1 =	rddreg [dreg:$0x1];
	p0 =	sne.s32 s2, $0x0  }
0xc5: {  	s3 =	rddreg [dreg:$0x2];
	[bflag:$0x3] =	sbarrier.arrive $0xFFFF;
	s2 =	simm.s32 @!p0 $0x1C03  }
0xc6: {  	[timem:s3], [sflag:s2] =	dma.local @!p0 [hbm:s0], s1  }
0xc7: {  	s0 =	simm.s32 @!p0 $0x3  }
0xc8: {  	_ =	swait.ge @!p0 [sflag:s0], s1  }
0xc9: {  	s1 =	ssub.s32 @!p0 $0x0, s1;
	[sflag:s0] =	ssyncset.done @!p0 $0x0  }
0xca: {  	[sflag:s0] =	ssyncadd.s32 @!p0 s1  }
0xcb: {  	[bflag:$0x3] =	sbarrier.arrive $0xFFFF  }
0xcc: {  	_ =	shalt  }

// kernel: kernel.9.cloned.1.call-start
scs
__scs_entry_jumppad:
0x0: {  	(pc) =	sbr.rel $0x88, $3  }
0x1: {  	(tag) =	ssettag $0x0;
	lr =	simm.s32 $0x1  }
0x2: {  	[smem:$0x3F95] =	sst lr;
	_ =	strace $0xD0000000  }
0x3: {  	_ = 	snop  }
0x4: {  	_ = 	snop  }
0x5: {  	_ = 	snop  }
0x6: {  	_ = 	snop  }
0x7: {  	_ = 	snop  }
__scs_overlays_trampoline_lowered:
0x8: {  	[smem:$0x3FA4] =	sst s0  }
0x9: {  	[smem:$0x3FA5] =	sst s1  }
0xa: {  	[smem:$0x3FA6] =	sst s2  }
0xb: {  	[smem:$0x3FA7] =	sst s3  }
0xc: {  	[smem:$0x3FA8] =	sst s4  }
0xd: {  	[smem:$0x3FA9] =	sst s5  }
0xe: {  	[smem:$0x3FAA] =	sst s6  }
0xf: {  	[smem:$0x3FAB] =	sst s7  }
0x10: {  	[smem:$0x3FAC] =	sst s8  }
0x11: {  	[smem:$0x3FAD] =	sst s9;
	s0 =	simm.s32 @!p0 $0x0  }
0x12: {  	s1 =	sld [smem:$0x3F93];
	s0 =	simm.s32 @p0 $0x1  }
0x13: {  	[smem:$0x3FAE] =	sst s0;
	s0 =	simm.s32 @!p1 $0x0  }
0x14: {  	s2 =	sld [smem:$0x3F92];
	s0 =	simm.s32 @p1 $0x1  }
0x15: {  	[smem:$0x3FAF] =	sst s0;
	s0 =	simm.s32 @!p2 $0x0  }
0x16: {  	s3 =	sld [smem:$0x3FDB];
	s0 =	simm.s32 @p2 $0x1  }
0x17: {  	s4 =	simm.s32 $0x1BF5;
	[smem:$0x3FB1] =	sst s0  }
0x18: {  	s0 =	sld [smem:$0x3F94];
	_ =	swait.ge [sflag:s4], $0x0  }
0x19: {  	s7 =	sld [smem:$0x3F95]  }
0x1a: {  	s8 =	sadd.s32 $0xFFFFE003, lr  }
0x1b: {  	s9 =	sadd.s32 $0xFFFFFEF7, lr;
	s5 =	simm.s32 $0xFFFFFFFF;
	p2 =	slt.u32 s8, $0xFFFFF086  }
0x1c: {  	p1 =	slt.u32 s9, $0xF7A;
	s5 =	simm.s32 @!p2 $0x0  }
0x1d: {  	s5 =	simm.s32 @p1 $0x1;
	p0 =	seq.s32 s7, s2  }
0x1e: {  	s7 =	smul.u32 @!p0 $0xF7A, s2;
	p2 =	seq.s32 @!p0 s5, $0x0  }
0x1f: {  	s9 =	smul.u32 $0xF7A, s1;
	s8 =	simm.s32 @!p0 $0x1BF5;
	p2 =	por !p2, p0  }
0x20: {  	[sflag:s8] =	ssyncset.s32 @!p0 $0xFFFFF086;
	s6 =	sadd.s32 @!p0 s3, s7;
	s7 =	simm.s32 @!p0 $0x108  }
0x21: {  	s3 =	sadd.s32 s3, s9;
	s6 =	sadd.s32 @!p0 $0x88, s6;
	s7 =	simm.s32 @p2 $0x1082  }
0x22: {  	[simem:s7], [sflag:s8] =	dma.local @!p0 [hbm:s6], $0xF7A  }
0x23: {  	s9 =	sor.u32 $0xD0000000, s2;
	s6 =	simm.s32 $0x108;
	_ =	swait.ge @!p0 [sflag:s8], $0x0  }
0x24: {  	s3 =	sadd.s32 $0x88, s3;
	s6 =	simm.s32 @!p1 $0x1082;
	[sflag:s4] =	ssyncset.s32 $0xFFFFF086  }
0x25: {  	[simem:s6], [sflag:s4] =	dma.local [hbm:s3], $0xF7A  }
0x26: {  	[smem:$0x3F95] =	sst s1;
	(tag) =	ssettag s2;
	_ =	strace s9  }
0x27: {  	s1 =	sld [smem:$0x3FA5]  }
0x28: {  	s2 =	sld [smem:$0x3FA6]  }
0x29: {  	s4 =	sld [smem:$0x3FA8]  }
0x2a: {  	p0 =	seq.s32 s5, $0x0;
	s5 =	sld [smem:$0x3FA9]  }
0x2b: {  	s6 =	sld [smem:$0x3FAA]  }
0x2c: {  	s7 =	sld [smem:$0x3FAB]  }
0x2d: {  	s3 =	simm.s32 $0x108;
	s8 =	sld [smem:$0x3FAC]  }
0x2e: {  	s3 =	simm.s32 @!p0 $0x1082;
	s9 =	sld [smem:$0x3FAD]  }
0x2f: {  	lr =	sadd.s32 s0, s3;
	s0 =	sld [smem:$0x3FA4]  }
0x30: {  	s3 =	sld [smem:$0x3FA7]  }
0x31: {  	[smem:$0x3FB0] =	sst s10  }
0x32: {  	s10 =	sld [smem:$0x3FAE];
	_ =	sdelay $0x3  }
0x33: {  	p0 =	seq.s32 s10, $0x1;
	s10 =	sld [smem:$0x3FB0];
	_ =	sdelay $0x3  }
0x34: {  	[smem:$0x3FB0] =	sst s10  }
0x35: {  	s10 =	sld [smem:$0x3FAF];
	_ =	sdelay $0x3  }
0x36: {  	p1 =	seq.s32 s10, $0x1;
	s10 =	sld [smem:$0x3FB0];
	_ =	sdelay $0x3  }
0x37: {  	[smem:$0x3FB0] =	sst s10  }
0x38: {  	s10 =	sld [smem:$0x3FB1]  }
0x39: {  	_ = 	snop;
	(pc) =	sbr.ind lr, $3  }
0x3a: {  	_ = 	snop  }
0x3b: {  	_ = 	snop  }
0x3c: {  	p2 =	seq.s32 s10, $0x1;
	s10 =	sld [smem:$0x3FB0]  }
0x3d: {  	_ =	shalt  }
0x3e: {  	_ =	shalt  }
0x3f: {  	_ =	shalt  }
0x40: {  	_ =	shalt  }
0x41: {  	_ =	shalt  }
0x42: {  	_ =	shalt  }
0x43: {  	_ =	shalt  }
0x44: {  	_ =	shalt  }
0x45: {  	_ =	shalt  }
0x46: {  	_ =	shalt  }
0x47: {  	_ =	shalt  }
0x48: {  	_ =	shalt  }
0x49: {  	_ =	shalt  }
0x4a: {  	_ =	shalt  }
0x4b: {  	_ =	shalt  }
0x4c: {  	_ =	shalt  }
0x4d: {  	_ =	shalt  }
0x4e: {  	_ =	shalt  }
0x4f: {  	_ =	shalt  }
0x50: {  	_ =	shalt  }
0x51: {  	_ =	shalt  }
0x52: {  	_ =	shalt  }
0x53: {  	_ =	shalt  }
0x54: {  	_ =	shalt  }
0x55: {  	_ =	shalt  }
0x56: {  	_ =	shalt  }
0x57: {  	_ =	shalt  }
0x58: {  	_ =	shalt  }
0x59: {  	_ =	shalt  }
0x5a: {  	_ =	shalt  }
0x5b: {  	_ =	shalt  }
0x5c: {  	_ =	shalt  }
0x5d: {  	_ =	shalt  }
0x5e: {  	_ =	shalt  }
0x5f: {  	_ =	shalt  }
0x60: {  	_ =	shalt  }
0x61: {  	_ =	shalt  }
0x62: {  	_ =	shalt  }
0x63: {  	_ =	shalt  }
0x64: {  	_ =	shalt  }
0x65: {  	_ =	shalt  }
0x66: {  	_ =	shalt  }
0x67: {  	_ =	shalt  }
0x68: {  	_ =	shalt  }
0x69: {  	_ =	shalt  }
0x6a: {  	_ =	shalt  }
0x6b: {  	_ =	shalt  }
0x6c: {  	_ =	shalt  }
0x6d: {  	_ =	shalt  }
0x6e: {  	_ =	shalt  }
0x6f: {  	_ =	shalt  }
0x70: {  	_ =	shalt  }
0x71: {  	_ =	shalt  }
0x72: {  	_ =	shalt  }
0x73: {  	_ =	shalt  }
0x74: {  	_ =	shalt  }
0x75: {  	_ =	shalt  }
0x76: {  	_ =	shalt  }
0x77: {  	_ =	shalt  }
0x78: {  	_ =	shalt  }
0x79: {  	_ =	shalt  }
0x7a: {  	_ =	shalt  }
0x7b: {  	_ =	shalt  }
0x7c: {  	_ =	shalt  }
0x7d: {  	_ =	shalt  }
0x7e: {  	_ =	shalt  }
0x7f: {  	_ =	shalt  }
0x80: {  	_ =	shalt  }
0x81: {  	_ =	shalt  }
0x82: {  	_ =	shalt  }
0x83: {  	_ =	shalt  }
0x84: {  	_ =	shalt  }
0x85: {  	_ =	shalt  }
0x86: {  	_ =	shalt  }
0x87: {  	_ =	shalt  }
.Lfunc_end0:
.L_simem_size_0:
called_computation.1_lowered:
.L_overlay_start_0:
0x88: {  	s2 =	sld [smem:$0x3FD9]  }
0x89: {  	s3 =	sld [smem:$0x3FFE];
	_ =	sdelay $0x1  }
0x8a: {  	s1 =	srdreg.scid  }
0x8b: {  	s0 =	sand.u32 $0x1, s1  }
0x8c: {  	s17 =	sshll.u32 s0, $0xA;
	s2 =	sadd.s32 s3, s2  }
0x8d: {  	s2 =	sadd.s32 s2, s17  }
0x8e: {  	[smem:$0x3FBC] =	sst s2  }
0x8f: {  	_ = 	snop  }
0x90: {  	s18 =	sld [smem:$0x3FC9]  }
0x91: {  	s4 =	sld [smem:$0x3FC8]  }
0x92: {  	s5 =	sld [smem:$0x3FD0];
	(tm) =	ssettm $0x1  }
0x93: {  	s19 =	sld [smem:$0x3FFB];
	_ =	sdelay $0x3  }
0x94: {  	_ =	strace s19  }
0x95: {  	s2 =	sld [smem:$0x3FFC];
	_ =	sdelay $0x3  }
0x96: {  	_ =	strace s2  }
0x97: {  	s2 =	sld [smem:$0x3FFD];
	_ =	sdelay $0x3  }
0x98: {  	_ =	strace s2  }
0x99: {  	_ =	strace $0x8FFFFFFF  }
0x9a: {  	s20 =	sld [smem:$0x3FDB];
	_ =	sdelay $0x1  }
0x9b: {  	s6 =	simm.s32 $_scs_section_size  }
0x9c: {  	s7 =	simm.s32 $_size__tile_overlayer_lowered;
	s8 =	simm.s32 $_tile_overlayer_lowered  }
0x9d: {  	s9 =	simm.s32 $0x1BFF;
	s21 =	sshll.u32 s8, $0x1;
	s6 =	sadd.s32 s6, s20  }
0x9e: {  	s22 =	simm.s32 $0x0;
	s7 =	sshll.u32 s7, $0x1;
	s8 =	sadd.s32 s21, s6  }
0x9f: {  	[timem:s22], [sflag:s9] =	dma.local [hbm:s8], s7  }
0xa0: {  	_ =	swait.ge [sflag:s9], s7  }
0xa1: {  	s7 =	ssub.s32 $0x0, s7;
	[sflag:s9] =	ssyncset.done $0x0  }
0xa2: {  	[sflag:s9] =	ssyncadd.s32 s7;
	_ =	sdelay $0x1  }
0xa3: {  	s23 =	simm.s32 $0x1B8B  }
0xa4: {  	_ =	swait.ge [sflag:s23], $0x1  }
0xa5: {  	[sflag:s23] =	ssyncset.done $0x0  }
0xa6: {  	[sflag:s23] =	ssyncadd.s32 $0xFFFFFFFF  }
0xa7: {  	s7 =	sld [smem:$0x0]  }
0xa8: {  	s8 =	sand.u32 $0xFFFFFFFE, s1  }
0xa9: {  	p0 =	sne.s32 s1, s8  }
0xaa: {  	s8 =	sshll.u32 @p0 s8, $0xE  }
0xab: {  	s8 =	sadd.s32 @p0 $0x11B8D, s8;
	s9 =	sshll.u32 @p0 s7, $0x11  }
0xac: {  	s8 =	sor.u32 @p0 s9, s8  }
0xad: {  	[sflag:s8] =	ssyncadd.remote.s32 @p0 $0x1;
	_ =	sdelay $0x1  }
0xae: {  	s8 =	simm.s32 @p0 $0x1B8D  }
0xaf: {  	_ =	swait.eq @p0 [sflag:s8], $0x1  }
0xb0: {  	[sflag:s8] =	ssyncadd.s32 @p0 $0xFFFFFFFF  }
0xb1: {  	s9 =	sshll.u32 @!p0 s1, $0xE  }
0xb2: {  	s9 =	sor.u32 @!p0 $0x4000, s9;
	s8 =	simm.s32 @!p0 $0x1B8D  }
0xb3: {  	s7 =	sshll.u32 @!p0 s7, $0x11;
	s9 =	sadd.s32 @!p0 $0x11B8D, s9;
	_ =	swait.eq @!p0 [sflag:s8], $0x1  }
0xb4: {  	s7 =	sor.u32 @!p0 s7, s9;
	[sflag:s8] =	ssyncadd.s32 @!p0 $0xFFFFFFFF  }
0xb5: {  	s25 =	simm.s32 $0x1B8E;
	s24 =	sld [smem:$0x3FFE];
	[sflag:s7] =	ssyncadd.remote.s32 @!p0 $0x1  }
0xb6: {  	s26 =	simm.s32 $execute0_lowered;
	[smem:$0x3FD2] =	sst s25  }
0xb7: {  	s8 =	sshll.u32 s26, $0x1;
	_ =	strace $0x80000049;
	[dreg:$0x1] =	wrdreg $0xFFFFFFFF  }
0xb8: {  	s28 =	simm.s32 $_size_execute0_lowered;
	s6 =	sadd.s32 s6, s8;
	[dreg:$0x0] =	wrdreg $0x0  }
0xb9: {  	s8 =	sshll.u32 s28, $0x1;
	[dreg:$0x2] =	wrdreg s6  }
0xba: {  	[dreg:$0x3] =	wrdreg s8  }
0xbb: {  	[dreg:$0x4] =	wrdreg $0xC0  }
0xbc: {  	_ =	task [dreg:s22], $0x5FFFF  }
0xbd: {  	[dreg:$0x1] =	wrdreg $0xFFFFFFFF  }
0xbe: {  	[dreg:$0x0] =	wrdreg $0x60  }
0xbf: {  	[dreg:$0x2] =	wrdreg s18  }
0xc0: {  	[dreg:$0x3] =	wrdreg s4  }
0xc1: {  	[dreg:$0x4] =	wrdreg s5  }
0xc2: {  	[dreg:$0x5] =	wrdreg s24  }
0xc3: {  	[dreg:$0x6] =	wrdreg $0xA  }
0xc4: {  	_ =	task.clear_ibuf [dreg:s22], $0x7FFFF;
	_ =	strace $0x90000049  }
0xc5: {  	s29 =	simm.s32 $0xA;
	_ =	strace $0x8000004B  }
0xc6: {  	_ =	swait.ge [sflag:s29], $0x1  }
0xc7: {  	[sflag:s29] =	ssyncadd.s32 $0xFFFFFFFF  }
0xc8: {  	_ =	strace $0x9000004B  }
0xc9: {  	_ =	sfence  }
0xca: {  	s30 =	sld [smem:$0x0];
	_ =	sdelay $0x2  }
0xcb: {  	s31 =	sshll.u32 s1, $0xD;
	s1 =	sshrl.u32 s1, $0x2  }
0xcc: {  	s4 =	sand.u32 $0x4000, s31;
	s1 =	sadd.s32 s1, s30  }
0xcd: {  	s0 =	sor.u32 s4, s0;
	s1 =	sshll.u32 s1, $0x11  }
0xce: {  	s0 =	sor.u32 s1, s0  }
0xcf: {  	s0 =	sadd.s32 $0x8F2B, s0  }
0xd0: {  	[sflag:s0] =	ssyncadd.remote.s32 $0x1  }
0xd1: {  	_ =	sfence.sel $0xFFFF  }
0xd2: {  	[dreg:$0x0] =	wrdreg $0xFFFFFFFF;
	(pc) =	sbr.abs _section_cstart, $3  }
0xd3: {  	[dreg:$0x1] =	wrdreg $0xFFFFFFFF  }
0xd4: {  	_ =	task.clear_ibuf [dreg:s22], $0x2FFFF;
	_ =	strace $0x9FFFFFFF  }
0xd5: {  	(tm) =	ssettm $0x7FFFFFFF  }
tec
execute0_lowered:
.L_overlay_start_1:
0x0: {  	(tag) =	ssettag $0x1  }
0x1: {  	s1 =	rddreg [dreg:$0x0]  }
0x2: {  	s2 =	rddreg [dreg:$0x1]  }
0x3: {  	s3 =	srdreg.scid;
	s5 =	rddreg [dreg:$0x2]  }
0x4: {  	s0 =	stileid.u32;
	s7 =	rddreg [dreg:$0x3]  }
0x5: {  	s18 =	simm.s32 $0x100;
	s19 =	simm.s32 $0x58;
	s21 =	simm.s32 $0x180  }
0x6: {  	s22 =	simm.s32 $0xA00;
	s23 =	simm.s32 $0x1200;
	s24 =	simm.s32 $0x1A00  }
0x7: {  	s25 =	simm.s32 $0x2200;
	s3 =	sand.u32 $0x1, s3;
	s4 =	sshll.u32 s0, $0x1  }
0x8: {  	s26 =	simm.s32 $0x2A00;
	s6 =	sor.u32 s3, s4;
	s4 =	simm.s32 $0x0  }
0x9: {  	s9 =	simm.s32 $0x200;
	s12 =	simm.s32 $0x4200;
	[smem:$0x7FF] =	sst s4  }
0xa: {  	s13 =	simm.s32 $0x4A00;
	_ =	strace $0x8000004A;
	[dreg:$0x7] =	wrdreg s18  }
0xb: {  	s14 =	simm.s32 $0x5200;
	s15 =	simm.s32 $0x5A00;
	[dreg:$0x8] =	wrdreg s19  }
0xc: {  	s16 =	simm.s32 $0x6200;
	s28 =	simm.s32 $0xBA00;
	[dreg:$0x9] =	wrdreg s21  }
0xd: {  	s29 =	simm.s32 $0xC200;
	s30 =	simm.s32 $0xCA00;
	[dreg:$0xa] =	wrdreg s22  }
0xe: {  	s31 =	simm.s32 $0xD200;
	s3 =	ssub.s32 $0x2, s3;
	[dreg:$0xb] =	wrdreg s23  }
0xf: {  	s8 =	smul.u32 $0x1B00, s6;
	s20 =	sshrl.u32 s3, $0x1;
	[dreg:$0xc] =	wrdreg s24  }
0x10: {  	s6 =	smul.u32 $0x1B, s6;
	s3 =	ssub.s32 s3, s20;
	[dreg:$0xd] =	wrdreg s25  }
0x11: {  	[dreg:$0xe] =	wrdreg s26;
	s18 =	simm.s32 $0x7200;
	s19 =	simm.s32 $0x7A00  }
0x12: {  	s20 =	simm.s32 $0x8200;
	s21 =	simm.s32 $0x8A00;
	s22 =	simm.s32 $0x9200  }
0x13: {  	s23 =	simm.s32 $0x9A00;
	s24 =	simm.s32 $0xA200;
	s25 =	simm.s32 $0xAA00  }
0x14: {  	s26 =	simm.s32 $0xB200;
	s7 =	sadd.s32 s8, s7;
	s5 =	sadd.s32 s5, s6  }
0x15: {  	v2 =	vlaneseq.u32;
	s6 =	simm.s32 $0x3;
	s8 =	simm.s32 $0x1;
	[dreg:$0x5] =	wrdreg s5  }
0x16: {  	vm0 =	vmmov $0xffff;
	v1 =	vshrl.u32 v2, $0x3;
	s17 =	sadd.s32 $0x37200, s7;
	s5 =	smax.u32 s3, $0x1;
	s7 =	simm.s32 $0x80  }
0x17: {  	v0 =	vand.u32 $0x7, v2;
	v2 =	vor.u32 $0x8, v2;
	v1 =	vmul.u32 $0x8, v1;
	s3 =	simm.s32 $0x2;
	[dreg:$0x6] =	wrdreg s17;
	s17 =	simm.s32 $0x6A00  }
.LBB2_1:
0x18: {  	s0 =	rddreg [dreg:$0x5]  }
0x19: {  	[tilespmem:s4], [sflag:$0x3] =	stream.linear.gather [hbm4b:s0+s4], $0xD8, $0x38;
	[tilespmem:$0xDA00] =	vst v63  }
0x1a: {  	_ =	swait.ge [sflag:s6], $0xD8  }
0x1b: {  	s0 =	rddreg [dreg:$0x7];
	[sflag:s6] =	ssyncset.done $0x0  }
0x1c: {  	s10 =	rddreg [dreg:$0x8];
	[sflag:s6] =	ssyncadd.s32 $0xFFFFFF28  }
0x1d: {  	[tilespmem:s0], [sflag:$0x1] =	stream.indirect.gather [hbm4b:s2+s7], $0x1, s4, s7, $0xb8;
	[tilespmem:$0xDA00] =	vst v63  }
0x1e: {  	s11 =	rddreg [dreg:$0x9]  }
0x1f: {  	[tilespmem:s11], [sflag:$0x1] =	stream.indirect.gather [hbm4b:s2+s10], $0x1, s7, s10, $0xb8;
	[tilespmem:$0xDA00] =	vst v63  }
0x20: {  	_ =	swait.ge [sflag:s8], $0x80  }
0x21: {  	[sflag:s8] =	ssyncset.done $0x0  }
0x22: {  	[sflag:s8] =	ssyncadd.s32 $0xFFFFFF80  }
0x23: {  	v3 =	vld [tilespmem:$0x100];
	_ =	sdelay $0x4  }
0x24: {  	v4 =	vshll.u32 v3, $0x1  }
0x25: {  	v3 =	vand.u32 $0x7, v3;
	v4 =	vand.u32 $0xFFFFFFF0, v4  }
0x26: {  	v3 =	vor.u32 v3, v4  }
0x27: {  	v4 =	vperm.xlane v3, v0;
	_ =	sdelay $0x1  }
0x28: {  	v3 =	vperm.xlane v3, v2;
	v4 =	vadd.s32 v1, v4;
	_ =	sdelay $0x1  }
0x29: {  	v3 =	vadd.s32 v1, v3;
	_ =	sdelay $0x2  }
0x2a: {  	[tilespmem:s9], [sflag:$0x2] =	stream.indirect_vreg.gather [hbm4b:s1+s4], $0x80, v4, vm0, $0xb8;
	[tilespmem:$0xDA00] =	vst v63  }
0x2b: {  	s11 =	rddreg [dreg:$0xa]  }
0x2c: {  	[tilespmem:s11], [sflag:$0x2] =	stream.indirect_vreg.gather [hbm4b:s1+s4], $0x80, v3, vm0, $0xb8;
	[tilespmem:$0xDA00] =	vst v63  }
0x2d: {  	v3 =	vld [tilespmem:$0x110];
	_ =	sdelay $0x4  }
0x2e: {  	v51 =	vshll.u32 v3, $0x1  }
0x2f: {  	v3 =	vand.u32 $0x7, v3;
	v4 =	vand.u32 $0xFFFFFFF0, v51  }
0x30: {  	v3 =	vor.u32 v3, v4  }
0x31: {  	v4 =	vperm.xlane v3, v0;
	_ =	sdelay $0x1  }
0x32: {  	v3 =	vperm.xlane v3, v2;
	v4 =	vadd.s32 v1, v4;
	_ =	sdelay $0x1  }
0x33: {  	v3 =	vadd.s32 v1, v3;
	_ =	sdelay $0x1  }
0x34: {  	s10 =	rddreg [dreg:$0xb]  }
0x35: {  	[tilespmem:s10], [sflag:$0x2] =	stream.indirect_vreg.gather [hbm4b:s1+s4], $0x80, v4, vm0, $0xb8;
	[tilespmem:$0xDA00] =	vst v63  }
0x36: {  	s11 =	rddreg [dreg:$0xc]  }
0x37: {  	[tilespmem:s11], [sflag:$0x2] =	stream.indirect_vreg.gather [hbm4b:s1+s4], $0x80, v3, vm0, $0xb8;
	[tilespmem:$0xDA00] =	vst v63  }
0x38: {  	v3 =	vld [tilespmem:$0x120];
	_ =	sdelay $0x4  }
0x39: {  	v52 =	vshll.u32 v3, $0x1  }
0x3a: {  	v3 =	vand.u32 $0x7, v3;
	v4 =	vand.u32 $0xFFFFFFF0, v52  }
0x3b: {  	v3 =	vor.u32 v3, v4  }
0x3c: {  	v4 =	vperm.xlane v3, v0;
	_ =	sdelay $0x1  }
0x3d: {  	v3 =	vperm.xlane v3, v2;
	v4 =	vadd.s32 v1, v4;
	_ =	sdelay $0x1  }
0x3e: {  	v3 =	vadd.s32 v1, v3;
	_ =	sdelay $0x1  }
0x3f: {  	s10 =	rddreg [dreg:$0xd]  }
0x40: {  	[tilespmem:s10], [sflag:$0x2] =	stream.indirect_vreg.gather [hbm4b:s1+s4], $0x80, v4, vm0, $0xb8;
	[tilespmem:$0xDA00] =	vst v63  }
0x41: {  	s11 =	rddreg [dreg:$0xe]  }
0x42: {  	[tilespmem:s11], [sflag:$0x2] =	stream.indirect_vreg.gather [hbm4b:s1+s4], $0x80, v3, vm0, $0xb8;
	[tilespmem:$0xDA00] =	vst v63  }
0x43: {  	v3 =	vld [tilespmem:$0x130];
	_ =	sdelay $0x4  }
0x44: {  	v53 =	vshll.u32 v3, $0x1  }
0x45: {  	v3 =	vand.u32 $0x7, v3;
	v4 =	vand.u32 $0xFFFFFFF0, v53  }
0x46: {  	v3 =	vor.u32 v3, v4  }
0x47: {  	v4 =	vperm.xlane v3, v0;
	_ =	sdelay $0x1  }
0x48: {  	v3 =	vperm.xlane v3, v2;
	v4 =	vadd.s32 v1, v4;
	_ =	sdelay $0x1  }
0x49: {  	v3 =	vadd.s32 v1, v3;
	_ =	sdelay $0x1  }
0x4a: {  	s11 =	simm.s32 $0x3200  }
0x4b: {  	[tilespmem:s11], [sflag:$0x2] =	stream.indirect_vreg.gather [hbm4b:s1+s4], $0x80, v4, vm0, $0xb8;
	[tilespmem:$0xDA00] =	vst v63  }
0x4c: {  	s10 =	simm.s32 $0x3A00  }
0x4d: {  	[tilespmem:s10], [sflag:$0x2] =	stream.indirect_vreg.gather [hbm4b:s1+s4], $0x80, v3, vm0, $0xb8;
	[tilespmem:$0xDA00] =	vst v63  }
0x4e: {  	v3 =	vld [tilespmem:$0x140];
	_ =	sdelay $0x4  }
0x4f: {  	v54 =	vshll.u32 v3, $0x1  }
0x50: {  	v3 =	vand.u32 $0x7, v3;
	v4 =	vand.u32 $0xFFFFFFF0, v54  }
0x51: {  	v3 =	vor.u32 v3, v4  }
0x52: {  	v4 =	vperm.xlane v3, v0;
	_ =	sdelay $0x1  }
0x53: {  	v3 =	vperm.xlane v3, v2;
	v4 =	vadd.s32 v1, v4;
	_ =	sdelay $0x1  }
0x54: {  	v3 =	vadd.s32 v1, v3;
	_ =	sdelay $0x2  }
0x55: {  	[tilespmem:s12], [sflag:$0x2] =	stream.indirect_vreg.gather [hbm4b:s1+s4], $0x80, v4, vm0, $0xb8;
	[tilespmem:$0xDA00] =	vst v63  }
0x56: {  	_ = 	snop  }
0x57: {  	[tilespmem:s13], [sflag:$0x2] =	stream.indirect_vreg.gather [hbm4b:s1+s4], $0x80, v3, vm0, $0xb8;
	[tilespmem:$0xDA00] =	vst v63  }
0x58: {  	v3 =	vld [tilespmem:$0x150];
	_ =	sdelay $0x4  }
0x59: {  	v55 =	vshll.u32 v3, $0x1  }
0x5a: {  	v3 =	vand.u32 $0x7, v3;
	v4 =	vand.u32 $0xFFFFFFF0, v55  }
0x5b: {  	v3 =	vor.u32 v3, v4  }
0x5c: {  	v4 =	vperm.xlane v3, v0;
	_ =	sdelay $0x1  }
0x5d: {  	v3 =	vperm.xlane v3, v2;
	v4 =	vadd.s32 v1, v4;
	_ =	sdelay $0x1  }
0x5e: {  	v3 =	vadd.s32 v1, v3;
	_ =	sdelay $0x2  }
0x5f: {  	[tilespmem:s14], [sflag:$0x2] =	stream.indirect_vreg.gather [hbm4b:s1+s4], $0x80, v4, vm0, $0xb8;
	[tilespmem:$0xDA00] =	vst v63  }
0x60: {  	_ = 	snop  }
0x61: {  	[tilespmem:s15], [sflag:$0x2] =	stream.indirect_vreg.gather [hbm4b:s1+s4], $0x80, v3, vm0, $0xb8;
	[tilespmem:$0xDA00] =	vst v63  }
0x62: {  	v3 =	vld [tilespmem:$0x160];
	_ =	sdelay $0x4  }
0x63: {  	v56 =	vshll.u32 v3, $0x1  }
0x64: {  	v3 =	vand.u32 $0x7, v3;
	v4 =	vand.u32 $0xFFFFFFF0, v56  }
0x65: {  	v3 =	vor.u32 v3, v4  }
0x66: {  	v4 =	vperm.xlane v3, v0;
	_ =	sdelay $0x1  }
0x67: {  	v3 =	vperm.xlane v3, v2;
	v4 =	vadd.s32 v1, v4;
	_ =	sdelay $0x1  }
0x68: {  	v3 =	vadd.s32 v1, v3;
	_ =	sdelay $0x2  }
0x69: {  	[tilespmem:s16], [sflag:$0x2] =	stream.indirect_vreg.gather [hbm4b:s1+s4], $0x80, v4, vm0, $0xb8;
	[tilespmem:$0xDA00] =	vst v63  }
0x6a: {  	_ = 	snop  }
0x6b: {  	[tilespmem:s17], [sflag:$0x2] =	stream.indirect_vreg.gather [hbm4b:s1+s4], $0x80, v3, vm0, $0xb8;
	[tilespmem:$0xDA00] =	vst v63  }
0x6c: {  	v3 =	vld [tilespmem:$0x170];
	_ =	sdelay $0x4  }
0x6d: {  	v57 =	vshll.u32 v3, $0x1  }
0x6e: {  	v3 =	vand.u32 $0x7, v3;
	v4 =	vand.u32 $0xFFFFFFF0, v57  }
0x6f: {  	v3 =	vor.u32 v3, v4  }
0x70: {  	v4 =	vperm.xlane v3, v0;
	_ =	sdelay $0x1  }
0x71: {  	v3 =	vperm.xlane v3, v2;
	v4 =	vadd.s32 v1, v4;
	_ =	sdelay $0x1  }
0x72: {  	v3 =	vadd.s32 v1, v3;
	_ =	sdelay $0x2  }
0x73: {  	[tilespmem:s18], [sflag:$0x2] =	stream.indirect_vreg.gather [hbm4b:s1+s4], $0x80, v4, vm0, $0xb8;
	[tilespmem:$0xDA00] =	vst v63  }
0x74: {  	_ = 	snop  }
0x75: {  	[tilespmem:s19], [sflag:$0x2] =	stream.indirect_vreg.gather [hbm4b:s1+s4], $0x80, v3, vm0, $0xb8;
	[tilespmem:$0xDA00] =	vst v63  }
0x76: {  	_ =	swait.ge [sflag:s8], $0x58  }
0x77: {  	[sflag:s8] =	ssyncset.done $0x0  }
0x78: {  	[sflag:s8] =	ssyncadd.s32 $0xFFFFFFA8  }
0x79: {  	v3 =	vld [tilespmem:$0x180];
	_ =	sdelay $0x4  }
0x7a: {  	v58 =	vshll.u32 v3, $0x1  }
0x7b: {  	v3 =	vand.u32 $0x7, v3;
	v4 =	vand.u32 $0xFFFFFFF0, v58  }
0x7c: {  	v3 =	vor.u32 v3, v4  }
0x7d: {  	v4 =	vperm.xlane v3, v0;
	_ =	sdelay $0x1  }
0x7e: {  	v3 =	vperm.xlane v3, v2;
	v4 =	vadd.s32 v1, v4;
	_ =	sdelay $0x1  }
0x7f: {  	v3 =	vadd.s32 v1, v3;
	_ =	sdelay $0x2  }
0x80: {  	[tilespmem:s20], [sflag:$0x2] =	stream.indirect_vreg.gather [hbm4b:s1+s4], $0x80, v4, vm0, $0xb8;
	[tilespmem:$0xDA00] =	vst v63  }
0x81: {  	_ = 	snop  }
0x82: {  	[tilespmem:s21], [sflag:$0x2] =	stream.indirect_vreg.gather [hbm4b:s1+s4], $0x80, v3, vm0, $0xb8;
	[tilespmem:$0xDA00] =	vst v63  }
0x83: {  	v3 =	vld [tilespmem:$0x190];
	_ =	sdelay $0x4  }
0x84: {  	v59 =	vshll.u32 v3, $0x1  }
0x85: {  	v3 =	vand.u32 $0x7, v3;
	v4 =	vand.u32 $0xFFFFFFF0, v59  }
0x86: {  	v3 =	vor.u32 v3, v4  }
0x87: {  	v4 =	vperm.xlane v3, v0;
	_ =	sdelay $0x1  }
0x88: {  	v3 =	vperm.xlane v3, v2;
	v4 =	vadd.s32 v1, v4;
	_ =	sdelay $0x1  }
0x89: {  	v3 =	vadd.s32 v1, v3;
	_ =	sdelay $0x2  }
0x8a: {  	[tilespmem:s22], [sflag:$0x2] =	stream.indirect_vreg.gather [hbm4b:s1+s4], $0x80, v4, vm0, $0xb8;
	[tilespmem:$0xDA00] =	vst v63  }
0x8b: {  	_ = 	snop  }
0x8c: {  	[tilespmem:s23], [sflag:$0x2] =	stream.indirect_vreg.gather [hbm4b:s1+s4], $0x80, v3, vm0, $0xb8;
	[tilespmem:$0xDA00] =	vst v63  }
0x8d: {  	v3 =	vld [tilespmem:$0x1A0];
	_ =	sdelay $0x4  }
0x8e: {  	v60 =	vshll.u32 v3, $0x1  }
0x8f: {  	v3 =	vand.u32 $0x7, v3;
	v4 =	vand.u32 $0xFFFFFFF0, v60  }
0x90: {  	v3 =	vor.u32 v3, v4  }
0x91: {  	v4 =	vperm.xlane v3, v0;
	_ =	sdelay $0x1  }
0x92: {  	v3 =	vperm.xlane v3, v2;
	v4 =	vadd.s32 v1, v4;
	_ =	sdelay $0x1  }
0x93: {  	v3 =	vadd.s32 v1, v3;
	_ =	sdelay $0x2  }
0x94: {  	[tilespmem:s24], [sflag:$0x2] =	stream.indirect_vreg.gather [hbm4b:s1+s4], $0x80, v4, vm0, $0xb8;
	[tilespmem:$0xDA00] =	vst v63  }
0x95: {  	_ = 	snop  }
0x96: {  	[tilespmem:s25], [sflag:$0x2] =	stream.indirect_vreg.gather [hbm4b:s1+s4], $0x80, v3, vm0, $0xb8;
	[tilespmem:$0xDA00] =	vst v63  }
0x97: {  	v3 =	vld [tilespmem:$0x1B0];
	_ =	sdelay $0x4  }
0x98: {  	v61 =	vshll.u32 v3, $0x1  }
0x99: {  	v3 =	vand.u32 $0x7, v3;
	v4 =	vand.u32 $0xFFFFFFF0, v61  }
0x9a: {  	v3 =	vor.u32 v3, v4  }
0x9b: {  	v4 =	vperm.xlane v3, v0;
	_ =	sdelay $0x1  }
0x9c: {  	v3 =	vperm.xlane v3, v2;
	v4 =	vadd.s32 v1, v4;
	_ =	sdelay $0x1  }
0x9d: {  	v3 =	vadd.s32 v1, v3;
	_ =	sdelay $0x2  }
0x9e: {  	[tilespmem:s26], [sflag:$0x2] =	stream.indirect_vreg.gather [hbm4b:s1+s4], $0x80, v4, vm0, $0xb8;
	[tilespmem:$0xDA00] =	vst v63  }
0x9f: {  	_ = 	snop  }
0xa0: {  	[tilespmem:s28], [sflag:$0x2] =	stream.indirect_vreg.gather [hbm4b:s1+s4], $0x80, v3, vm0, $0xb8;
	[tilespmem:$0xDA00] =	vst v63  }
0xa1: {  	v3 =	vld [tilespmem:$0x1C0];
	_ =	sdelay $0x4  }
0xa2: {  	v62 =	vshll.u32 v3, $0x1  }
0xa3: {  	v3 =	vand.u32 $0x7, v3;
	v4 =	vand.u32 $0xFFFFFFF0, v62  }
0xa4: {  	v3 =	vor.u32 v3, v4  }
0xa5: {  	v4 =	vperm.xlane v3, v0;
	_ =	sdelay $0x1  }
0xa6: {  	v3 =	vperm.xlane v3, v2;
	v4 =	vadd.s32 v1, v4;
	_ =	sdelay $0x1  }
0xa7: {  	v3 =	vadd.s32 v1, v3;
	_ =	sdelay $0x2  }
0xa8: {  	[tilespmem:s29], [sflag:$0x2] =	stream.indirect_vreg.gather [hbm4b:s1+s4], $0x80, v4, vm0, $0xb8;
	[tilespmem:$0xDA00] =	vst v63  }
0xa9: {  	_ = 	snop  }
0xaa: {  	[tilespmem:s30], [sflag:$0x2] =	stream.indirect_vreg.gather [hbm4b:s1+s4], $0x80, v3, vm0, $0xb8;
	[tilespmem:$0xDA00] =	vst v63  }
0xab: {  	v3 =	vld.msk [tilespmem:$0x1D0], $0xff;
	_ =	sdelay $0x4  }
0xac: {  	v63 =	vshll.u32 v3, $0x1  }
0xad: {  	v3 =	vand.u32 $0x7, v3;
	v4 =	vand.u32 $0xFFFFFFF0, v63  }
0xae: {  	v3 =	vor.u32 v3, v4  }
0xaf: {  	v3 =	vperm.xlane v3, v0;
	_ =	sdelay $0x1  }
0xb0: {  	v3 =	vadd.s32 v1, v3;
	_ =	sdelay $0x4  }
0xb1: {  	[tilespmem:s31], [sflag:$0x2] =	stream.indirect_vreg.gather [hbm4b:s1+s4], $0x80, v3, vm0, $0xb8;
	[tilespmem:$0xDA00] =	vst v63  }
0xb2: {  	_ =	swait.ge [sflag:s3], $0x8000  }
0xb3: {  	[sflag:s3] =	ssyncset.done $0x0  }
0xb4: {  	[sflag:s3] =	ssyncadd.s32 $0xFFFF8000  }
0xb5: {  	_ =	swait.ge [sflag:s3], $0x5800  }
0xb6: {  	p0 =	sne.s32 s5, $0x1;
	[sflag:s3] =	ssyncset.done $0x0  }
.Ltmp0:
0xb7: {  	s11 =	rddreg [dreg:$0x6];
	[sflag:s3] =	ssyncadd.s32 $0xFFFFA800;
	(pc) =	sbr.rel @p0 .LBB2_1-.Ltmp0, $4  }
0xb8: {  	[hbm4b:s11+s4] =	stream.linear.scatter [tilespmem:s9], [sflag:$0x3], $0xD800, $0x38;
	[tilespmem:$0xDA00] =	vst v63  }
0xb9: {  	_ =	swait.ge [sflag:s6], $0xD800  }
0xba: {  	[sflag:s6] =	ssyncset.done $0x0  }
0xbb: {  	s5 =	sadd.s32 $0xFFFFFFFF, s5;
	[sflag:s6] =	ssyncadd.s32 $0xFFFF2800  }
0xbc: {  	_ =	sfence.sel $0x180000  }
0xbd: {  	[bflag:$0x0] =	sbarrier.arrive $0xFFFF  }
0xbe: {  	_ =	strace $0x9000004A  }
0xbf: {  	s0 =	stileid.u32;
	[bflag:$0x2] =	sbarrier.arrive $0xFFFF  }
0xc0: {  	p0 =	sne.s32 s0, $0x0;
	s0 =	rddreg [dreg:$0x4]  }
0xc1: {  	s0 =	sadd.s32 @!p0 $0x100000, s0  }
0xc2: {  	[sflag:s0] =	ssyncadd.tile.s32 @!p0 $0x1;
	_ =	shalt  }
.Lfunc_end2:
_tile_overlayer_lowered:
.L_overlay_start_2:
0xc3: {  	(tag) =	ssettag $0x2  }
0xc4: {  	s0 =	rddreg [dreg:$0x0];
	s2 =	stileid.u32  }
0xc5: {  	s1 =	rddreg [dreg:$0x1];
	p0 =	sne.s32 s2, $0x0  }
0xc6: {  	s3 =	rddreg [dreg:$0x2];
	[bflag:$0x3] =	sbarrier.arrive $0xFFFF;
	s2 =	simm.s32 @!p0 $0x1C03  }
0xc7: {  	[timem:s3], [sflag:s2] =	dma.local @!p0 [hbm:s0], s1  }
0xc8: {  	s0 =	simm.s32 @!p0 $0x3  }
0xc9: {  	_ =	swait.ge @!p0 [sflag:s0], s1  }
0xca: {  	s1 =	ssub.s32 @!p0 $0x0, s1;
	[sflag:s0] =	ssyncset.done @!p0 $0x0  }
0xcb: {  	[sflag:s0] =	ssyncadd.s32 @!p0 s1  }
0xcc: {  	[bflag:$0x3] =	sbarrier.arrive $0xFFFF  }
0xcd: {  	_ =	shalt  }

</sc_bundles>
